<compile_context>
chip_gen: v7x
topology: tpu7x:2x2x1
jax: 0.10.2.dev20260603
libtpu: 0.0.44.dev20260713+nightly
codegen_flags: <defaults>
</compile_context>

<pallas_src>
import functools

import jax
import jax.numpy as jnp
from jax import lax
from jax.experimental import pallas as pl
from jax.experimental.pallas import tpu as pltpu
from jax.experimental.pallas import tpu_sc as plsc

N_ATOMS = 100000
D_FEAT = 128
MID = 32
OUT_DIM = 3
N_FRAG = 200000

NC = 2
NS = 16
NW = NC * NS
C = 320
PAD_TOTAL = -(-N_FRAG // (NW * C * 2)) * (NW * C * 2)
W_PER = PAD_TOTAL // NW
NCH = W_PER // C

ROW_BLK = 2000

_GDN = lax.GatherDimensionNumbers(
    offset_dims=(), collapsed_slice_dims=(0,), start_index_map=(0,))


def _lane_pick(vec, idx16):
    return lax.gather(vec, idx16[:, None], _GDN, (1,),
                      mode=lax.GatherScatterMode.PROMISE_IN_BOUNDS)


def _rnd_bf16_bits(x):
    b = lax.bitcast_convert_type(x, jnp.int32)
    return b + jnp.int32(0x7FFF) + ((b >> 16) & jnp.int32(1))


def _project_body(x_ref, wu_ref, wb_ref, bu_ref, bb_ref, u_ref, tb_ref):
    xb = x_ref[...]
    u = (jnp.dot(xb, wu_ref[...], preferred_element_type=jnp.float32,
                 precision=lax.Precision.DEFAULT) + bu_ref[...])
    tb = (jnp.dot(xb, wb_ref[...], preferred_element_type=jnp.float32,
                  precision=lax.Precision.DEFAULT) + bb_ref[...])
    hi_mask = jnp.int32(-65536)
    ta_b = _rnd_bf16_bits(u[:, :MID])
    tc_b = _rnd_bf16_bits(u[:, MID:])
    u_ref[...] = ((ta_b >> 16) & jnp.int32(0xFFFF)) | (tc_b & hi_mask)
    tbl_b = _rnd_bf16_bits(tb[:, :16])
    tbh_b = _rnd_bf16_bits(tb[:, 16:])
    tb_ref[...] = ((tbl_b >> 16) & jnp.int32(0xFFFF)) | (tbh_b & hi_mask)


def _project(x, wu, wb, bu, bb):
    n = x.shape[0]
    grid = n // ROW_BLK
    return pl.pallas_call(
        _project_body,
        grid=(grid,),
        in_specs=[
            pl.BlockSpec((ROW_BLK, D_FEAT), lambda i: (i, 0)),
            pl.BlockSpec((D_FEAT, 2 * MID), lambda i: (0, 0)),
            pl.BlockSpec((D_FEAT, MID), lambda i: (0, 0)),
            pl.BlockSpec((1, 2 * MID), lambda i: (0, 0)),
            pl.BlockSpec((1, MID), lambda i: (0, 0)),
        ],
        out_specs=[
            pl.BlockSpec((ROW_BLK, MID), lambda i: (i, 0)),
            pl.BlockSpec((ROW_BLK, MID // 2), lambda i: (i, 0)),
        ],
        out_shape=[
            jax.ShapeDtypeStruct((n, MID), jnp.int32),
            jax.ShapeDtypeStruct((n, MID // 2), jnp.int32),
        ],
    )(x, wu, wb, bu, bb)


def _sc_readout_body(u_hbm, tb_hbm, fi0, fi1, fi2, woutf, boutp, out_hbm,
                     idx_all, r0_a, r0_b, r2_a, r2_b, rb_a, rb_b,
                     out_a, out_b, wout_v, bout_v, sem0, sem1):
    wid = lax.axis_index("s") * NC + lax.axis_index("c")
    wbase = wid * W_PER
    sems = (sem0, sem1)
    r0s = (r0_a, r0_b)
    r2s = (r2_a, r2_b)
    rbs = (rb_a, rb_b)
    outs = (out_a, out_b)

    pltpu.sync_copy(woutf, wout_v)
    pltpu.sync_copy(boutp, bout_v)

    pltpu.sync_copy(fi0.at[pl.ds(wbase, W_PER)], idx_all.at[0])
    pltpu.sync_copy(fi1.at[pl.ds(wbase, W_PER)], idx_all.at[1])
    pltpu.sync_copy(fi2.at[pl.ds(wbase, W_PER)], idx_all.at[2])

    def stage(c, b):
        off = c * C
        pltpu.async_copy(u_hbm.at[idx_all.at[0, pl.ds(off, C)]],
                         r0s[b], sems[b])
        pltpu.async_copy(tb_hbm.at[idx_all.at[1, pl.ds(off, C)]],
                         rbs[b], sems[b])
        pltpu.async_copy(u_hbm.at[idx_all.at[2, pl.ds(off, C)]],
                         r2s[b], sems[b])

    def wait(c, b):
        off = c * C
        pltpu.make_async_copy(u_hbm.at[idx_all.at[0, pl.ds(off, C)]],
                              r0s[b], sems[b]).wait()
        pltpu.make_async_copy(tb_hbm.at[idx_all.at[1, pl.ds(off, C)]],
                              rbs[b], sems[b]).wait()
        pltpu.make_async_copy(u_hbm.at[idx_all.at[2, pl.ds(off, C)]],
                              r2s[b], sems[b]).wait()

    bv = bout_v[...]
    w_lo = [wout_v[pl.ds(j * MID, 16)] for j in range(OUT_DIM)]
    w_hi = [wout_v[pl.ds(j * MID + 16, 16)] for j in range(OUT_DIM)]
    bj = [_lane_pick(bv, jnp.full((16,), j, jnp.int32)) for j in range(OUT_DIM)]
    lane_last = lax.iota(jnp.int32, 16) == 15

    def compute(c, b):
        r0 = r0s[b]
        r2 = r2s[b]
        rb = rbs[b]
        ov = outs[b]

        @pl.loop(0, C, unroll=8)
        def _(f):
            p0l = r0[f, pl.ds(0, 16)]
            p0h = r0[f, pl.ds(16, 16)]
            p2l = r2[f, pl.ds(0, 16)]
            p2h = r2[f, pl.ds(16, 16)]
            ptb = rb[f, pl.ds(0, 16)]
            u0a = plsc.bitcast(p0l << 16, jnp.float32)
            u0c = plsc.bitcast(p0l, jnp.float32)
            u0b = plsc.bitcast(p0h << 16, jnp.float32)
            u0d = plsc.bitcast(p0h, jnp.float32)
            u2a = plsc.bitcast(p2l << 16, jnp.float32)
            u2c = plsc.bitcast(p2l, jnp.float32)
            u2b = plsc.bitcast(p2h << 16, jnp.float32)
            u2d = plsc.bitcast(p2h, jnp.float32)
            tl = plsc.bitcast(ptb << 16, jnp.float32)
            th = plsc.bitcast(ptb, jnp.float32)
            zero = jnp.float32(0.0)
            p_lo = (jnp.maximum((u0a + u2c) + tl, zero)
                    + jnp.maximum((u2a + u0c) + tl, zero))
            p_hi = (jnp.maximum((u0b + u2d) + th, zero)
                    + jnp.maximum((u2b + u0d) + th, zero))
            for j in range(OUT_DIM):
                t = p_lo * w_lo[j] + p_hi * w_hi[j]
                s = plsc.cumsum(t) + bj[j]
                plsc.store_scatter(ov, [jnp.full((16,), f * OUT_DIM + j,
                                                 jnp.int32)],
                                   s, mask=lane_last)

        pltpu.sync_copy(ov, out_hbm.at[pl.ds((wbase + c * C) * OUT_DIM,
                                             C * OUT_DIM)])

    stage(0, 0)

    @pl.loop(0, NCH // 2)
    def _(i):
        c0 = i * 2
        stage(c0 + 1, 1)
        wait(c0, 0)
        compute(c0, 0)

        @pl.when(i < NCH // 2 - 1)
        def _():
            stage(c0 + 2, 0)

        wait(c0 + 1, 1)
        compute(c0 + 1, 1)


_sc_readout = functools.partial(
    pl.kernel,
    out_type=jax.ShapeDtypeStruct((PAD_TOTAL * OUT_DIM,), jnp.float32),
    mesh=plsc.VectorSubcoreMesh(core_axis_name="c", subcore_axis_name="s",
                                num_cores=NC, num_subcores=NS),
    compiler_params=pltpu.CompilerParams(needs_layout_passes=False,
                                         use_tc_tiling_on_sc=False),
    scratch_types=[
        pltpu.VMEM((3, W_PER), jnp.int32),
        pltpu.VMEM((C, MID), jnp.int32),
        pltpu.VMEM((C, MID), jnp.int32),
        pltpu.VMEM((C, MID), jnp.int32),
        pltpu.VMEM((C, MID), jnp.int32),
        pltpu.VMEM((C, MID // 2), jnp.int32),
        pltpu.VMEM((C, MID // 2), jnp.int32),
        pltpu.VMEM((C * OUT_DIM,), jnp.float32),
        pltpu.VMEM((C * OUT_DIM,), jnp.float32),
        pltpu.VMEM((OUT_DIM * MID,), jnp.float32),
        pltpu.VMEM((16,), jnp.float32),
        pltpu.SemaphoreType.DMA,
        pltpu.SemaphoreType.DMA,
    ],
)(_sc_readout_body)


def kernel(x, frag_idx, W1, b1, Wout, bout):
    d = x.shape[1]
    wu = jnp.concatenate([W1[0:d], W1[2 * d:3 * d]], axis=1)
    wb = W1[d:2 * d]
    third = 1.0 / 3.0
    bu = (jnp.concatenate([b1, b1]) * third)[None, :]
    bb = (b1 * third)[None, :]
    u_tab, tb_tab = _project(x, wu, wb, bu, bb)

    fi = jnp.pad(frag_idx, ((0, 0), (0, PAD_TOTAL - frag_idx.shape[1])))
    woutf = Wout.T.reshape(-1)
    boutp = jnp.pad(bout, (0, 16 - bout.shape[0]))
    out = _sc_readout(u_tab, tb_tab, fi[0], fi[1], fi[2], woutf, boutp)
    return out.reshape(PAD_TOTAL, OUT_DIM)[:frag_idx.shape[1]]

# --- scband reference (transcript-rebuilt; emitter-appended) ---
"""Pipeline reference for scband-janossy-readout-30502857736352 (READ-ONLY COPY).

The authoritative reference and input builder live on the scoring server;
editing this copy changes nothing except your own understanding.
"""

import jax, jax.numpy as jnp
import numpy as np

# Faithful re-implementation of espaloma-style JanossyReadout for fragment_size=3.
# The DGL heterograph is flattened into plain tensors:
#   x        : atom node features 'h'            float32[N_atoms, d]
#   frag_idx : frag_idx[r, f] = atom index at position r of fragment f  int32[3, N_frag]
# multi_update_all with copy_src + mean: each fragment has exactly one incoming
# edge per relationship r, so mean reduces to a gather: h_r = x[frag_idx[r]].
# apply_nodes then computes, for feature 'eq':
#   f_out( seq(cat[h0,h1,h2]) + seq(cat[h2,h1,h0]) )     (pool = torch.add)
# where seq is _Sequential(in_features=3*d, config=[32,'relu']) i.e. Linear(384->32)+ReLU,
# and f_out is Linear(32 -> 3).

N_ATOMS = 100000
N_FRAG = 200000
D_FEAT = 128
MID = 32
OUT_DIM = 3


def setup_inputs(seed: int = 0) -> dict:
    key = jax.random.key(seed)
    ks = jax.random.split(key, 6)
    x = jax.random.normal(ks[0], (N_ATOMS, D_FEAT), dtype=jnp.float32)
    frag_idx = jax.random.randint(ks[1], (3, N_FRAG), 0, N_ATOMS, dtype=jnp.int32)
    # sequential_3 parameters: Linear(3*d -> MID), then ReLU
    W1 = jax.random.normal(ks[2], (3 * D_FEAT, MID), dtype=jnp.float32) * (1.0 / np.sqrt(3 * D_FEAT))
    b1 = jnp.zeros((MID,), dtype=jnp.float32)
    # f_out_3_to_eq parameters: Linear(MID -> OUT_DIM)
    Wout = jax.random.normal(ks[3], (MID, OUT_DIM), dtype=jnp.float32) * (1.0 / np.sqrt(MID))
    bout = jnp.zeros((OUT_DIM,), dtype=jnp.float32)
    return {"x": x, "frag_idx": frag_idx, "W1": W1, "b1": b1, "Wout": Wout, "bout": bout}


def reference(x, frag_idx, W1, b1, Wout, bout):
    # message passing: copy_src 'h' + mean over the single edge per position
    h0 = jnp.take(x, frag_idx[0], axis=0)
    h1 = jnp.take(x, frag_idx[1], axis=0)
    h2 = jnp.take(x, frag_idx[2], axis=0)

    def seq(z):
        return jax.nn.relu(z @ W1 + b1)

    fwd = jnp.concatenate([h0, h1, h2], axis=1)
    bwd = jnp.concatenate([h2, h1, h0], axis=1)
    pooled = seq(fwd) + seq(bwd)  # pool = torch.add
    eq = pooled @ Wout + bout
    return eq


if False:  # reference __main__ guard neutralized (emitter)
    inp = setup_inputs()
    out = reference(**inp)
    print(out.shape, out.dtype)

if __name__ == "__main__":
    import jax
    _d = setup_inputs()
    print(jax.jit(kernel)(*tuple(_d.values())))

</pallas_src>

<mosaic_0001>
#map = affine_map<(d0, d1) -> (0, 0)>
#map1 = affine_map<(d0, d1) -> (0)>
module attributes {stable_mosaic.version = 14 : i64} {
  func.func @_sc_readout_body(%arg0: i32, %arg1: i32, %arg2: memref<100000x32xi32, #tpu.memory_space<hbm>>, %arg3: memref<100000x16xi32, #tpu.memory_space<hbm>>, %arg4: memref<204800xi32, #tpu.memory_space<hbm>>, %arg5: memref<204800xi32, #tpu.memory_space<hbm>>, %arg6: memref<204800xi32, #tpu.memory_space<hbm>>, %arg7: memref<96xf32, #tpu.memory_space<hbm>>, %arg8: memref<16xf32, #tpu.memory_space<hbm>>, %arg9: memref<614400xf32, #tpu.memory_space<hbm>>, %arg10: memref<3x6400xi32, #tpu.memory_space<vmem>>, %arg11: memref<320x32xi32, #tpu.memory_space<vmem>>, %arg12: memref<320x32xi32, #tpu.memory_space<vmem>>, %arg13: memref<320x32xi32, #tpu.memory_space<vmem>>, %arg14: memref<320x32xi32, #tpu.memory_space<vmem>>, %arg15: memref<320x16xi32, #tpu.memory_space<vmem>>, %arg16: memref<320x16xi32, #tpu.memory_space<vmem>>, %arg17: memref<960xf32, #tpu.memory_space<vmem>>, %arg18: memref<960xf32, #tpu.memory_space<vmem>>, %arg19: memref<96xf32, #tpu.memory_space<vmem>>, %arg20: memref<16xf32, #tpu.memory_space<vmem>>, %arg21: memref<!tpu.dma_semaphore, #tpu.memory_space<semaphore_mem>>, %arg22: memref<!tpu.dma_semaphore, #tpu.memory_space<semaphore_mem>>) attributes {dimension_semantics = [#tpu.dimension_semantics<core_parallel>, #tpu.dimension_semantics<subcore_parallel>], iteration_bounds = array<i64: 2, 16>, scalar_prefetch = 0 : i64, scratch_operands = 13 : i64, tpu.core_type = #tpu.core_type<sc_vector_subcore>, window_params = [{transform_indices = #map}, {transform_indices = #map}, {transform_indices = #map1}, {transform_indices = #map1}, {transform_indices = #map1}, {transform_indices = #map1}, {transform_indices = #map1}, {transform_indices = #map1}]} {
    %mul3A = arith.constant 2 : i32
    %mul3A_0 = arith.muli %arg1, %mul3A : i32
    %add3A = arith.addi %mul3A_0, %arg0 : i32
    %mul3A_1 = arith.constant 6400 : i32
    %mul3A_2 = arith.muli %add3A, %mul3A_1 : i32
    "tpu.region"() ({
      %run_scoped3A_57 = tpu.sem_alloc : memref<!tpu.dma_semaphore, #tpu.memory_space<semaphore_mem>>
      tpu.enqueue_dma source(%arg7 : memref<96xf32, #tpu.memory_space<hbm>>) target(%arg19 : memref<96xf32, #tpu.memory_space<vmem>>) target_semaphore(%run_scoped3A_57 : memref<!tpu.dma_semaphore, #tpu.memory_space<semaphore_mem>>)
      tpu.wait_dma2 semaphore(%run_scoped3A_57 : memref<!tpu.dma_semaphore, #tpu.memory_space<semaphore_mem>>) src(%arg7 : memref<96xf32, #tpu.memory_space<hbm>>) dst(%arg19 : memref<96xf32, #tpu.memory_space<vmem>>)
      tpu.yield
    }) : () -> ()
    "tpu.region"() ({
      %run_scoped3A_57 = tpu.sem_alloc : memref<!tpu.dma_semaphore, #tpu.memory_space<semaphore_mem>>
      tpu.enqueue_dma source(%arg8 : memref<16xf32, #tpu.memory_space<hbm>>) target(%arg20 : memref<16xf32, #tpu.memory_space<vmem>>) target_semaphore(%run_scoped3A_57 : memref<!tpu.dma_semaphore, #tpu.memory_space<semaphore_mem>>)
      tpu.wait_dma2 semaphore(%run_scoped3A_57 : memref<!tpu.dma_semaphore, #tpu.memory_space<semaphore_mem>>) src(%arg8 : memref<16xf32, #tpu.memory_space<hbm>>) dst(%arg20 : memref<16xf32, #tpu.memory_space<vmem>>)
      tpu.yield
    }) : () -> ()
    %run_scoped3A = arith.constant 0 : i32
    "tpu.region"() ({
      %run_scoped3A_57 = tpu.sem_alloc : memref<!tpu.dma_semaphore, #tpu.memory_space<semaphore_mem>>
      %dma_start3A_58 = arith.constant 0 : i32
      %dma_start3A_59 = tpu.memref_slice %arg10[%run_scoped3A, %dma_start3A_58] : memref<3x6400xi32, #tpu.memory_space<vmem>> -> memref<1x6400xi32, #tpu.memory_space<vmem>>
      %dma_start3A_60 = tpu.memref_squeeze %dma_start3A_59 : memref<1x6400xi32, #tpu.memory_space<vmem>> -> memref<6400xi32, #tpu.memory_space<vmem>>
      %dma_start3A_61 = tpu.memref_slice %arg4[%mul3A_2] : memref<204800xi32, #tpu.memory_space<hbm>> -> memref<6400xi32, #tpu.memory_space<hbm>>
      %dma_start3A_62 = arith.constant 0 : i32
      %dma_start3A_63 = tpu.memref_slice %arg10[%run_scoped3A, %dma_start3A_62] : memref<3x6400xi32, #tpu.memory_space<vmem>> -> memref<1x6400xi32, #tpu.memory_space<vmem>>
      %dma_start3A_64 = tpu.memref_squeeze %dma_start3A_63 : memref<1x6400xi32, #tpu.memory_space<vmem>> -> memref<6400xi32, #tpu.memory_space<vmem>>
      %dma_start3A_65 = tpu.memref_slice %arg4[%mul3A_2] : memref<204800xi32, #tpu.memory_space<hbm>> -> memref<6400xi32, #tpu.memory_space<hbm>>
      tpu.enqueue_dma source(%dma_start3A_65 : memref<6400xi32, #tpu.memory_space<hbm>>) target(%dma_start3A_64 : memref<6400xi32, #tpu.memory_space<vmem>>) target_semaphore(%run_scoped3A_57 : memref<!tpu.dma_semaphore, #tpu.memory_space<semaphore_mem>>)
      %dma_wait3A = arith.constant 0 : i32
      %dma_wait3A_66 = tpu.memref_slice %arg10[%run_scoped3A, %dma_wait3A] : memref<3x6400xi32, #tpu.memory_space<vmem>> -> memref<1x6400xi32, #tpu.memory_space<vmem>>
      %dma_wait3A_67 = tpu.memref_squeeze %dma_wait3A_66 : memref<1x6400xi32, #tpu.memory_space<vmem>> -> memref<6400xi32, #tpu.memory_space<vmem>>
      %dma_wait3A_68 = tpu.memref_slice %arg4[%mul3A_2] : memref<204800xi32, #tpu.memory_space<hbm>> -> memref<6400xi32, #tpu.memory_space<hbm>>
      %dma_wait3A_69 = arith.constant 0 : i32
      %dma_wait3A_70 = tpu.memref_slice %arg10[%run_scoped3A, %dma_wait3A_69] : memref<3x6400xi32, #tpu.memory_space<vmem>> -> memref<1x6400xi32, #tpu.memory_space<vmem>>
      %dma_wait3A_71 = tpu.memref_squeeze %dma_wait3A_70 : memref<1x6400xi32, #tpu.memory_space<vmem>> -> memref<6400xi32, #tpu.memory_space<vmem>>
      %dma_wait3A_72 = tpu.memref_slice %arg4[%mul3A_2] : memref<204800xi32, #tpu.memory_space<hbm>> -> memref<6400xi32, #tpu.memory_space<hbm>>
      tpu.wait_dma2 semaphore(%run_scoped3A_57 : memref<!tpu.dma_semaphore, #tpu.memory_space<semaphore_mem>>) src(%dma_wait3A_72 : memref<6400xi32, #tpu.memory_space<hbm>>) dst(%dma_wait3A_71 : memref<6400xi32, #tpu.memory_space<vmem>>)
      tpu.yield
    }) : () -> ()
    %run_scoped3A_3 = arith.constant 1 : i32
    "tpu.region"() ({
      %run_scoped3A_57 = tpu.sem_alloc : memref<!tpu.dma_semaphore, #tpu.memory_space<semaphore_mem>>
      %dma_start3A_58 = arith.constant 0 : i32
      %dma_start3A_59 = tpu.memref_slice %arg10[%run_scoped3A_3, %dma_start3A_58] : memref<3x6400xi32, #tpu.memory_space<vmem>> -> memref<1x6400xi32, #tpu.memory_space<vmem>>
      %dma_start3A_60 = tpu.memref_squeeze %dma_start3A_59 : memref<1x6400xi32, #tpu.memory_space<vmem>> -> memref<6400xi32, #tpu.memory_space<vmem>>
      %dma_start3A_61 = tpu.memref_slice %arg5[%mul3A_2] : memref<204800xi32, #tpu.memory_space<hbm>> -> memref<6400xi32, #tpu.memory_space<hbm>>
      %dma_start3A_62 = arith.constant 0 : i32
      %dma_start3A_63 = tpu.memref_slice %arg10[%run_scoped3A_3, %dma_start3A_62] : memref<3x6400xi32, #tpu.memory_space<vmem>> -> memref<1x6400xi32, #tpu.memory_space<vmem>>
      %dma_start3A_64 = tpu.memref_squeeze %dma_start3A_63 : memref<1x6400xi32, #tpu.memory_space<vmem>> -> memref<6400xi32, #tpu.memory_space<vmem>>
      %dma_start3A_65 = tpu.memref_slice %arg5[%mul3A_2] : memref<204800xi32, #tpu.memory_space<hbm>> -> memref<6400xi32, #tpu.memory_space<hbm>>
      tpu.enqueue_dma source(%dma_start3A_65 : memref<6400xi32, #tpu.memory_space<hbm>>) target(%dma_start3A_64 : memref<6400xi32, #tpu.memory_space<vmem>>) target_semaphore(%run_scoped3A_57 : memref<!tpu.dma_semaphore, #tpu.memory_space<semaphore_mem>>)
      %dma_wait3A = arith.constant 0 : i32
      %dma_wait3A_66 = tpu.memref_slice %arg10[%run_scoped3A_3, %dma_wait3A] : memref<3x6400xi32, #tpu.memory_space<vmem>> -> memref<1x6400xi32, #tpu.memory_space<vmem>>
      %dma_wait3A_67 = tpu.memref_squeeze %dma_wait3A_66 : memref<1x6400xi32, #tpu.memory_space<vmem>> -> memref<6400xi32, #tpu.memory_space<vmem>>
      %dma_wait3A_68 = tpu.memref_slice %arg5[%mul3A_2] : memref<204800xi32, #tpu.memory_space<hbm>> -> memref<6400xi32, #tpu.memory_space<hbm>>
      %dma_wait3A_69 = arith.constant 0 : i32
      %dma_wait3A_70 = tpu.memref_slice %arg10[%run_scoped3A_3, %dma_wait3A_69] : memref<3x6400xi32, #tpu.memory_space<vmem>> -> memref<1x6400xi32, #tpu.memory_space<vmem>>
      %dma_wait3A_71 = tpu.memref_squeeze %dma_wait3A_70 : memref<1x6400xi32, #tpu.memory_space<vmem>> -> memref<6400xi32, #tpu.memory_space<vmem>>
      %dma_wait3A_72 = tpu.memref_slice %arg5[%mul3A_2] : memref<204800xi32, #tpu.memory_space<hbm>> -> memref<6400xi32, #tpu.memory_space<hbm>>
      tpu.wait_dma2 semaphore(%run_scoped3A_57 : memref<!tpu.dma_semaphore, #tpu.memory_space<semaphore_mem>>) src(%dma_wait3A_72 : memref<6400xi32, #tpu.memory_space<hbm>>) dst(%dma_wait3A_71 : memref<6400xi32, #tpu.memory_space<vmem>>)
      tpu.yield
    }) : () -> ()
    %run_scoped3A_4 = arith.constant 2 : i32
    "tpu.region"() ({
      %run_scoped3A_57 = tpu.sem_alloc : memref<!tpu.dma_semaphore, #tpu.memory_space<semaphore_mem>>
      %dma_start3A_58 = arith.constant 0 : i32
      %dma_start3A_59 = tpu.memref_slice %arg10[%run_scoped3A_4, %dma_start3A_58] : memref<3x6400xi32, #tpu.memory_space<vmem>> -> memref<1x6400xi32, #tpu.memory_space<vmem>>
      %dma_start3A_60 = tpu.memref_squeeze %dma_start3A_59 : memref<1x6400xi32, #tpu.memory_space<vmem>> -> memref<6400xi32, #tpu.memory_space<vmem>>
      %dma_start3A_61 = tpu.memref_slice %arg6[%mul3A_2] : memref<204800xi32, #tpu.memory_space<hbm>> -> memref<6400xi32, #tpu.memory_space<hbm>>
      %dma_start3A_62 = arith.constant 0 : i32
      %dma_start3A_63 = tpu.memref_slice %arg10[%run_scoped3A_4, %dma_start3A_62] : memref<3x6400xi32, #tpu.memory_space<vmem>> -> memref<1x6400xi32, #tpu.memory_space<vmem>>
      %dma_start3A_64 = tpu.memref_squeeze %dma_start3A_63 : memref<1x6400xi32, #tpu.memory_space<vmem>> -> memref<6400xi32, #tpu.memory_space<vmem>>
      %dma_start3A_65 = tpu.memref_slice %arg6[%mul3A_2] : memref<204800xi32, #tpu.memory_space<hbm>> -> memref<6400xi32, #tpu.memory_space<hbm>>
      tpu.enqueue_dma source(%dma_start3A_65 : memref<6400xi32, #tpu.memory_space<hbm>>) target(%dma_start3A_64 : memref<6400xi32, #tpu.memory_space<vmem>>) target_semaphore(%run_scoped3A_57 : memref<!tpu.dma_semaphore, #tpu.memory_space<semaphore_mem>>)
      %dma_wait3A = arith.constant 0 : i32
      %dma_wait3A_66 = tpu.memref_slice %arg10[%run_scoped3A_4, %dma_wait3A] : memref<3x6400xi32, #tpu.memory_space<vmem>> -> memref<1x6400xi32, #tpu.memory_space<vmem>>
      %dma_wait3A_67 = tpu.memref_squeeze %dma_wait3A_66 : memref<1x6400xi32, #tpu.memory_space<vmem>> -> memref<6400xi32, #tpu.memory_space<vmem>>
      %dma_wait3A_68 = tpu.memref_slice %arg6[%mul3A_2] : memref<204800xi32, #tpu.memory_space<hbm>> -> memref<6400xi32, #tpu.memory_space<hbm>>
      %dma_wait3A_69 = arith.constant 0 : i32
      %dma_wait3A_70 = tpu.memref_slice %arg10[%run_scoped3A_4, %dma_wait3A_69] : memref<3x6400xi32, #tpu.memory_space<vmem>> -> memref<1x6400xi32, #tpu.memory_space<vmem>>
      %dma_wait3A_71 = tpu.memref_squeeze %dma_wait3A_70 : memref<1x6400xi32, #tpu.memory_space<vmem>> -> memref<6400xi32, #tpu.memory_space<vmem>>
      %dma_wait3A_72 = tpu.memref_slice %arg6[%mul3A_2] : memref<204800xi32, #tpu.memory_space<hbm>> -> memref<6400xi32, #tpu.memory_space<hbm>>
      tpu.wait_dma2 semaphore(%run_scoped3A_57 : memref<!tpu.dma_semaphore, #tpu.memory_space<semaphore_mem>>) src(%dma_wait3A_72 : memref<6400xi32, #tpu.memory_space<hbm>>) dst(%dma_wait3A_71 : memref<6400xi32, #tpu.memory_space<vmem>>)
      tpu.yield
    }) : () -> ()
    %get3A = arith.constant 0 : index
    %get3A_5 = tpu.vector_load %arg20[%get3A] {strides = array<i32>} : memref<16xf32, #tpu.memory_space<vmem>>, vector<16xf32>,
    %get3A_6 = arith.constant 0 : index
    %get3A_7 = tpu.vector_load %arg19[%get3A_6] {strides = array<i32>} : memref<96xf32, #tpu.memory_space<vmem>>, vector<16xf32>,
    %get3A_8 = arith.constant 32 : index
    %get3A_9 = tpu.vector_load %arg19[%get3A_8] {strides = array<i32>} : memref<96xf32, #tpu.memory_space<vmem>>, vector<16xf32>,
    %get3A_10 = arith.constant 64 : index
    %get3A_11 = tpu.vector_load %arg19[%get3A_10] {strides = array<i32>} : memref<96xf32, #tpu.memory_space<vmem>>, vector<16xf32>,
    %get3A_12 = arith.constant 16 : index
    %get3A_13 = tpu.vector_load %arg19[%get3A_12] {strides = array<i32>} : memref<96xf32, #tpu.memory_space<vmem>>, vector<16xf32>,
    %get3A_14 = arith.constant 48 : index
    %get3A_15 = tpu.vector_load %arg19[%get3A_14] {strides = array<i32>} : memref<96xf32, #tpu.memory_space<vmem>>, vector<16xf32>,
    %get3A_16 = arith.constant 80 : index
    %get3A_17 = tpu.vector_load %arg19[%get3A_16] {strides = array<i32>} : memref<96xf32, #tpu.memory_space<vmem>>, vector<16xf32>,
    %broadcast_in_dim3A = arith.constant 0 : i32
    %broadcast_in_dim3A_18 = vector.broadcast %broadcast_in_dim3A : i32 to vector<16xi32>
    %broadcast_in_dim3A_19 = vector.shape_cast %broadcast_in_dim3A_18 : vector<16xi32> to vector<16x1xi32>
    %gather3A = vector.shape_cast %broadcast_in_dim3A_19 : vector<16x1xi32> to vector<16xi32>
    %gather3A_20 = tpu.dynamic_gather %get3A_5[%gather3A] in [0] : vector<16xf32>, vector<16xi32> -> vector<16xf32>
    %broadcast_in_dim3A_21 = arith.constant 1 : i32
    %broadcast_in_dim3A_22 = vector.broadcast %broadcast_in_dim3A_21 : i32 to vector<16xi32>
    %broadcast_in_dim3A_23 = vector.shape_cast %broadcast_in_dim3A_22 : vector<16xi32> to vector<16x1xi32>
    %gather3A_24 = vector.shape_cast %broadcast_in_dim3A_23 : vector<16x1xi32> to vector<16xi32>
    %gather3A_25 = tpu.dynamic_gather %get3A_5[%gather3A_24] in [0] : vector<16xf32>, vector<16xi32> -> vector<16xf32>
    %broadcast_in_dim3A_26 = arith.constant 2 : i32
    %broadcast_in_dim3A_27 = vector.broadcast %broadcast_in_dim3A_26 : i32 to vector<16xi32>
    %broadcast_in_dim3A_28 = vector.shape_cast %broadcast_in_dim3A_27 : vector<16xi32> to vector<16x1xi32>
    %gather3A_29 = vector.shape_cast %broadcast_in_dim3A_28 : vector<16x1xi32> to vector<16xi32>
    %gather3A_30 = tpu.dynamic_gather %get3A_5[%gather3A_29] in [0] : vector<16xf32>, vector<16xi32> -> vector<16xf32>
    %iota3A = tpu.iota {dimensions = array<i32: 0>} : vector<16xi32>
    %eq3A = arith.constant 15 : i32
    %eq3A_31 = vector.broadcast %eq3A : i32 to vector<16xi32>
    %eq3A_32 = arith.cmpi eq, %iota3A, %eq3A_31 : vector<16xi32>
    %dma_start3A = arith.constant 0 : i32
    %dma_start3A_33 = arith.constant 0 : i32
    %dma_start3A_34 = tpu.memref_slice %arg10[%dma_start3A, %dma_start3A_33] : memref<3x6400xi32, #tpu.memory_space<vmem>> -> memref<1x320xi32, #tpu.memory_space<vmem>>
    %dma_start3A_35 = tpu.memref_squeeze %dma_start3A_34 : memref<1x320xi32, #tpu.memory_space<vmem>> -> memref<320xi32, #tpu.memory_space<vmem>>
    %dma_start3A_36 = arith.constant 0 : i32
    %dma_start3A_37 = arith.constant 0 : i32
    %dma_start3A_38 = tpu.memref_slice %arg2[%dma_start3A_36, %dma_start3A_37] : memref<100000x32xi32, #tpu.memory_space<hbm>> -> memref<100000x32xi32, #tpu.memory_space<hbm>>
    tpu.enqueue_indirect_dma source(%dma_start3A_38 : memref<100000x32xi32, #tpu.memory_space<hbm>>) target(%arg11 : memref<320x32xi32, #tpu.memory_space<vmem>>) offsets(%dma_start3A_35 : memref<320xi32, #tpu.memory_space<vmem>>) semaphore(%arg21 : memref<!tpu.dma_semaphore, #tpu.memory_space<semaphore_mem>>)
    %dma_start3A_39 = arith.constant 1 : i32
    %dma_start3A_40 = arith.constant 0 : i32
    %dma_start3A_41 = tpu.memref_slice %arg10[%dma_start3A_39, %dma_start3A_40] : memref<3x6400xi32, #tpu.memory_space<vmem>> -> memref<1x320xi32, #tpu.memory_space<vmem>>
    %dma_start3A_42 = tpu.memref_squeeze %dma_start3A_41 : memref<1x320xi32, #tpu.memory_space<vmem>> -> memref<320xi32, #tpu.memory_space<vmem>>
    %dma_start3A_43 = arith.constant 0 : i32
    %dma_start3A_44 = arith.constant 0 : i32
    %dma_start3A_45 = tpu.memref_slice %arg3[%dma_start3A_43, %dma_start3A_44] : memref<100000x16xi32, #tpu.memory_space<hbm>> -> memref<100000x16xi32, #tpu.memory_space<hbm>>
    tpu.enqueue_indirect_dma source(%dma_start3A_45 : memref<100000x16xi32, #tpu.memory_space<hbm>>) target(%arg15 : memref<320x16xi32, #tpu.memory_space<vmem>>) offsets(%dma_start3A_42 : memref<320xi32, #tpu.memory_space<vmem>>) semaphore(%arg21 : memref<!tpu.dma_semaphore, #tpu.memory_space<semaphore_mem>>)
    %dma_start3A_46 = arith.constant 2 : i32
    %dma_start3A_47 = arith.constant 0 : i32
    %dma_start3A_48 = tpu.memref_slice %arg10[%dma_start3A_46, %dma_start3A_47] : memref<3x6400xi32, #tpu.memory_space<vmem>> -> memref<1x320xi32, #tpu.memory_space<vmem>>
    %dma_start3A_49 = tpu.memref_squeeze %dma_start3A_48 : memref<1x320xi32, #tpu.memory_space<vmem>> -> memref<320xi32, #tpu.memory_space<vmem>>
    %dma_start3A_50 = arith.constant 0 : i32
    %dma_start3A_51 = arith.constant 0 : i32
    %dma_start3A_52 = tpu.memref_slice %arg2[%dma_start3A_50, %dma_start3A_51] : memref<100000x32xi32, #tpu.memory_space<hbm>> -> memref<100000x32xi32, #tpu.memory_space<hbm>>
    tpu.enqueue_indirect_dma source(%dma_start3A_52 : memref<100000x32xi32, #tpu.memory_space<hbm>>) target(%arg13 : memref<320x32xi32, #tpu.memory_space<vmem>>) offsets(%dma_start3A_49 : memref<320xi32, #tpu.memory_space<vmem>>) semaphore(%arg21 : memref<!tpu.dma_semaphore, #tpu.memory_space<semaphore_mem>>)
    %scan3A = arith.constant 0 : i32
    %scan3A_53 = arith.constant 10 : i32
    %scan3A_54 = arith.addi %scan3A, %scan3A_53 : i32
    %scan3A_55 = arith.constant 1 : i32
    scf.for %scan3A_57 = %scan3A to %scan3A_54 step %scan3A_55  : i32 {
      %mul3A_58 = arith.constant 1 : i32
      %mul3A_59 = arith.muli %scan3A_57, %mul3A_58 : i32
      %add3A_60 = arith.constant 0 : i32
      %add3A_61 = arith.addi %add3A_60, %mul3A_59 : i32
      %mul3A_62 = arith.constant 2 : i32
      %mul3A_63 = arith.muli %add3A_61, %mul3A_62 : i32
      %add3A_64 = arith.constant 1 : i32
      %add3A_65 = arith.addi %mul3A_63, %add3A_64 : i32
      %mul3A_66 = arith.constant 320 : i32
      %mul3A_67 = arith.muli %add3A_65, %mul3A_66 : i32
      %dma_start3A_68 = arith.constant 0 : i32
      %dma_start3A_69 = tpu.memref_slice %arg10[%dma_start3A_68, %mul3A_67] : memref<3x6400xi32, #tpu.memory_space<vmem>> -> memref<1x320xi32, #tpu.memory_space<vmem>>
      %dma_start3A_70 = tpu.memref_squeeze %dma_start3A_69 : memref<1x320xi32, #tpu.memory_space<vmem>> -> memref<320xi32, #tpu.memory_space<vmem>>
      %dma_start3A_71 = arith.constant 0 : i32
      %dma_start3A_72 = arith.constant 0 : i32
      %dma_start3A_73 = tpu.memref_slice %arg2[%dma_start3A_71, %dma_start3A_72] : memref<100000x32xi32, #tpu.memory_space<hbm>> -> memref<100000x32xi32, #tpu.memory_space<hbm>>
      tpu.enqueue_indirect_dma source(%dma_start3A_73 : memref<100000x32xi32, #tpu.memory_space<hbm>>) target(%arg12 : memref<320x32xi32, #tpu.memory_space<vmem>>) offsets(%dma_start3A_70 : memref<320xi32, #tpu.memory_space<vmem>>) semaphore(%arg22 : memref<!tpu.dma_semaphore, #tpu.memory_space<semaphore_mem>>)
      %dma_start3A_74 = arith.constant 1 : i32
      %dma_start3A_75 = tpu.memref_slice %arg10[%dma_start3A_74, %mul3A_67] : memref<3x6400xi32, #tpu.memory_space<vmem>> -> memref<1x320xi32, #tpu.memory_space<vmem>>
      %dma_start3A_76 = tpu.memref_squeeze %dma_start3A_75 : memref<1x320xi32, #tpu.memory_space<vmem>> -> memref<320xi32, #tpu.memory_space<vmem>>
      %dma_start3A_77 = arith.constant 0 : i32
      %dma_start3A_78 = arith.constant 0 : i32
      %dma_start3A_79 = tpu.memref_slice %arg3[%dma_start3A_77, %dma_start3A_78] : memref<100000x16xi32, #tpu.memory_space<hbm>> -> memref<100000x16xi32, #tpu.memory_space<hbm>>
      tpu.enqueue_indirect_dma source(%dma_start3A_79 : memref<100000x16xi32, #tpu.memory_space<hbm>>) target(%arg16 : memref<320x16xi32, #tpu.memory_space<vmem>>) offsets(%dma_start3A_76 : memref<320xi32, #tpu.memory_space<vmem>>) semaphore(%arg22 : memref<!tpu.dma_semaphore, #tpu.memory_space<semaphore_mem>>)
      %dma_start3A_80 = arith.constant 2 : i32
      %dma_start3A_81 = tpu.memref_slice %arg10[%dma_start3A_80, %mul3A_67] : memref<3x6400xi32, #tpu.memory_space<vmem>> -> memref<1x320xi32, #tpu.memory_space<vmem>>
      %dma_start3A_82 = tpu.memref_squeeze %dma_start3A_81 : memref<1x320xi32, #tpu.memory_space<vmem>> -> memref<320xi32, #tpu.memory_space<vmem>>
      %dma_start3A_83 = arith.constant 0 : i32
      %dma_start3A_84 = arith.constant 0 : i32
      %dma_start3A_85 = tpu.memref_slice %arg2[%dma_start3A_83, %dma_start3A_84] : memref<100000x32xi32, #tpu.memory_space<hbm>> -> memref<100000x32xi32, #tpu.memory_space<hbm>>
      tpu.enqueue_indirect_dma source(%dma_start3A_85 : memref<100000x32xi32, #tpu.memory_space<hbm>>) target(%arg14 : memref<320x32xi32, #tpu.memory_space<vmem>>) offsets(%dma_start3A_82 : memref<320xi32, #tpu.memory_space<vmem>>) semaphore(%arg22 : memref<!tpu.dma_semaphore, #tpu.memory_space<semaphore_mem>>)
      %mul3A_86 = arith.constant 320 : i32
      %mul3A_87 = arith.muli %mul3A_63, %mul3A_86 : i32
      %dma_wait3A = arith.constant 0 : i32
      %dma_wait3A_88 = tpu.memref_slice %arg10[%dma_wait3A, %mul3A_87] : memref<3x6400xi32, #tpu.memory_space<vmem>> -> memref<1x320xi32, #tpu.memory_space<vmem>>
      %dma_wait3A_89 = tpu.memref_squeeze %dma_wait3A_88 : memref<1x320xi32, #tpu.memory_space<vmem>> -> memref<320xi32, #tpu.memory_space<vmem>>
      %dma_wait3A_90 = arith.constant 0 : i32
      %dma_wait3A_91 = arith.constant 0 : i32
      %dma_wait3A_92 = tpu.memref_slice %arg2[%dma_wait3A_90, %dma_wait3A_91] : memref<100000x32xi32, #tpu.memory_space<hbm>> -> memref<100000x32xi32, #tpu.memory_space<hbm>>
      tpu.wait_indirect_dma semaphore(%arg21 : memref<!tpu.dma_semaphore, #tpu.memory_space<semaphore_mem>>) src(%dma_wait3A_92 : memref<100000x32xi32, #tpu.memory_space<hbm>>) dst(%arg11 : memref<320x32xi32, #tpu.memory_space<vmem>>)
      %dma_wait3A_93 = arith.constant 1 : i32
      %dma_wait3A_94 = tpu.memref_slice %arg10[%dma_wait3A_93, %mul3A_87] : memref<3x6400xi32, #tpu.memory_space<vmem>> -> memref<1x320xi32, #tpu.memory_space<vmem>>
      %dma_wait3A_95 = tpu.memref_squeeze %dma_wait3A_94 : memref<1x320xi32, #tpu.memory_space<vmem>> -> memref<320xi32, #tpu.memory_space<vmem>>
      %dma_wait3A_96 = arith.constant 0 : i32
      %dma_wait3A_97 = arith.constant 0 : i32
      %dma_wait3A_98 = tpu.memref_slice %arg3[%dma_wait3A_96, %dma_wait3A_97] : memref<100000x16xi32, #tpu.memory_space<hbm>> -> memref<100000x16xi32, #tpu.memory_space<hbm>>
      tpu.wait_indirect_dma semaphore(%arg21 : memref<!tpu.dma_semaphore, #tpu.memory_space<semaphore_mem>>) src(%dma_wait3A_98 : memref<100000x16xi32, #tpu.memory_space<hbm>>) dst(%arg15 : memref<320x16xi32, #tpu.memory_space<vmem>>)
      %dma_wait3A_99 = arith.constant 2 : i32
      %dma_wait3A_100 = tpu.memref_slice %arg10[%dma_wait3A_99, %mul3A_87] : memref<3x6400xi32, #tpu.memory_space<vmem>> -> memref<1x320xi32, #tpu.memory_space<vmem>>
      %dma_wait3A_101 = tpu.memref_squeeze %dma_wait3A_100 : memref<1x320xi32, #tpu.memory_space<vmem>> -> memref<320xi32, #tpu.memory_space<vmem>>
      %dma_wait3A_102 = arith.constant 0 : i32
      %dma_wait3A_103 = arith.constant 0 : i32
      %dma_wait3A_104 = tpu.memref_slice %arg2[%dma_wait3A_102, %dma_wait3A_103] : memref<100000x32xi32, #tpu.memory_space<hbm>> -> memref<100000x32xi32, #tpu.memory_space<hbm>>
      tpu.wait_indirect_dma semaphore(%arg21 : memref<!tpu.dma_semaphore, #tpu.memory_space<semaphore_mem>>) src(%dma_wait3A_104 : memref<100000x32xi32, #tpu.memory_space<hbm>>) dst(%arg13 : memref<320x32xi32, #tpu.memory_space<vmem>>)
      %scan3A_105 = arith.constant 0 : i32
      %scan3A_106 = arith.constant 320 : i32
      %scan3A_107 = arith.addi %scan3A_105, %scan3A_106 : i32
      %scan3A_108 = arith.constant 8 : i32
      scf.for %scan3A_151 = %scan3A_105 to %scan3A_107 step %scan3A_108  : i32 {
        %mul3A_152 = arith.constant 1 : i32
        %mul3A_153 = arith.muli %scan3A_151, %mul3A_152 : i32
        %add3A_154 = arith.constant 0 : i32
        %add3A_155 = arith.addi %add3A_154, %mul3A_153 : i32
        %get3A_156 = arith.index_cast %add3A_155 : i32 to index
        %get3A_157 = arith.constant 0 : index
        %get3A_158 = tpu.vector_load %arg11[%get3A_156, %get3A_157] {strides = array<i32>} : memref<320x32xi32, #tpu.memory_space<vmem>>, vector<16xi32>,
        %get3A_159 = arith.index_cast %add3A_155 : i32 to index
        %get3A_160 = arith.constant 16 : index
        %get3A_161 = tpu.vector_load %arg11[%get3A_159, %get3A_160] {strides = array<i32>} : memref<320x32xi32, #tpu.memory_space<vmem>>, vector<16xi32>,
        %get3A_162 = arith.index_cast %add3A_155 : i32 to index
        %get3A_163 = arith.constant 0 : index
        %get3A_164 = tpu.vector_load %arg13[%get3A_162, %get3A_163] {strides = array<i32>} : memref<320x32xi32, #tpu.memory_space<vmem>>, vector<16xi32>,
        %get3A_165 = arith.index_cast %add3A_155 : i32 to index
        %get3A_166 = arith.constant 16 : index
        %get3A_167 = tpu.vector_load %arg13[%get3A_165, %get3A_166] {strides = array<i32>} : memref<320x32xi32, #tpu.memory_space<vmem>>, vector<16xi32>,
        %get3A_168 = arith.index_cast %add3A_155 : i32 to index
        %get3A_169 = arith.constant 0 : index
        %get3A_170 = tpu.vector_load %arg15[%get3A_168, %get3A_169] {strides = array<i32>} : memref<320x16xi32, #tpu.memory_space<vmem>>, vector<16xi32>,
        %shift_left3A = arith.constant 16 : i32
        %shift_left3A_171 = vector.broadcast %shift_left3A : i32 to vector<16xi32>
        %shift_left3A_172 = arith.shli %get3A_158, %shift_left3A_171 : vector<16xi32>
        %bitcast3A = vector.bitcast %shift_left3A_172 : vector<16xi32> to vector<16xf32>
        %bitcast3A_173 = vector.bitcast %get3A_158 : vector<16xi32> to vector<16xf32>
        %shift_left3A_174 = arith.constant 16 : i32
        %shift_left3A_175 = vector.broadcast %shift_left3A_174 : i32 to vector<16xi32>
        %shift_left3A_176 = arith.shli %get3A_161, %shift_left3A_175 : vector<16xi32>
        %bitcast3A_177 = vector.bitcast %shift_left3A_176 : vector<16xi32> to vector<16xf32>
        %bitcast3A_178 = vector.bitcast %get3A_161 : vector<16xi32> to vector<16xf32>
        %shift_left3A_179 = arith.constant 16 : i32
        %shift_left3A_180 = vector.broadcast %shift_left3A_179 : i32 to vector<16xi32>
        %shift_left3A_181 = arith.shli %get3A_164, %shift_left3A_180 : vector<16xi32>
        %bitcast3A_182 = vector.bitcast %shift_left3A_181 : vector<16xi32> to vector<16xf32>
        %bitcast3A_183 = vector.bitcast %get3A_164 : vector<16xi32> to vector<16xf32>
        %shift_left3A_184 = arith.constant 16 : i32
        %shift_left3A_185 = vector.broadcast %shift_left3A_184 : i32 to vector<16xi32>
        %shift_left3A_186 = arith.shli %get3A_167, %shift_left3A_185 : vector<16xi32>
        %bitcast3A_187 = vector.bitcast %shift_left3A_186 : vector<16xi32> to vector<16xf32>
        %bitcast3A_188 = vector.bitcast %get3A_167 : vector<16xi32> to vector<16xf32>
        %shift_left3A_189 = arith.constant 16 : i32
        %shift_left3A_190 = vector.broadcast %shift_left3A_189 : i32 to vector<16xi32>
        %shift_left3A_191 = arith.shli %get3A_170, %shift_left3A_190 : vector<16xi32>
        %bitcast3A_192 = vector.bitcast %shift_left3A_191 : vector<16xi32> to vector<16xf32>
        %bitcast3A_193 = vector.bitcast %get3A_170 : vector<16xi32> to vector<16xf32>
        %add3A_194 = arith.addf %bitcast3A, %bitcast3A_183 : vector<16xf32>
        %add3A_195 = arith.addf %add3A_194, %bitcast3A_192 : vector<16xf32>
        %max3A = arith.constant 0.000000e+00 : f32
        %max3A_196 = vector.broadcast %max3A : f32 to vector<16xf32>
        %max3A_197 = arith.maximumf %add3A_195, %max3A_196 : vector<16xf32>
        %add3A_198 = arith.addf %bitcast3A_182, %bitcast3A_173 : vector<16xf32>
        %add3A_199 = arith.addf %add3A_198, %bitcast3A_192 : vector<16xf32>
        %max3A_200 = arith.constant 0.000000e+00 : f32
        %max3A_201 = vector.broadcast %max3A_200 : f32 to vector<16xf32>
        %max3A_202 = arith.maximumf %add3A_199, %max3A_201 : vector<16xf32>
        %add3A_203 = arith.addf %max3A_197, %max3A_202 : vector<16xf32>
        %add3A_204 = arith.addf %bitcast3A_177, %bitcast3A_188 : vector<16xf32>
        %add3A_205 = arith.addf %add3A_204, %bitcast3A_193 : vector<16xf32>
        %max3A_206 = arith.constant 0.000000e+00 : f32
        %max3A_207 = vector.broadcast %max3A_206 : f32 to vector<16xf32>
        %max3A_208 = arith.maximumf %add3A_205, %max3A_207 : vector<16xf32>
        %add3A_209 = arith.addf %bitcast3A_187, %bitcast3A_178 : vector<16xf32>
        %add3A_210 = arith.addf %add3A_209, %bitcast3A_193 : vector<16xf32>
        %max3A_211 = arith.constant 0.000000e+00 : f32
        %max3A_212 = vector.broadcast %max3A_211 : f32 to vector<16xf32>
        %max3A_213 = arith.maximumf %add3A_210, %max3A_212 : vector<16xf32>
        %add3A_214 = arith.addf %max3A_208, %max3A_213 : vector<16xf32>
        %mul3A_215 = arith.mulf %add3A_203, %get3A_7 : vector<16xf32>
        %mul3A_216 = arith.mulf %add3A_214, %get3A_13 : vector<16xf32>
        %add3A_217 = arith.addf %mul3A_215, %mul3A_216 : vector<16xf32>
        %broadcast_in_dim3A_218 = arith.constant true
        %broadcast_in_dim3A_219 = vector.broadcast %broadcast_in_dim3A_218 : i1 to vector<16xi1>
        %masked_cumsum3A = tpu.scan <sum>, %add3A_217 masked %broadcast_in_dim3A_219 : vector<16xf32>, vector<16xi1> -> vector<16xf32>
        %add3A_220 = arith.addf %masked_cumsum3A, %gather3A_20 : vector<16xf32>
        %mul3A_221 = arith.constant 3 : i32
        %mul3A_222 = arith.muli %add3A_155, %mul3A_221 : i32
        %add3A_223 = arith.constant 0 : i32
        %add3A_224 = arith.addi %mul3A_222, %add3A_223 : i32
        %broadcast_in_dim3A_225 = vector.broadcast %add3A_224 : i32 to vector<16xi32>
        tpu.vector_store_idx %arg17[%broadcast_in_dim3A_225], %add3A_220 masked %eq3A_32 : memref<960xf32, #tpu.memory_space<vmem>>[vector<16xi32>], vector<16xf32>, vector<16xi1>
        %mul3A_226 = arith.mulf %add3A_203, %get3A_9 : vector<16xf32>
        %mul3A_227 = arith.mulf %add3A_214, %get3A_15 : vector<16xf32>
        %add3A_228 = arith.addf %mul3A_226, %mul3A_227 : vector<16xf32>
        %broadcast_in_dim3A_229 = arith.constant true
        %broadcast_in_dim3A_230 = vector.broadcast %broadcast_in_dim3A_229 : i1 to vector<16xi1>
        %masked_cumsum3A_231 = tpu.scan <sum>, %add3A_228 masked %broadcast_in_dim3A_230 : vector<16xf32>, vector<16xi1> -> vector<16xf32>
        %add3A_232 = arith.addf %masked_cumsum3A_231, %gather3A_25 : vector<16xf32>
        %mul3A_233 = arith.constant 3 : i32
        %mul3A_234 = arith.muli %add3A_155, %mul3A_233 : i32
        %add3A_235 = arith.constant 1 : i32
        %add3A_236 = arith.addi %mul3A_234, %add3A_235 : i32
        %broadcast_in_dim3A_237 = vector.broadcast %add3A_236 : i32 to vector<16xi32>
        tpu.vector_store_idx %arg17[%broadcast_in_dim3A_237], %add3A_232 masked %eq3A_32 : memref<960xf32, #tpu.memory_space<vmem>>[vector<16xi32>], vector<16xf32>, vector<16xi1>
        %mul3A_238 = arith.mulf %add3A_203, %get3A_11 : vector<16xf32>
        %mul3A_239 = arith.mulf %add3A_214, %get3A_17 : vector<16xf32>
        %add3A_240 = arith.addf %mul3A_238, %mul3A_239 : vector<16xf32>
        %broadcast_in_dim3A_241 = arith.constant true
        %broadcast_in_dim3A_242 = vector.broadcast %broadcast_in_dim3A_241 : i1 to vector<16xi1>
        %masked_cumsum3A_243 = tpu.scan <sum>, %add3A_240 masked %broadcast_in_dim3A_242 : vector<16xf32>, vector<16xi1> -> vector<16xf32>
        %add3A_244 = arith.addf %masked_cumsum3A_243, %gather3A_30 : vector<16xf32>
        %mul3A_245 = arith.constant 3 : i32
        %mul3A_246 = arith.muli %add3A_155, %mul3A_245 : i32
        %add3A_247 = arith.constant 2 : i32
        %add3A_248 = arith.addi %mul3A_246, %add3A_247 : i32
        %broadcast_in_dim3A_249 = vector.broadcast %add3A_248 : i32 to vector<16xi32>
        tpu.vector_store_idx %arg17[%broadcast_in_dim3A_249], %add3A_244 masked %eq3A_32 : memref<960xf32, #tpu.memory_space<vmem>>[vector<16xi32>], vector<16xf32>, vector<16xi1>
        %scan3A_250 = arith.constant 1 : i32
        %scan3A_251 = arith.addi %scan3A_151, %scan3A_250 : i32
        %mul3A_252 = arith.constant 1 : i32
        %mul3A_253 = arith.muli %scan3A_251, %mul3A_252 : i32
        %add3A_254 = arith.constant 0 : i32
        %add3A_255 = arith.addi %add3A_254, %mul3A_253 : i32
        %get3A_256 = arith.index_cast %add3A_255 : i32 to index
        %get3A_257 = arith.constant 0 : index
        %get3A_258 = tpu.vector_load %arg11[%get3A_256, %get3A_257] {strides = array<i32>} : memref<320x32xi32, #tpu.memory_space<vmem>>, vector<16xi32>,
        %get3A_259 = arith.index_cast %add3A_255 : i32 to index
        %get3A_260 = arith.constant 16 : index
        %get3A_261 = tpu.vector_load %arg11[%get3A_259, %get3A_260] {strides = array<i32>} : memref<320x32xi32, #tpu.memory_space<vmem>>, vector<16xi32>,
        %get3A_262 = arith.index_cast %add3A_255 : i32 to index
        %get3A_263 = arith.constant 0 : index
        %get3A_264 = tpu.vector_load %arg13[%get3A_262, %get3A_263] {strides = array<i32>} : memref<320x32xi32, #tpu.memory_space<vmem>>, vector<16xi32>,
        %get3A_265 = arith.index_cast %add3A_255 : i32 to index
        %get3A_266 = arith.constant 16 : index
        %get3A_267 = tpu.vector_load %arg13[%get3A_265, %get3A_266] {strides = array<i32>} : memref<320x32xi32, #tpu.memory_space<vmem>>, vector<16xi32>,
        %get3A_268 = arith.index_cast %add3A_255 : i32 to index
        %get3A_269 = arith.constant 0 : index
        %get3A_270 = tpu.vector_load %arg15[%get3A_268, %get3A_269] {strides = array<i32>} : memref<320x16xi32, #tpu.memory_space<vmem>>, vector<16xi32>,
        %shift_left3A_271 = arith.constant 16 : i32
        %shift_left3A_272 = vector.broadcast %shift_left3A_271 : i32 to vector<16xi32>
        %shift_left3A_273 = arith.shli %get3A_258, %shift_left3A_272 : vector<16xi32>
        %bitcast3A_274 = vector.bitcast %shift_left3A_273 : vector<16xi32> to vector<16xf32>
        %bitcast3A_275 = vector.bitcast %get3A_258 : vector<16xi32> to vector<16xf32>
        %shift_left3A_276 = arith.constant 16 : i32
        %shift_left3A_277 = vector.broadcast %shift_left3A_276 : i32 to vector<16xi32>
        %shift_left3A_278 = arith.shli %get3A_261, %shift_left3A_277 : vector<16xi32>
        %bitcast3A_279 = vector.bitcast %shift_left3A_278 : vector<16xi32> to vector<16xf32>
        %bitcast3A_280 = vector.bitcast %get3A_261 : vector<16xi32> to vector<16xf32>
        %shift_left3A_281 = arith.constant 16 : i32
        %shift_left3A_282 = vector.broadcast %shift_left3A_281 : i32 to vector<16xi32>
        %shift_left3A_283 = arith.shli %get3A_264, %shift_left3A_282 : vector<16xi32>
        %bitcast3A_284 = vector.bitcast %shift_left3A_283 : vector<16xi32> to vector<16xf32>
        %bitcast3A_285 = vector.bitcast %get3A_264 : vector<16xi32> to vector<16xf32>
        %shift_left3A_286 = arith.constant 16 : i32
        %shift_left3A_287 = vector.broadcast %shift_left3A_286 : i32 to vector<16xi32>
        %shift_left3A_288 = arith.shli %get3A_267, %shift_left3A_287 : vector<16xi32>
        %bitcast3A_289 = vector.bitcast %shift_left3A_288 : vector<16xi32> to vector<16xf32>
        %bitcast3A_290 = vector.bitcast %get3A_267 : vector<16xi32> to vector<16xf32>
        %shift_left3A_291 = arith.constant 16 : i32
        %shift_left3A_292 = vector.broadcast %shift_left3A_291 : i32 to vector<16xi32>
        %shift_left3A_293 = arith.shli %get3A_270, %shift_left3A_292 : vector<16xi32>
        %bitcast3A_294 = vector.bitcast %shift_left3A_293 : vector<16xi32> to vector<16xf32>
        %bitcast3A_295 = vector.bitcast %get3A_270 : vector<16xi32> to vector<16xf32>
        %add3A_296 = arith.addf %bitcast3A_274, %bitcast3A_285 : vector<16xf32>
        %add3A_297 = arith.addf %add3A_296, %bitcast3A_294 : vector<16xf32>
        %max3A_298 = arith.constant 0.000000e+00 : f32
        %max3A_299 = vector.broadcast %max3A_298 : f32 to vector<16xf32>
        %max3A_300 = arith.maximumf %add3A_297, %max3A_299 : vector<16xf32>
        %add3A_301 = arith.addf %bitcast3A_284, %bitcast3A_275 : vector<16xf32>
        %add3A_302 = arith.addf %add3A_301, %bitcast3A_294 : vector<16xf32>
        %max3A_303 = arith.constant 0.000000e+00 : f32
        %max3A_304 = vector.broadcast %max3A_303 : f32 to vector<16xf32>
        %max3A_305 = arith.maximumf %add3A_302, %max3A_304 : vector<16xf32>
        %add3A_306 = arith.addf %max3A_300, %max3A_305 : vector<16xf32>
        %add3A_307 = arith.addf %bitcast3A_279, %bitcast3A_290 : vector<16xf32>
        %add3A_308 = arith.addf %add3A_307, %bitcast3A_295 : vector<16xf32>
        %max3A_309 = arith.constant 0.000000e+00 : f32
        %max3A_310 = vector.broadcast %max3A_309 : f32 to vector<16xf32>
        %max3A_311 = arith.maximumf %add3A_308, %max3A_310 : vector<16xf32>
        %add3A_312 = arith.addf %bitcast3A_289, %bitcast3A_280 : vector<16xf32>
        %add3A_313 = arith.addf %add3A_312, %bitcast3A_295 : vector<16xf32>
        %max3A_314 = arith.constant 0.000000e+00 : f32
        %max3A_315 = vector.broadcast %max3A_314 : f32 to vector<16xf32>
        %max3A_316 = arith.maximumf %add3A_313, %max3A_315 : vector<16xf32>
        %add3A_317 = arith.addf %max3A_311, %max3A_316 : vector<16xf32>
        %mul3A_318 = arith.mulf %add3A_306, %get3A_7 : vector<16xf32>
        %mul3A_319 = arith.mulf %add3A_317, %get3A_13 : vector<16xf32>
        %add3A_320 = arith.addf %mul3A_318, %mul3A_319 : vector<16xf32>
        %broadcast_in_dim3A_321 = arith.constant true
        %broadcast_in_dim3A_322 = vector.broadcast %broadcast_in_dim3A_321 : i1 to vector<16xi1>
        %masked_cumsum3A_323 = tpu.scan <sum>, %add3A_320 masked %broadcast_in_dim3A_322 : vector<16xf32>, vector<16xi1> -> vector<16xf32>
        %add3A_324 = arith.addf %masked_cumsum3A_323, %gather3A_20 : vector<16xf32>
        %mul3A_325 = arith.constant 3 : i32
        %mul3A_326 = arith.muli %add3A_255, %mul3A_325 : i32
        %add3A_327 = arith.constant 0 : i32
        %add3A_328 = arith.addi %mul3A_326, %add3A_327 : i32
        %broadcast_in_dim3A_329 = vector.broadcast %add3A_328 : i32 to vector<16xi32>
        tpu.vector_store_idx %arg17[%broadcast_in_dim3A_329], %add3A_324 masked %eq3A_32 : memref<960xf32, #tpu.memory_space<vmem>>[vector<16xi32>], vector<16xf32>, vector<16xi1>
        %mul3A_330 = arith.mulf %add3A_306, %get3A_9 : vector<16xf32>
        %mul3A_331 = arith.mulf %add3A_317, %get3A_15 : vector<16xf32>
        %add3A_332 = arith.addf %mul3A_330, %mul3A_331 : vector<16xf32>
        %broadcast_in_dim3A_333 = arith.constant true
        %broadcast_in_dim3A_334 = vector.broadcast %broadcast_in_dim3A_333 : i1 to vector<16xi1>
        %masked_cumsum3A_335 = tpu.scan <sum>, %add3A_332 masked %broadcast_in_dim3A_334 : vector<16xf32>, vector<16xi1> -> vector<16xf32>
        %add3A_336 = arith.addf %masked_cumsum3A_335, %gather3A_25 : vector<16xf32>
        %mul3A_337 = arith.constant 3 : i32
        %mul3A_338 = arith.muli %add3A_255, %mul3A_337 : i32
        %add3A_339 = arith.constant 1 : i32
        %add3A_340 = arith.addi %mul3A_338, %add3A_339 : i32
        %broadcast_in_dim3A_341 = vector.broadcast %add3A_340 : i32 to vector<16xi32>
        tpu.vector_store_idx %arg17[%broadcast_in_dim3A_341], %add3A_336 masked %eq3A_32 : memref<960xf32, #tpu.memory_space<vmem>>[vector<16xi32>], vector<16xf32>, vector<16xi1>
        %mul3A_342 = arith.mulf %add3A_306, %get3A_11 : vector<16xf32>
        %mul3A_343 = arith.mulf %add3A_317, %get3A_17 : vector<16xf32>
        %add3A_344 = arith.addf %mul3A_342, %mul3A_343 : vector<16xf32>
        %broadcast_in_dim3A_345 = arith.constant true
        %broadcast_in_dim3A_346 = vector.broadcast %broadcast_in_dim3A_345 : i1 to vector<16xi1>
        %masked_cumsum3A_347 = tpu.scan <sum>, %add3A_344 masked %broadcast_in_dim3A_346 : vector<16xf32>, vector<16xi1> -> vector<16xf32>
        %add3A_348 = arith.addf %masked_cumsum3A_347, %gather3A_30 : vector<16xf32>
        %mul3A_349 = arith.constant 3 : i32
        %mul3A_350 = arith.muli %add3A_255, %mul3A_349 : i32
        %add3A_351 = arith.constant 2 : i32
        %add3A_352 = arith.addi %mul3A_350, %add3A_351 : i32
        %broadcast_in_dim3A_353 = vector.broadcast %add3A_352 : i32 to vector<16xi32>
        tpu.vector_store_idx %arg17[%broadcast_in_dim3A_353], %add3A_348 masked %eq3A_32 : memref<960xf32, #tpu.memory_space<vmem>>[vector<16xi32>], vector<16xf32>, vector<16xi1>
        %scan3A_354 = arith.constant 2 : i32
        %scan3A_355 = arith.addi %scan3A_151, %scan3A_354 : i32
        %mul3A_356 = arith.constant 1 : i32
        %mul3A_357 = arith.muli %scan3A_355, %mul3A_356 : i32
        %add3A_358 = arith.constant 0 : i32
        %add3A_359 = arith.addi %add3A_358, %mul3A_357 : i32
        %get3A_360 = arith.index_cast %add3A_359 : i32 to index
        %get3A_361 = arith.constant 0 : index
        %get3A_362 = tpu.vector_load %arg11[%get3A_360, %get3A_361] {strides = array<i32>} : memref<320x32xi32, #tpu.memory_space<vmem>>, vector<16xi32>,
        %get3A_363 = arith.index_cast %add3A_359 : i32 to index
        %get3A_364 = arith.constant 16 : index
        %get3A_365 = tpu.vector_load %arg11[%get3A_363, %get3A_364] {strides = array<i32>} : memref<320x32xi32, #tpu.memory_space<vmem>>, vector<16xi32>,
        %get3A_366 = arith.index_cast %add3A_359 : i32 to index
        %get3A_367 = arith.constant 0 : index
        %get3A_368 = tpu.vector_load %arg13[%get3A_366, %get3A_367] {strides = array<i32>} : memref<320x32xi32, #tpu.memory_space<vmem>>, vector<16xi32>,
        %get3A_369 = arith.index_cast %add3A_359 : i32 to index
        %get3A_370 = arith.constant 16 : index
        %get3A_371 = tpu.vector_load %arg13[%get3A_369, %get3A_370] {strides = array<i32>} : memref<320x32xi32, #tpu.memory_space<vmem>>, vector<16xi32>,
        %get3A_372 = arith.index_cast %add3A_359 : i32 to index
        %get3A_373 = arith.constant 0 : index
        %get3A_374 = tpu.vector_load %arg15[%get3A_372, %get3A_373] {strides = array<i32>} : memref<320x16xi32, #tpu.memory_space<vmem>>, vector<16xi32>,
        %shift_left3A_375 = arith.constant 16 : i32
        %shift_left3A_376 = vector.broadcast %shift_left3A_375 : i32 to vector<16xi32>
        %shift_left3A_377 = arith.shli %get3A_362, %shift_left3A_376 : vector<16xi32>
        %bitcast3A_378 = vector.bitcast %shift_left3A_377 : vector<16xi32> to vector<16xf32>
        %bitcast3A_379 = vector.bitcast %get3A_362 : vector<16xi32> to vector<16xf32>
        %shift_left3A_380 = arith.constant 16 : i32
        %shift_left3A_381 = vector.broadcast %shift_left3A_380 : i32 to vector<16xi32>
        %shift_left3A_382 = arith.shli %get3A_365, %shift_left3A_381 : vector<16xi32>
        %bitcast3A_383 = vector.bitcast %shift_left3A_382 : vector<16xi32> to vector<16xf32>
        %bitcast3A_384 = vector.bitcast %get3A_365 : vector<16xi32> to vector<16xf32>
        %shift_left3A_385 = arith.constant 16 : i32
        %shift_left3A_386 = vector.broadcast %shift_left3A_385 : i32 to vector<16xi32>
        %shift_left3A_387 = arith.shli %get3A_368, %shift_left3A_386 : vector<16xi32>
        %bitcast3A_388 = vector.bitcast %shift_left3A_387 : vector<16xi32> to vector<16xf32>
        %bitcast3A_389 = vector.bitcast %get3A_368 : vector<16xi32> to vector<16xf32>
        %shift_left3A_390 = arith.constant 16 : i32
        %shift_left3A_391 = vector.broadcast %shift_left3A_390 : i32 to vector<16xi32>
        %shift_left3A_392 = arith.shli %get3A_371, %shift_left3A_391 : vector<16xi32>
        %bitcast3A_393 = vector.bitcast %shift_left3A_392 : vector<16xi32> to vector<16xf32>
        %bitcast3A_394 = vector.bitcast %get3A_371 : vector<16xi32> to vector<16xf32>
        %shift_left3A_395 = arith.constant 16 : i32
        %shift_left3A_396 = vector.broadcast %shift_left3A_395 : i32 to vector<16xi32>
        %shift_left3A_397 = arith.shli %get3A_374, %shift_left3A_396 : vector<16xi32>
        %bitcast3A_398 = vector.bitcast %shift_left3A_397 : vector<16xi32> to vector<16xf32>
        %bitcast3A_399 = vector.bitcast %get3A_374 : vector<16xi32> to vector<16xf32>
        %add3A_400 = arith.addf %bitcast3A_378, %bitcast3A_389 : vector<16xf32>
        %add3A_401 = arith.addf %add3A_400, %bitcast3A_398 : vector<16xf32>
        %max3A_402 = arith.constant 0.000000e+00 : f32
        %max3A_403 = vector.broadcast %max3A_402 : f32 to vector<16xf32>
        %max3A_404 = arith.maximumf %add3A_401, %max3A_403 : vector<16xf32>
        %add3A_405 = arith.addf %bitcast3A_388, %bitcast3A_379 : vector<16xf32>
        %add3A_406 = arith.addf %add3A_405, %bitcast3A_398 : vector<16xf32>
        %max3A_407 = arith.constant 0.000000e+00 : f32
        %max3A_408 = vector.broadcast %max3A_407 : f32 to vector<16xf32>
        %max3A_409 = arith.maximumf %add3A_406, %max3A_408 : vector<16xf32>
        %add3A_410 = arith.addf %max3A_404, %max3A_409 : vector<16xf32>
        %add3A_411 = arith.addf %bitcast3A_383, %bitcast3A_394 : vector<16xf32>
        %add3A_412 = arith.addf %add3A_411, %bitcast3A_399 : vector<16xf32>
        %max3A_413 = arith.constant 0.000000e+00 : f32
        %max3A_414 = vector.broadcast %max3A_413 : f32 to vector<16xf32>
        %max3A_415 = arith.maximumf %add3A_412, %max3A_414 : vector<16xf32>
        %add3A_416 = arith.addf %bitcast3A_393, %bitcast3A_384 : vector<16xf32>
        %add3A_417 = arith.addf %add3A_416, %bitcast3A_399 : vector<16xf32>
        %max3A_418 = arith.constant 0.000000e+00 : f32
        %max3A_419 = vector.broadcast %max3A_418 : f32 to vector<16xf32>
        %max3A_420 = arith.maximumf %add3A_417, %max3A_419 : vector<16xf32>
        %add3A_421 = arith.addf %max3A_415, %max3A_420 : vector<16xf32>
        %mul3A_422 = arith.mulf %add3A_410, %get3A_7 : vector<16xf32>
        %mul3A_423 = arith.mulf %add3A_421, %get3A_13 : vector<16xf32>
        %add3A_424 = arith.addf %mul3A_422, %mul3A_423 : vector<16xf32>
        %broadcast_in_dim3A_425 = arith.constant true
        %broadcast_in_dim3A_426 = vector.broadcast %broadcast_in_dim3A_425 : i1 to vector<16xi1>
        %masked_cumsum3A_427 = tpu.scan <sum>, %add3A_424 masked %broadcast_in_dim3A_426 : vector<16xf32>, vector<16xi1> -> vector<16xf32>
        %add3A_428 = arith.addf %masked_cumsum3A_427, %gather3A_20 : vector<16xf32>
        %mul3A_429 = arith.constant 3 : i32
        %mul3A_430 = arith.muli %add3A_359, %mul3A_429 : i32
        %add3A_431 = arith.constant 0 : i32
        %add3A_432 = arith.addi %mul3A_430, %add3A_431 : i32
        %broadcast_in_dim3A_433 = vector.broadcast %add3A_432 : i32 to vector<16xi32>
        tpu.vector_store_idx %arg17[%broadcast_in_dim3A_433], %add3A_428 masked %eq3A_32 : memref<960xf32, #tpu.memory_space<vmem>>[vector<16xi32>], vector<16xf32>, vector<16xi1>
        %mul3A_434 = arith.mulf %add3A_410, %get3A_9 : vector<16xf32>
        %mul3A_435 = arith.mulf %add3A_421, %get3A_15 : vector<16xf32>
        %add3A_436 = arith.addf %mul3A_434, %mul3A_435 : vector<16xf32>
        %broadcast_in_dim3A_437 = arith.constant true
        %broadcast_in_dim3A_438 = vector.broadcast %broadcast_in_dim3A_437 : i1 to vector<16xi1>
        %masked_cumsum3A_439 = tpu.scan <sum>, %add3A_436 masked %broadcast_in_dim3A_438 : vector<16xf32>, vector<16xi1> -> vector<16xf32>
        %add3A_440 = arith.addf %masked_cumsum3A_439, %gather3A_25 : vector<16xf32>
        %mul3A_441 = arith.constant 3 : i32
        %mul3A_442 = arith.muli %add3A_359, %mul3A_441 : i32
        %add3A_443 = arith.constant 1 : i32
        %add3A_444 = arith.addi %mul3A_442, %add3A_443 : i32
        %broadcast_in_dim3A_445 = vector.broadcast %add3A_444 : i32 to vector<16xi32>
        tpu.vector_store_idx %arg17[%broadcast_in_dim3A_445], %add3A_440 masked %eq3A_32 : memref<960xf32, #tpu.memory_space<vmem>>[vector<16xi32>], vector<16xf32>, vector<16xi1>
        %mul3A_446 = arith.mulf %add3A_410, %get3A_11 : vector<16xf32>
        %mul3A_447 = arith.mulf %add3A_421, %get3A_17 : vector<16xf32>
        %add3A_448 = arith.addf %mul3A_446, %mul3A_447 : vector<16xf32>
        %broadcast_in_dim3A_449 = arith.constant true
        %broadcast_in_dim3A_450 = vector.broadcast %broadcast_in_dim3A_449 : i1 to vector<16xi1>
        %masked_cumsum3A_451 = tpu.scan <sum>, %add3A_448 masked %broadcast_in_dim3A_450 : vector<16xf32>, vector<16xi1> -> vector<16xf32>
        %add3A_452 = arith.addf %masked_cumsum3A_451, %gather3A_30 : vector<16xf32>
        %mul3A_453 = arith.constant 3 : i32
        %mul3A_454 = arith.muli %add3A_359, %mul3A_453 : i32
        %add3A_455 = arith.constant 2 : i32
        %add3A_456 = arith.addi %mul3A_454, %add3A_455 : i32
        %broadcast_in_dim3A_457 = vector.broadcast %add3A_456 : i32 to vector<16xi32>
        tpu.vector_store_idx %arg17[%broadcast_in_dim3A_457], %add3A_452 masked %eq3A_32 : memref<960xf32, #tpu.memory_space<vmem>>[vector<16xi32>], vector<16xf32>, vector<16xi1>
        %scan3A_458 = arith.constant 3 : i32
        %scan3A_459 = arith.addi %scan3A_151, %scan3A_458 : i32
        %mul3A_460 = arith.constant 1 : i32
        %mul3A_461 = arith.muli %scan3A_459, %mul3A_460 : i32
        %add3A_462 = arith.constant 0 : i32
        %add3A_463 = arith.addi %add3A_462, %mul3A_461 : i32
        %get3A_464 = arith.index_cast %add3A_463 : i32 to index
        %get3A_465 = arith.constant 0 : index
        %get3A_466 = tpu.vector_load %arg11[%get3A_464, %get3A_465] {strides = array<i32>} : memref<320x32xi32, #tpu.memory_space<vmem>>, vector<16xi32>,
        %get3A_467 = arith.index_cast %add3A_463 : i32 to index
        %get3A_468 = arith.constant 16 : index
        %get3A_469 = tpu.vector_load %arg11[%get3A_467, %get3A_468] {strides = array<i32>} : memref<320x32xi32, #tpu.memory_space<vmem>>, vector<16xi32>,
        %get3A_470 = arith.index_cast %add3A_463 : i32 to index
        %get3A_471 = arith.constant 0 : index
        %get3A_472 = tpu.vector_load %arg13[%get3A_470, %get3A_471] {strides = array<i32>} : memref<320x32xi32, #tpu.memory_space<vmem>>, vector<16xi32>,
        %get3A_473 = arith.index_cast %add3A_463 : i32 to index
        %get3A_474 = arith.constant 16 : index
        %get3A_475 = tpu.vector_load %arg13[%get3A_473, %get3A_474] {strides = array<i32>} : memref<320x32xi32, #tpu.memory_space<vmem>>, vector<16xi32>,
        %get3A_476 = arith.index_cast %add3A_463 : i32 to index
        %get3A_477 = arith.constant 0 : index
        %get3A_478 = tpu.vector_load %arg15[%get3A_476, %get3A_477] {strides = array<i32>} : memref<320x16xi32, #tpu.memory_space<vmem>>, vector<16xi32>,
        %shift_left3A_479 = arith.constant 16 : i32
        %shift_left3A_480 = vector.broadcast %shift_left3A_479 : i32 to vector<16xi32>
        %shift_left3A_481 = arith.shli %get3A_466, %shift_left3A_480 : vector<16xi32>
        %bitcast3A_482 = vector.bitcast %shift_left3A_481 : vector<16xi32> to vector<16xf32>
        %bitcast3A_483 = vector.bitcast %get3A_466 : vector<16xi32> to vector<16xf32>
        %shift_left3A_484 = arith.constant 16 : i32
        %shift_left3A_485 = vector.broadcast %shift_left3A_484 : i32 to vector<16xi32>
        %shift_left3A_486 = arith.shli %get3A_469, %shift_left3A_485 : vector<16xi32>
        %bitcast3A_487 = vector.bitcast %shift_left3A_486 : vector<16xi32> to vector<16xf32>
        %bitcast3A_488 = vector.bitcast %get3A_469 : vector<16xi32> to vector<16xf32>
        %shift_left3A_489 = arith.constant 16 : i32
        %shift_left3A_490 = vector.broadcast %shift_left3A_489 : i32 to vector<16xi32>
        %shift_left3A_491 = arith.shli %get3A_472, %shift_left3A_490 : vector<16xi32>
        %bitcast3A_492 = vector.bitcast %shift_left3A_491 : vector<16xi32> to vector<16xf32>
        %bitcast3A_493 = vector.bitcast %get3A_472 : vector<16xi32> to vector<16xf32>
        %shift_left3A_494 = arith.constant 16 : i32
        %shift_left3A_495 = vector.broadcast %shift_left3A_494 : i32 to vector<16xi32>
        %shift_left3A_496 = arith.shli %get3A_475, %shift_left3A_495 : vector<16xi32>
        %bitcast3A_497 = vector.bitcast %shift_left3A_496 : vector<16xi32> to vector<16xf32>
        %bitcast3A_498 = vector.bitcast %get3A_475 : vector<16xi32> to vector<16xf32>
        %shift_left3A_499 = arith.constant 16 : i32
        %shift_left3A_500 = vector.broadcast %shift_left3A_499 : i32 to vector<16xi32>
        %shift_left3A_501 = arith.shli %get3A_478, %shift_left3A_500 : vector<16xi32>
        %bitcast3A_502 = vector.bitcast %shift_left3A_501 : vector<16xi32> to vector<16xf32>
        %bitcast3A_503 = vector.bitcast %get3A_478 : vector<16xi32> to vector<16xf32>
        %add3A_504 = arith.addf %bitcast3A_482, %bitcast3A_493 : vector<16xf32>
        %add3A_505 = arith.addf %add3A_504, %bitcast3A_502 : vector<16xf32>
        %max3A_506 = arith.constant 0.000000e+00 : f32
        %max3A_507 = vector.broadcast %max3A_506 : f32 to vector<16xf32>
        %max3A_508 = arith.maximumf %add3A_505, %max3A_507 : vector<16xf32>
        %add3A_509 = arith.addf %bitcast3A_492, %bitcast3A_483 : vector<16xf32>
        %add3A_510 = arith.addf %add3A_509, %bitcast3A_502 : vector<16xf32>
        %max3A_511 = arith.constant 0.000000e+00 : f32
        %max3A_512 = vector.broadcast %max3A_511 : f32 to vector<16xf32>
        %max3A_513 = arith.maximumf %add3A_510, %max3A_512 : vector<16xf32>
        %add3A_514 = arith.addf %max3A_508, %max3A_513 : vector<16xf32>
        %add3A_515 = arith.addf %bitcast3A_487, %bitcast3A_498 : vector<16xf32>
        %add3A_516 = arith.addf %add3A_515, %bitcast3A_503 : vector<16xf32>
        %max3A_517 = arith.constant 0.000000e+00 : f32
        %max3A_518 = vector.broadcast %max3A_517 : f32 to vector<16xf32>
        %max3A_519 = arith.maximumf %add3A_516, %max3A_518 : vector<16xf32>
        %add3A_520 = arith.addf %bitcast3A_497, %bitcast3A_488 : vector<16xf32>
        %add3A_521 = arith.addf %add3A_520, %bitcast3A_503 : vector<16xf32>
        %max3A_522 = arith.constant 0.000000e+00 : f32
        %max3A_523 = vector.broadcast %max3A_522 : f32 to vector<16xf32>
        %max3A_524 = arith.maximumf %add3A_521, %max3A_523 : vector<16xf32>
        %add3A_525 = arith.addf %max3A_519, %max3A_524 : vector<16xf32>
        %mul3A_526 = arith.mulf %add3A_514, %get3A_7 : vector<16xf32>
        %mul3A_527 = arith.mulf %add3A_525, %get3A_13 : vector<16xf32>
        %add3A_528 = arith.addf %mul3A_526, %mul3A_527 : vector<16xf32>
        %broadcast_in_dim3A_529 = arith.constant true
        %broadcast_in_dim3A_530 = vector.broadcast %broadcast_in_dim3A_529 : i1 to vector<16xi1>
        %masked_cumsum3A_531 = tpu.scan <sum>, %add3A_528 masked %broadcast_in_dim3A_530 : vector<16xf32>, vector<16xi1> -> vector<16xf32>
        %add3A_532 = arith.addf %masked_cumsum3A_531, %gather3A_20 : vector<16xf32>
        %mul3A_533 = arith.constant 3 : i32
        %mul3A_534 = arith.muli %add3A_463, %mul3A_533 : i32
        %add3A_535 = arith.constant 0 : i32
        %add3A_536 = arith.addi %mul3A_534, %add3A_535 : i32
        %broadcast_in_dim3A_537 = vector.broadcast %add3A_536 : i32 to vector<16xi32>
        tpu.vector_store_idx %arg17[%broadcast_in_dim3A_537], %add3A_532 masked %eq3A_32 : memref<960xf32, #tpu.memory_space<vmem>>[vector<16xi32>], vector<16xf32>, vector<16xi1>
        %mul3A_538 = arith.mulf %add3A_514, %get3A_9 : vector<16xf32>
        %mul3A_539 = arith.mulf %add3A_525, %get3A_15 : vector<16xf32>
        %add3A_540 = arith.addf %mul3A_538, %mul3A_539 : vector<16xf32>
        %broadcast_in_dim3A_541 = arith.constant true
        %broadcast_in_dim3A_542 = vector.broadcast %broadcast_in_dim3A_541 : i1 to vector<16xi1>
        %masked_cumsum3A_543 = tpu.scan <sum>, %add3A_540 masked %broadcast_in_dim3A_542 : vector<16xf32>, vector<16xi1> -> vector<16xf32>
        %add3A_544 = arith.addf %masked_cumsum3A_543, %gather3A_25 : vector<16xf32>
        %mul3A_545 = arith.constant 3 : i32
        %mul3A_546 = arith.muli %add3A_463, %mul3A_545 : i32
        %add3A_547 = arith.constant 1 : i32
        %add3A_548 = arith.addi %mul3A_546, %add3A_547 : i32
        %broadcast_in_dim3A_549 = vector.broadcast %add3A_548 : i32 to vector<16xi32>
        tpu.vector_store_idx %arg17[%broadcast_in_dim3A_549], %add3A_544 masked %eq3A_32 : memref<960xf32, #tpu.memory_space<vmem>>[vector<16xi32>], vector<16xf32>, vector<16xi1>
        %mul3A_550 = arith.mulf %add3A_514, %get3A_11 : vector<16xf32>
        %mul3A_551 = arith.mulf %add3A_525, %get3A_17 : vector<16xf32>
        %add3A_552 = arith.addf %mul3A_550, %mul3A_551 : vector<16xf32>
        %broadcast_in_dim3A_553 = arith.constant true
        %broadcast_in_dim3A_554 = vector.broadcast %broadcast_in_dim3A_553 : i1 to vector<16xi1>
        %masked_cumsum3A_555 = tpu.scan <sum>, %add3A_552 masked %broadcast_in_dim3A_554 : vector<16xf32>, vector<16xi1> -> vector<16xf32>
        %add3A_556 = arith.addf %masked_cumsum3A_555, %gather3A_30 : vector<16xf32>
        %mul3A_557 = arith.constant 3 : i32
        %mul3A_558 = arith.muli %add3A_463, %mul3A_557 : i32
        %add3A_559 = arith.constant 2 : i32
        %add3A_560 = arith.addi %mul3A_558, %add3A_559 : i32
        %broadcast_in_dim3A_561 = vector.broadcast %add3A_560 : i32 to vector<16xi32>
        tpu.vector_store_idx %arg17[%broadcast_in_dim3A_561], %add3A_556 masked %eq3A_32 : memref<960xf32, #tpu.memory_space<vmem>>[vector<16xi32>], vector<16xf32>, vector<16xi1>
        %scan3A_562 = arith.constant 4 : i32
        %scan3A_563 = arith.addi %scan3A_151, %scan3A_562 : i32
        %mul3A_564 = arith.constant 1 : i32
        %mul3A_565 = arith.muli %scan3A_563, %mul3A_564 : i32
        %add3A_566 = arith.constant 0 : i32
        %add3A_567 = arith.addi %add3A_566, %mul3A_565 : i32
        %get3A_568 = arith.index_cast %add3A_567 : i32 to index
        %get3A_569 = arith.constant 0 : index
        %get3A_570 = tpu.vector_load %arg11[%get3A_568, %get3A_569] {strides = array<i32>} : memref<320x32xi32, #tpu.memory_space<vmem>>, vector<16xi32>,
        %get3A_571 = arith.index_cast %add3A_567 : i32 to index
        %get3A_572 = arith.constant 16 : index
        %get3A_573 = tpu.vector_load %arg11[%get3A_571, %get3A_572] {strides = array<i32>} : memref<320x32xi32, #tpu.memory_space<vmem>>, vector<16xi32>,
        %get3A_574 = arith.index_cast %add3A_567 : i32 to index
        %get3A_575 = arith.constant 0 : index
        %get3A_576 = tpu.vector_load %arg13[%get3A_574, %get3A_575] {strides = array<i32>} : memref<320x32xi32, #tpu.memory_space<vmem>>, vector<16xi32>,
        %get3A_577 = arith.index_cast %add3A_567 : i32 to index
        %get3A_578 = arith.constant 16 : index
        %get3A_579 = tpu.vector_load %arg13[%get3A_577, %get3A_578] {strides = array<i32>} : memref<320x32xi32, #tpu.memory_space<vmem>>, vector<16xi32>,
        %get3A_580 = arith.index_cast %add3A_567 : i32 to index
        %get3A_581 = arith.constant 0 : index
        %get3A_582 = tpu.vector_load %arg15[%get3A_580, %get3A_581] {strides = array<i32>} : memref<320x16xi32, #tpu.memory_space<vmem>>, vector<16xi32>,
        %shift_left3A_583 = arith.constant 16 : i32
        %shift_left3A_584 = vector.broadcast %shift_left3A_583 : i32 to vector<16xi32>
        %shift_left3A_585 = arith.shli %get3A_570, %shift_left3A_584 : vector<16xi32>
        %bitcast3A_586 = vector.bitcast %shift_left3A_585 : vector<16xi32> to vector<16xf32>
        %bitcast3A_587 = vector.bitcast %get3A_570 : vector<16xi32> to vector<16xf32>
        %shift_left3A_588 = arith.constant 16 : i32
        %shift_left3A_589 = vector.broadcast %shift_left3A_588 : i32 to vector<16xi32>
        %shift_left3A_590 = arith.shli %get3A_573, %shift_left3A_589 : vector<16xi32>
        %bitcast3A_591 = vector.bitcast %shift_left3A_590 : vector<16xi32> to vector<16xf32>
        %bitcast3A_592 = vector.bitcast %get3A_573 : vector<16xi32> to vector<16xf32>
        %shift_left3A_593 = arith.constant 16 : i32
        %shift_left3A_594 = vector.broadcast %shift_left3A_593 : i32 to vector<16xi32>
        %shift_left3A_595 = arith.shli %get3A_576, %shift_left3A_594 : vector<16xi32>
        %bitcast3A_596 = vector.bitcast %shift_left3A_595 : vector<16xi32> to vector<16xf32>
        %bitcast3A_597 = vector.bitcast %get3A_576 : vector<16xi32> to vector<16xf32>
        %shift_left3A_598 = arith.constant 16 : i32
        %shift_left3A_599 = vector.broadcast %shift_left3A_598 : i32 to vector<16xi32>
        %shift_left3A_600 = arith.shli %get3A_579, %shift_left3A_599 : vector<16xi32>
        %bitcast3A_601 = vector.bitcast %shift_left3A_600 : vector<16xi32> to vector<16xf32>
        %bitcast3A_602 = vector.bitcast %get3A_579 : vector<16xi32> to vector<16xf32>
        %shift_left3A_603 = arith.constant 16 : i32
        %shift_left3A_604 = vector.broadcast %shift_left3A_603 : i32 to vector<16xi32>
        %shift_left3A_605 = arith.shli %get3A_582, %shift_left3A_604 : vector<16xi32>
        %bitcast3A_606 = vector.bitcast %shift_left3A_605 : vector<16xi32> to vector<16xf32>
        %bitcast3A_607 = vector.bitcast %get3A_582 : vector<16xi32> to vector<16xf32>
        %add3A_608 = arith.addf %bitcast3A_586, %bitcast3A_597 : vector<16xf32>
        %add3A_609 = arith.addf %add3A_608, %bitcast3A_606 : vector<16xf32>
        %max3A_610 = arith.constant 0.000000e+00 : f32
        %max3A_611 = vector.broadcast %max3A_610 : f32 to vector<16xf32>
        %max3A_612 = arith.maximumf %add3A_609, %max3A_611 : vector<16xf32>
        %add3A_613 = arith.addf %bitcast3A_596, %bitcast3A_587 : vector<16xf32>
        %add3A_614 = arith.addf %add3A_613, %bitcast3A_606 : vector<16xf32>
        %max3A_615 = arith.constant 0.000000e+00 : f32
        %max3A_616 = vector.broadcast %max3A_615 : f32 to vector<16xf32>
        %max3A_617 = arith.maximumf %add3A_614, %max3A_616 : vector<16xf32>
        %add3A_618 = arith.addf %max3A_612, %max3A_617 : vector<16xf32>
        %add3A_619 = arith.addf %bitcast3A_591, %bitcast3A_602 : vector<16xf32>
        %add3A_620 = arith.addf %add3A_619, %bitcast3A_607 : vector<16xf32>
        %max3A_621 = arith.constant 0.000000e+00 : f32
        %max3A_622 = vector.broadcast %max3A_621 : f32 to vector<16xf32>
        %max3A_623 = arith.maximumf %add3A_620, %max3A_622 : vector<16xf32>
        %add3A_624 = arith.addf %bitcast3A_601, %bitcast3A_592 : vector<16xf32>
        %add3A_625 = arith.addf %add3A_624, %bitcast3A_607 : vector<16xf32>
        %max3A_626 = arith.constant 0.000000e+00 : f32
        %max3A_627 = vector.broadcast %max3A_626 : f32 to vector<16xf32>
        %max3A_628 = arith.maximumf %add3A_625, %max3A_627 : vector<16xf32>
        %add3A_629 = arith.addf %max3A_623, %max3A_628 : vector<16xf32>
        %mul3A_630 = arith.mulf %add3A_618, %get3A_7 : vector<16xf32>
        %mul3A_631 = arith.mulf %add3A_629, %get3A_13 : vector<16xf32>
        %add3A_632 = arith.addf %mul3A_630, %mul3A_631 : vector<16xf32>
        %broadcast_in_dim3A_633 = arith.constant true
        %broadcast_in_dim3A_634 = vector.broadcast %broadcast_in_dim3A_633 : i1 to vector<16xi1>
        %masked_cumsum3A_635 = tpu.scan <sum>, %add3A_632 masked %broadcast_in_dim3A_634 : vector<16xf32>, vector<16xi1> -> vector<16xf32>
        %add3A_636 = arith.addf %masked_cumsum3A_635, %gather3A_20 : vector<16xf32>
        %mul3A_637 = arith.constant 3 : i32
        %mul3A_638 = arith.muli %add3A_567, %mul3A_637 : i32
        %add3A_639 = arith.constant 0 : i32
        %add3A_640 = arith.addi %mul3A_638, %add3A_639 : i32
        %broadcast_in_dim3A_641 = vector.broadcast %add3A_640 : i32 to vector<16xi32>
        tpu.vector_store_idx %arg17[%broadcast_in_dim3A_641], %add3A_636 masked %eq3A_32 : memref<960xf32, #tpu.memory_space<vmem>>[vector<16xi32>], vector<16xf32>, vector<16xi1>
        %mul3A_642 = arith.mulf %add3A_618, %get3A_9 : vector<16xf32>
        %mul3A_643 = arith.mulf %add3A_629, %get3A_15 : vector<16xf32>
        %add3A_644 = arith.addf %mul3A_642, %mul3A_643 : vector<16xf32>
        %broadcast_in_dim3A_645 = arith.constant true
        %broadcast_in_dim3A_646 = vector.broadcast %broadcast_in_dim3A_645 : i1 to vector<16xi1>
        %masked_cumsum3A_647 = tpu.scan <sum>, %add3A_644 masked %broadcast_in_dim3A_646 : vector<16xf32>, vector<16xi1> -> vector<16xf32>
        %add3A_648 = arith.addf %masked_cumsum3A_647, %gather3A_25 : vector<16xf32>
        %mul3A_649 = arith.constant 3 : i32
        %mul3A_650 = arith.muli %add3A_567, %mul3A_649 : i32
        %add3A_651 = arith.constant 1 : i32
        %add3A_652 = arith.addi %mul3A_650, %add3A_651 : i32
        %broadcast_in_dim3A_653 = vector.broadcast %add3A_652 : i32 to vector<16xi32>
        tpu.vector_store_idx %arg17[%broadcast_in_dim3A_653], %add3A_648 masked %eq3A_32 : memref<960xf32, #tpu.memory_space<vmem>>[vector<16xi32>], vector<16xf32>, vector<16xi1>
        %mul3A_654 = arith.mulf %add3A_618, %get3A_11 : vector<16xf32>
        %mul3A_655 = arith.mulf %add3A_629, %get3A_17 : vector<16xf32>
        %add3A_656 = arith.addf %mul3A_654, %mul3A_655 : vector<16xf32>
        %broadcast_in_dim3A_657 = arith.constant true
        %broadcast_in_dim3A_658 = vector.broadcast %broadcast_in_dim3A_657 : i1 to vector<16xi1>
        %masked_cumsum3A_659 = tpu.scan <sum>, %add3A_656 masked %broadcast_in_dim3A_658 : vector<16xf32>, vector<16xi1> -> vector<16xf32>
        %add3A_660 = arith.addf %masked_cumsum3A_659, %gather3A_30 : vector<16xf32>
        %mul3A_661 = arith.constant 3 : i32
        %mul3A_662 = arith.muli %add3A_567, %mul3A_661 : i32
        %add3A_663 = arith.constant 2 : i32
        %add3A_664 = arith.addi %mul3A_662, %add3A_663 : i32
        %broadcast_in_dim3A_665 = vector.broadcast %add3A_664 : i32 to vector<16xi32>
        tpu.vector_store_idx %arg17[%broadcast_in_dim3A_665], %add3A_660 masked %eq3A_32 : memref<960xf32, #tpu.memory_space<vmem>>[vector<16xi32>], vector<16xf32>, vector<16xi1>
        %scan3A_666 = arith.constant 5 : i32
        %scan3A_667 = arith.addi %scan3A_151, %scan3A_666 : i32
        %mul3A_668 = arith.constant 1 : i32
        %mul3A_669 = arith.muli %scan3A_667, %mul3A_668 : i32
        %add3A_670 = arith.constant 0 : i32
        %add3A_671 = arith.addi %add3A_670, %mul3A_669 : i32
        %get3A_672 = arith.index_cast %add3A_671 : i32 to index
        %get3A_673 = arith.constant 0 : index
        %get3A_674 = tpu.vector_load %arg11[%get3A_672, %get3A_673] {strides = array<i32>} : memref<320x32xi32, #tpu.memory_space<vmem>>, vector<16xi32>,
        %get3A_675 = arith.index_cast %add3A_671 : i32 to index
        %get3A_676 = arith.constant 16 : index
        %get3A_677 = tpu.vector_load %arg11[%get3A_675, %get3A_676] {strides = array<i32>} : memref<320x32xi32, #tpu.memory_space<vmem>>, vector<16xi32>,
        %get3A_678 = arith.index_cast %add3A_671 : i32 to index
        %get3A_679 = arith.constant 0 : index
        %get3A_680 = tpu.vector_load %arg13[%get3A_678, %get3A_679] {strides = array<i32>} : memref<320x32xi32, #tpu.memory_space<vmem>>, vector<16xi32>,
        %get3A_681 = arith.index_cast %add3A_671 : i32 to index
        %get3A_682 = arith.constant 16 : index
        %get3A_683 = tpu.vector_load %arg13[%get3A_681, %get3A_682] {strides = array<i32>} : memref<320x32xi32, #tpu.memory_space<vmem>>, vector<16xi32>,
        %get3A_684 = arith.index_cast %add3A_671 : i32 to index
        %get3A_685 = arith.constant 0 : index
        %get3A_686 = tpu.vector_load %arg15[%get3A_684, %get3A_685] {strides = array<i32>} : memref<320x16xi32, #tpu.memory_space<vmem>>, vector<16xi32>,
        %shift_left3A_687 = arith.constant 16 : i32
        %shift_left3A_688 = vector.broadcast %shift_left3A_687 : i32 to vector<16xi32>
        %shift_left3A_689 = arith.shli %get3A_674, %shift_left3A_688 : vector<16xi32>
        %bitcast3A_690 = vector.bitcast %shift_left3A_689 : vector<16xi32> to vector<16xf32>
        %bitcast3A_691 = vector.bitcast %get3A_674 : vector<16xi32> to vector<16xf32>
        %shift_left3A_692 = arith.constant 16 : i32
        %shift_left3A_693 = vector.broadcast %shift_left3A_692 : i32 to vector<16xi32>
        %shift_left3A_694 = arith.shli %get3A_677, %shift_left3A_693 : vector<16xi32>
        %bitcast3A_695 = vector.bitcast %shift_left3A_694 : vector<16xi32> to vector<16xf32>
        %bitcast3A_696 = vector.bitcast %get3A_677 : vector<16xi32> to vector<16xf32>
        %shift_left3A_697 = arith.constant 16 : i32
        %shift_left3A_698 = vector.broadcast %shift_left3A_697 : i32 to vector<16xi32>
        %shift_left3A_699 = arith.shli %get3A_680, %shift_left3A_698 : vector<16xi32>
        %bitcast3A_700 = vector.bitcast %shift_left3A_699 : vector<16xi32> to vector<16xf32>
        %bitcast3A_701 = vector.bitcast %get3A_680 : vector<16xi32> to vector<16xf32>
        %shift_left3A_702 = arith.constant 16 : i32
        %shift_left3A_703 = vector.broadcast %shift_left3A_702 : i32 to vector<16xi32>
        %shift_left3A_704 = arith.shli %get3A_683, %shift_left3A_703 : vector<16xi32>
        %bitcast3A_705 = vector.bitcast %shift_left3A_704 : vector<16xi32> to vector<16xf32>
        %bitcast3A_706 = vector.bitcast %get3A_683 : vector<16xi32> to vector<16xf32>
        %shift_left3A_707 = arith.constant 16 : i32
        %shift_left3A_708 = vector.broadcast %shift_left3A_707 : i32 to vector<16xi32>
        %shift_left3A_709 = arith.shli %get3A_686, %shift_left3A_708 : vector<16xi32>
        %bitcast3A_710 = vector.bitcast %shift_left3A_709 : vector<16xi32> to vector<16xf32>
        %bitcast3A_711 = vector.bitcast %get3A_686 : vector<16xi32> to vector<16xf32>
        %add3A_712 = arith.addf %bitcast3A_690, %bitcast3A_701 : vector<16xf32>
        %add3A_713 = arith.addf %add3A_712, %bitcast3A_710 : vector<16xf32>
        %max3A_714 = arith.constant 0.000000e+00 : f32
        %max3A_715 = vector.broadcast %max3A_714 : f32 to vector<16xf32>
        %max3A_716 = arith.maximumf %add3A_713, %max3A_715 : vector<16xf32>
        %add3A_717 = arith.addf %bitcast3A_700, %bitcast3A_691 : vector<16xf32>
        %add3A_718 = arith.addf %add3A_717, %bitcast3A_710 : vector<16xf32>
        %max3A_719 = arith.constant 0.000000e+00 : f32
        %max3A_720 = vector.broadcast %max3A_719 : f32 to vector<16xf32>
        %max3A_721 = arith.maximumf %add3A_718, %max3A_720 : vector<16xf32>
        %add3A_722 = arith.addf %max3A_716, %max3A_721 : vector<16xf32>
        %add3A_723 = arith.addf %bitcast3A_695, %bitcast3A_706 : vector<16xf32>
        %add3A_724 = arith.addf %add3A_723, %bitcast3A_711 : vector<16xf32>
        %max3A_725 = arith.constant 0.000000e+00 : f32
        %max3A_726 = vector.broadcast %max3A_725 : f32 to vector<16xf32>
        %max3A_727 = arith.maximumf %add3A_724, %max3A_726 : vector<16xf32>
        %add3A_728 = arith.addf %bitcast3A_705, %bitcast3A_696 : vector<16xf32>
        %add3A_729 = arith.addf %add3A_728, %bitcast3A_711 : vector<16xf32>
        %max3A_730 = arith.constant 0.000000e+00 : f32
        %max3A_731 = vector.broadcast %max3A_730 : f32 to vector<16xf32>
        %max3A_732 = arith.maximumf %add3A_729, %max3A_731 : vector<16xf32>
        %add3A_733 = arith.addf %max3A_727, %max3A_732 : vector<16xf32>
        %mul3A_734 = arith.mulf %add3A_722, %get3A_7 : vector<16xf32>
        %mul3A_735 = arith.mulf %add3A_733, %get3A_13 : vector<16xf32>
        %add3A_736 = arith.addf %mul3A_734, %mul3A_735 : vector<16xf32>
        %broadcast_in_dim3A_737 = arith.constant true
        %broadcast_in_dim3A_738 = vector.broadcast %broadcast_in_dim3A_737 : i1 to vector<16xi1>
        %masked_cumsum3A_739 = tpu.scan <sum>, %add3A_736 masked %broadcast_in_dim3A_738 : vector<16xf32>, vector<16xi1> -> vector<16xf32>
        %add3A_740 = arith.addf %masked_cumsum3A_739, %gather3A_20 : vector<16xf32>
        %mul3A_741 = arith.constant 3 : i32
        %mul3A_742 = arith.muli %add3A_671, %mul3A_741 : i32
        %add3A_743 = arith.constant 0 : i32
        %add3A_744 = arith.addi %mul3A_742, %add3A_743 : i32
        %broadcast_in_dim3A_745 = vector.broadcast %add3A_744 : i32 to vector<16xi32>
        tpu.vector_store_idx %arg17[%broadcast_in_dim3A_745], %add3A_740 masked %eq3A_32 : memref<960xf32, #tpu.memory_space<vmem>>[vector<16xi32>], vector<16xf32>, vector<16xi1>
        %mul3A_746 = arith.mulf %add3A_722, %get3A_9 : vector<16xf32>
        %mul3A_747 = arith.mulf %add3A_733, %get3A_15 : vector<16xf32>
        %add3A_748 = arith.addf %mul3A_746, %mul3A_747 : vector<16xf32>
        %broadcast_in_dim3A_749 = arith.constant true
        %broadcast_in_dim3A_750 = vector.broadcast %broadcast_in_dim3A_749 : i1 to vector<16xi1>
        %masked_cumsum3A_751 = tpu.scan <sum>, %add3A_748 masked %broadcast_in_dim3A_750 : vector<16xf32>, vector<16xi1> -> vector<16xf32>
        %add3A_752 = arith.addf %masked_cumsum3A_751, %gather3A_25 : vector<16xf32>
        %mul3A_753 = arith.constant 3 : i32
        %mul3A_754 = arith.muli %add3A_671, %mul3A_753 : i32
        %add3A_755 = arith.constant 1 : i32
        %add3A_756 = arith.addi %mul3A_754, %add3A_755 : i32
        %broadcast_in_dim3A_757 = vector.broadcast %add3A_756 : i32 to vector<16xi32>
        tpu.vector_store_idx %arg17[%broadcast_in_dim3A_757], %add3A_752 masked %eq3A_32 : memref<960xf32, #tpu.memory_space<vmem>>[vector<16xi32>], vector<16xf32>, vector<16xi1>
        %mul3A_758 = arith.mulf %add3A_722, %get3A_11 : vector<16xf32>
        %mul3A_759 = arith.mulf %add3A_733, %get3A_17 : vector<16xf32>
        %add3A_760 = arith.addf %mul3A_758, %mul3A_759 : vector<16xf32>
        %broadcast_in_dim3A_761 = arith.constant true
        %broadcast_in_dim3A_762 = vector.broadcast %broadcast_in_dim3A_761 : i1 to vector<16xi1>
        %masked_cumsum3A_763 = tpu.scan <sum>, %add3A_760 masked %broadcast_in_dim3A_762 : vector<16xf32>, vector<16xi1> -> vector<16xf32>
        %add3A_764 = arith.addf %masked_cumsum3A_763, %gather3A_30 : vector<16xf32>
        %mul3A_765 = arith.constant 3 : i32
        %mul3A_766 = arith.muli %add3A_671, %mul3A_765 : i32
        %add3A_767 = arith.constant 2 : i32
        %add3A_768 = arith.addi %mul3A_766, %add3A_767 : i32
        %broadcast_in_dim3A_769 = vector.broadcast %add3A_768 : i32 to vector<16xi32>
        tpu.vector_store_idx %arg17[%broadcast_in_dim3A_769], %add3A_764 masked %eq3A_32 : memref<960xf32, #tpu.memory_space<vmem>>[vector<16xi32>], vector<16xf32>, vector<16xi1>
        %scan3A_770 = arith.constant 6 : i32
        %scan3A_771 = arith.addi %scan3A_151, %scan3A_770 : i32
        %mul3A_772 = arith.constant 1 : i32
        %mul3A_773 = arith.muli %scan3A_771, %mul3A_772 : i32
        %add3A_774 = arith.constant 0 : i32
        %add3A_775 = arith.addi %add3A_774, %mul3A_773 : i32
        %get3A_776 = arith.index_cast %add3A_775 : i32 to index
        %get3A_777 = arith.constant 0 : index
        %get3A_778 = tpu.vector_load %arg11[%get3A_776, %get3A_777] {strides = array<i32>} : memref<320x32xi32, #tpu.memory_space<vmem>>, vector<16xi32>,
        %get3A_779 = arith.index_cast %add3A_775 : i32 to index
        %get3A_780 = arith.constant 16 : index
        %get3A_781 = tpu.vector_load %arg11[%get3A_779, %get3A_780] {strides = array<i32>} : memref<320x32xi32, #tpu.memory_space<vmem>>, vector<16xi32>,
        %get3A_782 = arith.index_cast %add3A_775 : i32 to index
        %get3A_783 = arith.constant 0 : index
        %get3A_784 = tpu.vector_load %arg13[%get3A_782, %get3A_783] {strides = array<i32>} : memref<320x32xi32, #tpu.memory_space<vmem>>, vector<16xi32>,
        %get3A_785 = arith.index_cast %add3A_775 : i32 to index
        %get3A_786 = arith.constant 16 : index
        %get3A_787 = tpu.vector_load %arg13[%get3A_785, %get3A_786] {strides = array<i32>} : memref<320x32xi32, #tpu.memory_space<vmem>>, vector<16xi32>,
        %get3A_788 = arith.index_cast %add3A_775 : i32 to index
        %get3A_789 = arith.constant 0 : index
        %get3A_790 = tpu.vector_load %arg15[%get3A_788, %get3A_789] {strides = array<i32>} : memref<320x16xi32, #tpu.memory_space<vmem>>, vector<16xi32>,
        %shift_left3A_791 = arith.constant 16 : i32
        %shift_left3A_792 = vector.broadcast %shift_left3A_791 : i32 to vector<16xi32>
        %shift_left3A_793 = arith.shli %get3A_778, %shift_left3A_792 : vector<16xi32>
        %bitcast3A_794 = vector.bitcast %shift_left3A_793 : vector<16xi32> to vector<16xf32>
        %bitcast3A_795 = vector.bitcast %get3A_778 : vector<16xi32> to vector<16xf32>
        %shift_left3A_796 = arith.constant 16 : i32
        %shift_left3A_797 = vector.broadcast %shift_left3A_796 : i32 to vector<16xi32>
        %shift_left3A_798 = arith.shli %get3A_781, %shift_left3A_797 : vector<16xi32>
        %bitcast3A_799 = vector.bitcast %shift_left3A_798 : vector<16xi32> to vector<16xf32>
        %bitcast3A_800 = vector.bitcast %get3A_781 : vector<16xi32> to vector<16xf32>
        %shift_left3A_801 = arith.constant 16 : i32
        %shift_left3A_802 = vector.broadcast %shift_left3A_801 : i32 to vector<16xi32>
        %shift_left3A_803 = arith.shli %get3A_784, %shift_left3A_802 : vector<16xi32>
        %bitcast3A_804 = vector.bitcast %shift_left3A_803 : vector<16xi32> to vector<16xf32>
        %bitcast3A_805 = vector.bitcast %get3A_784 : vector<16xi32> to vector<16xf32>
        %shift_left3A_806 = arith.constant 16 : i32
        %shift_left3A_807 = vector.broadcast %shift_left3A_806 : i32 to vector<16xi32>
        %shift_left3A_808 = arith.shli %get3A_787, %shift_left3A_807 : vector<16xi32>
        %bitcast3A_809 = vector.bitcast %shift_left3A_808 : vector<16xi32> to vector<16xf32>
        %bitcast3A_810 = vector.bitcast %get3A_787 : vector<16xi32> to vector<16xf32>
        %shift_left3A_811 = arith.constant 16 : i32
        %shift_left3A_812 = vector.broadcast %shift_left3A_811 : i32 to vector<16xi32>
        %shift_left3A_813 = arith.shli %get3A_790, %shift_left3A_812 : vector<16xi32>
        %bitcast3A_814 = vector.bitcast %shift_left3A_813 : vector<16xi32> to vector<16xf32>
        %bitcast3A_815 = vector.bitcast %get3A_790 : vector<16xi32> to vector<16xf32>
        %add3A_816 = arith.addf %bitcast3A_794, %bitcast3A_805 : vector<16xf32>
        %add3A_817 = arith.addf %add3A_816, %bitcast3A_814 : vector<16xf32>
        %max3A_818 = arith.constant 0.000000e+00 : f32
        %max3A_819 = vector.broadcast %max3A_818 : f32 to vector<16xf32>
        %max3A_820 = arith.maximumf %add3A_817, %max3A_819 : vector<16xf32>
        %add3A_821 = arith.addf %bitcast3A_804, %bitcast3A_795 : vector<16xf32>
        %add3A_822 = arith.addf %add3A_821, %bitcast3A_814 : vector<16xf32>
        %max3A_823 = arith.constant 0.000000e+00 : f32
        %max3A_824 = vector.broadcast %max3A_823 : f32 to vector<16xf32>
        %max3A_825 = arith.maximumf %add3A_822, %max3A_824 : vector<16xf32>
        %add3A_826 = arith.addf %max3A_820, %max3A_825 : vector<16xf32>
        %add3A_827 = arith.addf %bitcast3A_799, %bitcast3A_810 : vector<16xf32>
        %add3A_828 = arith.addf %add3A_827, %bitcast3A_815 : vector<16xf32>
        %max3A_829 = arith.constant 0.000000e+00 : f32
        %max3A_830 = vector.broadcast %max3A_829 : f32 to vector<16xf32>
        %max3A_831 = arith.maximumf %add3A_828, %max3A_830 : vector<16xf32>
        %add3A_832 = arith.addf %bitcast3A_809, %bitcast3A_800 : vector<16xf32>
        %add3A_833 = arith.addf %add3A_832, %bitcast3A_815 : vector<16xf32>
        %max3A_834 = arith.constant 0.000000e+00 : f32
        %max3A_835 = vector.broadcast %max3A_834 : f32 to vector<16xf32>
        %max3A_836 = arith.maximumf %add3A_833, %max3A_835 : vector<16xf32>
        %add3A_837 = arith.addf %max3A_831, %max3A_836 : vector<16xf32>
        %mul3A_838 = arith.mulf %add3A_826, %get3A_7 : vector<16xf32>
        %mul3A_839 = arith.mulf %add3A_837, %get3A_13 : vector<16xf32>
        %add3A_840 = arith.addf %mul3A_838, %mul3A_839 : vector<16xf32>
        %broadcast_in_dim3A_841 = arith.constant true
        %broadcast_in_dim3A_842 = vector.broadcast %broadcast_in_dim3A_841 : i1 to vector<16xi1>
        %masked_cumsum3A_843 = tpu.scan <sum>, %add3A_840 masked %broadcast_in_dim3A_842 : vector<16xf32>, vector<16xi1> -> vector<16xf32>
        %add3A_844 = arith.addf %masked_cumsum3A_843, %gather3A_20 : vector<16xf32>
        %mul3A_845 = arith.constant 3 : i32
        %mul3A_846 = arith.muli %add3A_775, %mul3A_845 : i32
        %add3A_847 = arith.constant 0 : i32
        %add3A_848 = arith.addi %mul3A_846, %add3A_847 : i32
        %broadcast_in_dim3A_849 = vector.broadcast %add3A_848 : i32 to vector<16xi32>
        tpu.vector_store_idx %arg17[%broadcast_in_dim3A_849], %add3A_844 masked %eq3A_32 : memref<960xf32, #tpu.memory_space<vmem>>[vector<16xi32>], vector<16xf32>, vector<16xi1>
        %mul3A_850 = arith.mulf %add3A_826, %get3A_9 : vector<16xf32>
        %mul3A_851 = arith.mulf %add3A_837, %get3A_15 : vector<16xf32>
        %add3A_852 = arith.addf %mul3A_850, %mul3A_851 : vector<16xf32>
        %broadcast_in_dim3A_853 = arith.constant true
        %broadcast_in_dim3A_854 = vector.broadcast %broadcast_in_dim3A_853 : i1 to vector<16xi1>
        %masked_cumsum3A_855 = tpu.scan <sum>, %add3A_852 masked %broadcast_in_dim3A_854 : vector<16xf32>, vector<16xi1> -> vector<16xf32>
        %add3A_856 = arith.addf %masked_cumsum3A_855, %gather3A_25 : vector<16xf32>
        %mul3A_857 = arith.constant 3 : i32
        %mul3A_858 = arith.muli %add3A_775, %mul3A_857 : i32
        %add3A_859 = arith.constant 1 : i32
        %add3A_860 = arith.addi %mul3A_858, %add3A_859 : i32
        %broadcast_in_dim3A_861 = vector.broadcast %add3A_860 : i32 to vector<16xi32>
        tpu.vector_store_idx %arg17[%broadcast_in_dim3A_861], %add3A_856 masked %eq3A_32 : memref<960xf32, #tpu.memory_space<vmem>>[vector<16xi32>], vector<16xf32>, vector<16xi1>
        %mul3A_862 = arith.mulf %add3A_826, %get3A_11 : vector<16xf32>
        %mul3A_863 = arith.mulf %add3A_837, %get3A_17 : vector<16xf32>
        %add3A_864 = arith.addf %mul3A_862, %mul3A_863 : vector<16xf32>
        %broadcast_in_dim3A_865 = arith.constant true
        %broadcast_in_dim3A_866 = vector.broadcast %broadcast_in_dim3A_865 : i1 to vector<16xi1>
        %masked_cumsum3A_867 = tpu.scan <sum>, %add3A_864 masked %broadcast_in_dim3A_866 : vector<16xf32>, vector<16xi1> -> vector<16xf32>
        %add3A_868 = arith.addf %masked_cumsum3A_867, %gather3A_30 : vector<16xf32>
        %mul3A_869 = arith.constant 3 : i32
        %mul3A_870 = arith.muli %add3A_775, %mul3A_869 : i32
        %add3A_871 = arith.constant 2 : i32
        %add3A_872 = arith.addi %mul3A_870, %add3A_871 : i32
        %broadcast_in_dim3A_873 = vector.broadcast %add3A_872 : i32 to vector<16xi32>
        tpu.vector_store_idx %arg17[%broadcast_in_dim3A_873], %add3A_868 masked %eq3A_32 : memref<960xf32, #tpu.memory_space<vmem>>[vector<16xi32>], vector<16xf32>, vector<16xi1>
        %scan3A_874 = arith.constant 7 : i32
        %scan3A_875 = arith.addi %scan3A_151, %scan3A_874 : i32
        %mul3A_876 = arith.constant 1 : i32
        %mul3A_877 = arith.muli %scan3A_875, %mul3A_876 : i32
        %add3A_878 = arith.constant 0 : i32
        %add3A_879 = arith.addi %add3A_878, %mul3A_877 : i32
        %get3A_880 = arith.index_cast %add3A_879 : i32 to index
        %get3A_881 = arith.constant 0 : index
        %get3A_882 = tpu.vector_load %arg11[%get3A_880, %get3A_881] {strides = array<i32>} : memref<320x32xi32, #tpu.memory_space<vmem>>, vector<16xi32>,
        %get3A_883 = arith.index_cast %add3A_879 : i32 to index
        %get3A_884 = arith.constant 16 : index
        %get3A_885 = tpu.vector_load %arg11[%get3A_883, %get3A_884] {strides = array<i32>} : memref<320x32xi32, #tpu.memory_space<vmem>>, vector<16xi32>,
        %get3A_886 = arith.index_cast %add3A_879 : i32 to index
        %get3A_887 = arith.constant 0 : index
        %get3A_888 = tpu.vector_load %arg13[%get3A_886, %get3A_887] {strides = array<i32>} : memref<320x32xi32, #tpu.memory_space<vmem>>, vector<16xi32>,
        %get3A_889 = arith.index_cast %add3A_879 : i32 to index
        %get3A_890 = arith.constant 16 : index
        %get3A_891 = tpu.vector_load %arg13[%get3A_889, %get3A_890] {strides = array<i32>} : memref<320x32xi32, #tpu.memory_space<vmem>>, vector<16xi32>,
        %get3A_892 = arith.index_cast %add3A_879 : i32 to index
        %get3A_893 = arith.constant 0 : index
        %get3A_894 = tpu.vector_load %arg15[%get3A_892, %get3A_893] {strides = array<i32>} : memref<320x16xi32, #tpu.memory_space<vmem>>, vector<16xi32>,
        %shift_left3A_895 = arith.constant 16 : i32
        %shift_left3A_896 = vector.broadcast %shift_left3A_895 : i32 to vector<16xi32>
        %shift_left3A_897 = arith.shli %get3A_882, %shift_left3A_896 : vector<16xi32>
        %bitcast3A_898 = vector.bitcast %shift_left3A_897 : vector<16xi32> to vector<16xf32>
        %bitcast3A_899 = vector.bitcast %get3A_882 : vector<16xi32> to vector<16xf32>
        %shift_left3A_900 = arith.constant 16 : i32
        %shift_left3A_901 = vector.broadcast %shift_left3A_900 : i32 to vector<16xi32>
        %shift_left3A_902 = arith.shli %get3A_885, %shift_left3A_901 : vector<16xi32>
        %bitcast3A_903 = vector.bitcast %shift_left3A_902 : vector<16xi32> to vector<16xf32>
        %bitcast3A_904 = vector.bitcast %get3A_885 : vector<16xi32> to vector<16xf32>
        %shift_left3A_905 = arith.constant 16 : i32
        %shift_left3A_906 = vector.broadcast %shift_left3A_905 : i32 to vector<16xi32>
        %shift_left3A_907 = arith.shli %get3A_888, %shift_left3A_906 : vector<16xi32>
        %bitcast3A_908 = vector.bitcast %shift_left3A_907 : vector<16xi32> to vector<16xf32>
        %bitcast3A_909 = vector.bitcast %get3A_888 : vector<16xi32> to vector<16xf32>
        %shift_left3A_910 = arith.constant 16 : i32
        %shift_left3A_911 = vector.broadcast %shift_left3A_910 : i32 to vector<16xi32>
        %shift_left3A_912 = arith.shli %get3A_891, %shift_left3A_911 : vector<16xi32>
        %bitcast3A_913 = vector.bitcast %shift_left3A_912 : vector<16xi32> to vector<16xf32>
        %bitcast3A_914 = vector.bitcast %get3A_891 : vector<16xi32> to vector<16xf32>
        %shift_left3A_915 = arith.constant 16 : i32
        %shift_left3A_916 = vector.broadcast %shift_left3A_915 : i32 to vector<16xi32>
        %shift_left3A_917 = arith.shli %get3A_894, %shift_left3A_916 : vector<16xi32>
        %bitcast3A_918 = vector.bitcast %shift_left3A_917 : vector<16xi32> to vector<16xf32>
        %bitcast3A_919 = vector.bitcast %get3A_894 : vector<16xi32> to vector<16xf32>
        %add3A_920 = arith.addf %bitcast3A_898, %bitcast3A_909 : vector<16xf32>
        %add3A_921 = arith.addf %add3A_920, %bitcast3A_918 : vector<16xf32>
        %max3A_922 = arith.constant 0.000000e+00 : f32
        %max3A_923 = vector.broadcast %max3A_922 : f32 to vector<16xf32>
        %max3A_924 = arith.maximumf %add3A_921, %max3A_923 : vector<16xf32>
        %add3A_925 = arith.addf %bitcast3A_908, %bitcast3A_899 : vector<16xf32>
        %add3A_926 = arith.addf %add3A_925, %bitcast3A_918 : vector<16xf32>
        %max3A_927 = arith.constant 0.000000e+00 : f32
        %max3A_928 = vector.broadcast %max3A_927 : f32 to vector<16xf32>
        %max3A_929 = arith.maximumf %add3A_926, %max3A_928 : vector<16xf32>
        %add3A_930 = arith.addf %max3A_924, %max3A_929 : vector<16xf32>
        %add3A_931 = arith.addf %bitcast3A_903, %bitcast3A_914 : vector<16xf32>
        %add3A_932 = arith.addf %add3A_931, %bitcast3A_919 : vector<16xf32>
        %max3A_933 = arith.constant 0.000000e+00 : f32
        %max3A_934 = vector.broadcast %max3A_933 : f32 to vector<16xf32>
        %max3A_935 = arith.maximumf %add3A_932, %max3A_934 : vector<16xf32>
        %add3A_936 = arith.addf %bitcast3A_913, %bitcast3A_904 : vector<16xf32>
        %add3A_937 = arith.addf %add3A_936, %bitcast3A_919 : vector<16xf32>
        %max3A_938 = arith.constant 0.000000e+00 : f32
        %max3A_939 = vector.broadcast %max3A_938 : f32 to vector<16xf32>
        %max3A_940 = arith.maximumf %add3A_937, %max3A_939 : vector<16xf32>
        %add3A_941 = arith.addf %max3A_935, %max3A_940 : vector<16xf32>
        %mul3A_942 = arith.mulf %add3A_930, %get3A_7 : vector<16xf32>
        %mul3A_943 = arith.mulf %add3A_941, %get3A_13 : vector<16xf32>
        %add3A_944 = arith.addf %mul3A_942, %mul3A_943 : vector<16xf32>
        %broadcast_in_dim3A_945 = arith.constant true
        %broadcast_in_dim3A_946 = vector.broadcast %broadcast_in_dim3A_945 : i1 to vector<16xi1>
        %masked_cumsum3A_947 = tpu.scan <sum>, %add3A_944 masked %broadcast_in_dim3A_946 : vector<16xf32>, vector<16xi1> -> vector<16xf32>
        %add3A_948 = arith.addf %masked_cumsum3A_947, %gather3A_20 : vector<16xf32>
        %mul3A_949 = arith.constant 3 : i32
        %mul3A_950 = arith.muli %add3A_879, %mul3A_949 : i32
        %add3A_951 = arith.constant 0 : i32
        %add3A_952 = arith.addi %mul3A_950, %add3A_951 : i32
        %broadcast_in_dim3A_953 = vector.broadcast %add3A_952 : i32 to vector<16xi32>
        tpu.vector_store_idx %arg17[%broadcast_in_dim3A_953], %add3A_948 masked %eq3A_32 : memref<960xf32, #tpu.memory_space<vmem>>[vector<16xi32>], vector<16xf32>, vector<16xi1>
        %mul3A_954 = arith.mulf %add3A_930, %get3A_9 : vector<16xf32>
        %mul3A_955 = arith.mulf %add3A_941, %get3A_15 : vector<16xf32>
        %add3A_956 = arith.addf %mul3A_954, %mul3A_955 : vector<16xf32>
        %broadcast_in_dim3A_957 = arith.constant true
        %broadcast_in_dim3A_958 = vector.broadcast %broadcast_in_dim3A_957 : i1 to vector<16xi1>
        %masked_cumsum3A_959 = tpu.scan <sum>, %add3A_956 masked %broadcast_in_dim3A_958 : vector<16xf32>, vector<16xi1> -> vector<16xf32>
        %add3A_960 = arith.addf %masked_cumsum3A_959, %gather3A_25 : vector<16xf32>
        %mul3A_961 = arith.constant 3 : i32
        %mul3A_962 = arith.muli %add3A_879, %mul3A_961 : i32
        %add3A_963 = arith.constant 1 : i32
        %add3A_964 = arith.addi %mul3A_962, %add3A_963 : i32
        %broadcast_in_dim3A_965 = vector.broadcast %add3A_964 : i32 to vector<16xi32>
        tpu.vector_store_idx %arg17[%broadcast_in_dim3A_965], %add3A_960 masked %eq3A_32 : memref<960xf32, #tpu.memory_space<vmem>>[vector<16xi32>], vector<16xf32>, vector<16xi1>
        %mul3A_966 = arith.mulf %add3A_930, %get3A_11 : vector<16xf32>
        %mul3A_967 = arith.mulf %add3A_941, %get3A_17 : vector<16xf32>
        %add3A_968 = arith.addf %mul3A_966, %mul3A_967 : vector<16xf32>
        %broadcast_in_dim3A_969 = arith.constant true
        %broadcast_in_dim3A_970 = vector.broadcast %broadcast_in_dim3A_969 : i1 to vector<16xi1>
        %masked_cumsum3A_971 = tpu.scan <sum>, %add3A_968 masked %broadcast_in_dim3A_970 : vector<16xf32>, vector<16xi1> -> vector<16xf32>
        %add3A_972 = arith.addf %masked_cumsum3A_971, %gather3A_30 : vector<16xf32>
        %mul3A_973 = arith.constant 3 : i32
        %mul3A_974 = arith.muli %add3A_879, %mul3A_973 : i32
        %add3A_975 = arith.constant 2 : i32
        %add3A_976 = arith.addi %mul3A_974, %add3A_975 : i32
        %broadcast_in_dim3A_977 = vector.broadcast %add3A_976 : i32 to vector<16xi32>
        tpu.vector_store_idx %arg17[%broadcast_in_dim3A_977], %add3A_972 masked %eq3A_32 : memref<960xf32, #tpu.memory_space<vmem>>[vector<16xi32>], vector<16xf32>, vector<16xi1>
      }
      %scan3A_109 = arith.constant 320 : i32
      %mul3A_110 = arith.constant 320 : i32
      %mul3A_111 = arith.muli %mul3A_63, %mul3A_110 : i32
      %add3A_112 = arith.addi %mul3A_2, %mul3A_111 : i32
      %mul3A_113 = arith.constant 3 : i32
      %mul3A_114 = arith.muli %add3A_112, %mul3A_113 : i32
      "tpu.region"() ({
        %run_scoped3A_151 = tpu.sem_alloc : memref<!tpu.dma_semaphore, #tpu.memory_space<semaphore_mem>>
        %dma_start3A_152 = tpu.memref_slice %arg9[%mul3A_114] : memref<614400xf32, #tpu.memory_space<hbm>> -> memref<960xf32, #tpu.memory_space<hbm>>
        %dma_start3A_153 = tpu.memref_slice %arg9[%mul3A_114] : memref<614400xf32, #tpu.memory_space<hbm>> -> memref<960xf32, #tpu.memory_space<hbm>>
        tpu.enqueue_dma source(%arg17 : memref<960xf32, #tpu.memory_space<vmem>>) target(%dma_start3A_153 : memref<960xf32, #tpu.memory_space<hbm>>) target_semaphore(%run_scoped3A_151 : memref<!tpu.dma_semaphore, #tpu.memory_space<semaphore_mem>>)
        %dma_wait3A_154 = tpu.memref_slice %arg9[%mul3A_114] : memref<614400xf32, #tpu.memory_space<hbm>> -> memref<960xf32, #tpu.memory_space<hbm>>
        %dma_wait3A_155 = tpu.memref_slice %arg9[%mul3A_114] : memref<614400xf32, #tpu.memory_space<hbm>> -> memref<960xf32, #tpu.memory_space<hbm>>
        tpu.wait_dma2 semaphore(%run_scoped3A_151 : memref<!tpu.dma_semaphore, #tpu.memory_space<semaphore_mem>>) src(%arg17 : memref<960xf32, #tpu.memory_space<vmem>>) dst(%dma_wait3A_155 : memref<960xf32, #tpu.memory_space<hbm>>)
        tpu.yield
      }) : () -> ()
      %lt3A = arith.constant 9 : i32
      %lt3A_115 = arith.cmpi slt, %add3A_61, %lt3A : i32
      %convert_element_type3A = arith.extui %lt3A_115 : i1 to i32
      %cond3A = arith.constant 0 : i32
      %cond3A_116 = arith.cmpi ne, %convert_element_type3A, %cond3A : i32
      scf.if %cond3A_116 {
        %add3A_151 = arith.constant 2 : i32
        %add3A_152 = arith.addi %mul3A_63, %add3A_151 : i32
        %mul3A_153 = arith.constant 320 : i32
        %mul3A_154 = arith.muli %add3A_152, %mul3A_153 : i32
        %dma_start3A_155 = arith.constant 0 : i32
        %dma_start3A_156 = tpu.memref_slice %arg10[%dma_start3A_155, %mul3A_154] : memref<3x6400xi32, #tpu.memory_space<vmem>> -> memref<1x320xi32, #tpu.memory_space<vmem>>
        %dma_start3A_157 = tpu.memref_squeeze %dma_start3A_156 : memref<1x320xi32, #tpu.memory_space<vmem>> -> memref<320xi32, #tpu.memory_space<vmem>>
        %dma_start3A_158 = arith.constant 0 : i32
        %dma_start3A_159 = arith.constant 0 : i32
        %dma_start3A_160 = tpu.memref_slice %arg2[%dma_start3A_158, %dma_start3A_159] : memref<100000x32xi32, #tpu.memory_space<hbm>> -> memref<100000x32xi32, #tpu.memory_space<hbm>>
        tpu.enqueue_indirect_dma source(%dma_start3A_160 : memref<100000x32xi32, #tpu.memory_space<hbm>>) target(%arg11 : memref<320x32xi32, #tpu.memory_space<vmem>>) offsets(%dma_start3A_157 : memref<320xi32, #tpu.memory_space<vmem>>) semaphore(%arg21 : memref<!tpu.dma_semaphore, #tpu.memory_space<semaphore_mem>>)
        %dma_start3A_161 = arith.constant 1 : i32
        %dma_start3A_162 = tpu.memref_slice %arg10[%dma_start3A_161, %mul3A_154] : memref<3x6400xi32, #tpu.memory_space<vmem>> -> memref<1x320xi32, #tpu.memory_space<vmem>>
        %dma_start3A_163 = tpu.memref_squeeze %dma_start3A_162 : memref<1x320xi32, #tpu.memory_space<vmem>> -> memref<320xi32, #tpu.memory_space<vmem>>
        %dma_start3A_164 = arith.constant 0 : i32
        %dma_start3A_165 = arith.constant 0 : i32
        %dma_start3A_166 = tpu.memref_slice %arg3[%dma_start3A_164, %dma_start3A_165] : memref<100000x16xi32, #tpu.memory_space<hbm>> -> memref<100000x16xi32, #tpu.memory_space<hbm>>
        tpu.enqueue_indirect_dma source(%dma_start3A_166 : memref<100000x16xi32, #tpu.memory_space<hbm>>) target(%arg15 : memref<320x16xi32, #tpu.memory_space<vmem>>) offsets(%dma_start3A_163 : memref<320xi32, #tpu.memory_space<vmem>>) semaphore(%arg21 : memref<!tpu.dma_semaphore, #tpu.memory_space<semaphore_mem>>)
        %dma_start3A_167 = arith.constant 2 : i32
        %dma_start3A_168 = tpu.memref_slice %arg10[%dma_start3A_167, %mul3A_154] : memref<3x6400xi32, #tpu.memory_space<vmem>> -> memref<1x320xi32, #tpu.memory_space<vmem>>
        %dma_start3A_169 = tpu.memref_squeeze %dma_start3A_168 : memref<1x320xi32, #tpu.memory_space<vmem>> -> memref<320xi32, #tpu.memory_space<vmem>>
        %dma_start3A_170 = arith.constant 0 : i32
        %dma_start3A_171 = arith.constant 0 : i32
        %dma_start3A_172 = tpu.memref_slice %arg2[%dma_start3A_170, %dma_start3A_171] : memref<100000x32xi32, #tpu.memory_space<hbm>> -> memref<100000x32xi32, #tpu.memory_space<hbm>>
        tpu.enqueue_indirect_dma source(%dma_start3A_172 : memref<100000x32xi32, #tpu.memory_space<hbm>>) target(%arg13 : memref<320x32xi32, #tpu.memory_space<vmem>>) offsets(%dma_start3A_169 : memref<320xi32, #tpu.memory_space<vmem>>) semaphore(%arg21 : memref<!tpu.dma_semaphore, #tpu.memory_space<semaphore_mem>>)
      } else {
      }
      %add3A_117 = arith.constant 1 : i32
      %add3A_118 = arith.addi %mul3A_63, %add3A_117 : i32
      %mul3A_119 = arith.constant 320 : i32
      %mul3A_120 = arith.muli %add3A_118, %mul3A_119 : i32
      %dma_wait3A_121 = arith.constant 0 : i32
      %dma_wait3A_122 = tpu.memref_slice %arg10[%dma_wait3A_121, %mul3A_120] : memref<3x6400xi32, #tpu.memory_space<vmem>> -> memref<1x320xi32, #tpu.memory_space<vmem>>
      %dma_wait3A_123 = tpu.memref_squeeze %dma_wait3A_122 : memref<1x320xi32, #tpu.memory_space<vmem>> -> memref<320xi32, #tpu.memory_space<vmem>>
      %dma_wait3A_124 = arith.constant 0 : i32
      %dma_wait3A_125 = arith.constant 0 : i32
      %dma_wait3A_126 = tpu.memref_slice %arg2[%dma_wait3A_124, %dma_wait3A_125] : memref<100000x32xi32, #tpu.memory_space<hbm>> -> memref<100000x32xi32, #tpu.memory_space<hbm>>
      tpu.wait_indirect_dma semaphore(%arg22 : memref<!tpu.dma_semaphore, #tpu.memory_space<semaphore_mem>>) src(%dma_wait3A_126 : memref<100000x32xi32, #tpu.memory_space<hbm>>) dst(%arg12 : memref<320x32xi32, #tpu.memory_space<vmem>>)
      %dma_wait3A_127 = arith.constant 1 : i32
      %dma_wait3A_128 = tpu.memref_slice %arg10[%dma_wait3A_127, %mul3A_120] : memref<3x6400xi32, #tpu.memory_space<vmem>> -> memref<1x320xi32, #tpu.memory_space<vmem>>
      %dma_wait3A_129 = tpu.memref_squeeze %dma_wait3A_128 : memref<1x320xi32, #tpu.memory_space<vmem>> -> memref<320xi32, #tpu.memory_space<vmem>>
      %dma_wait3A_130 = arith.constant 0 : i32
      %dma_wait3A_131 = arith.constant 0 : i32
      %dma_wait3A_132 = tpu.memref_slice %arg3[%dma_wait3A_130, %dma_wait3A_131] : memref<100000x16xi32, #tpu.memory_space<hbm>> -> memref<100000x16xi32, #tpu.memory_space<hbm>>
      tpu.wait_indirect_dma semaphore(%arg22 : memref<!tpu.dma_semaphore, #tpu.memory_space<semaphore_mem>>) src(%dma_wait3A_132 : memref<100000x16xi32, #tpu.memory_space<hbm>>) dst(%arg16 : memref<320x16xi32, #tpu.memory_space<vmem>>)
      %dma_wait3A_133 = arith.constant 2 : i32
      %dma_wait3A_134 = tpu.memref_slice %arg10[%dma_wait3A_133, %mul3A_120] : memref<3x6400xi32, #tpu.memory_space<vmem>> -> memref<1x320xi32, #tpu.memory_space<vmem>>
      %dma_wait3A_135 = tpu.memref_squeeze %dma_wait3A_134 : memref<1x320xi32, #tpu.memory_space<vmem>> -> memref<320xi32, #tpu.memory_space<vmem>>
      %dma_wait3A_136 = arith.constant 0 : i32
      %dma_wait3A_137 = arith.constant 0 : i32
      %dma_wait3A_138 = tpu.memref_slice %arg2[%dma_wait3A_136, %dma_wait3A_137] : memref<100000x32xi32, #tpu.memory_space<hbm>> -> memref<100000x32xi32, #tpu.memory_space<hbm>>
      tpu.wait_indirect_dma semaphore(%arg22 : memref<!tpu.dma_semaphore, #tpu.memory_space<semaphore_mem>>) src(%dma_wait3A_138 : memref<100000x32xi32, #tpu.memory_space<hbm>>) dst(%arg14 : memref<320x32xi32, #tpu.memory_space<vmem>>)
      %add3A_139 = arith.constant 1 : i32
      %add3A_140 = arith.addi %mul3A_63, %add3A_139 : i32
      %scan3A_141 = arith.constant 0 : i32
      %scan3A_142 = arith.constant 320 : i32
      %scan3A_143 = arith.addi %scan3A_141, %scan3A_142 : i32
      %scan3A_144 = arith.constant 8 : i32
      scf.for %scan3A_151 = %scan3A_141 to %scan3A_143 step %scan3A_144  : i32 {
        %mul3A_152 = arith.constant 1 : i32
        %mul3A_153 = arith.muli %scan3A_151, %mul3A_152 : i32
        %add3A_154 = arith.constant 0 : i32
        %add3A_155 = arith.addi %add3A_154, %mul3A_153 : i32
        %get3A_156 = arith.index_cast %add3A_155 : i32 to index
        %get3A_157 = arith.constant 0 : index
        %get3A_158 = tpu.vector_load %arg12[%get3A_156, %get3A_157] {strides = array<i32>} : memref<320x32xi32, #tpu.memory_space<vmem>>, vector<16xi32>,
        %get3A_159 = arith.index_cast %add3A_155 : i32 to index
        %get3A_160 = arith.constant 16 : index
        %get3A_161 = tpu.vector_load %arg12[%get3A_159, %get3A_160] {strides = array<i32>} : memref<320x32xi32, #tpu.memory_space<vmem>>, vector<16xi32>,
        %get3A_162 = arith.index_cast %add3A_155 : i32 to index
        %get3A_163 = arith.constant 0 : index
        %get3A_164 = tpu.vector_load %arg14[%get3A_162, %get3A_163] {strides = array<i32>} : memref<320x32xi32, #tpu.memory_space<vmem>>, vector<16xi32>,
        %get3A_165 = arith.index_cast %add3A_155 : i32 to index
        %get3A_166 = arith.constant 16 : index
        %get3A_167 = tpu.vector_load %arg14[%get3A_165, %get3A_166] {strides = array<i32>} : memref<320x32xi32, #tpu.memory_space<vmem>>, vector<16xi32>,
        %get3A_168 = arith.index_cast %add3A_155 : i32 to index
        %get3A_169 = arith.constant 0 : index
        %get3A_170 = tpu.vector_load %arg16[%get3A_168, %get3A_169] {strides = array<i32>} : memref<320x16xi32, #tpu.memory_space<vmem>>, vector<16xi32>,
        %shift_left3A = arith.constant 16 : i32
        %shift_left3A_171 = vector.broadcast %shift_left3A : i32 to vector<16xi32>
        %shift_left3A_172 = arith.shli %get3A_158, %shift_left3A_171 : vector<16xi32>
        %bitcast3A = vector.bitcast %shift_left3A_172 : vector<16xi32> to vector<16xf32>
        %bitcast3A_173 = vector.bitcast %get3A_158 : vector<16xi32> to vector<16xf32>
        %shift_left3A_174 = arith.constant 16 : i32
        %shift_left3A_175 = vector.broadcast %shift_left3A_174 : i32 to vector<16xi32>
        %shift_left3A_176 = arith.shli %get3A_161, %shift_left3A_175 : vector<16xi32>
        %bitcast3A_177 = vector.bitcast %shift_left3A_176 : vector<16xi32> to vector<16xf32>
        %bitcast3A_178 = vector.bitcast %get3A_161 : vector<16xi32> to vector<16xf32>
        %shift_left3A_179 = arith.constant 16 : i32
        %shift_left3A_180 = vector.broadcast %shift_left3A_179 : i32 to vector<16xi32>
        %shift_left3A_181 = arith.shli %get3A_164, %shift_left3A_180 : vector<16xi32>
        %bitcast3A_182 = vector.bitcast %shift_left3A_181 : vector<16xi32> to vector<16xf32>
        %bitcast3A_183 = vector.bitcast %get3A_164 : vector<16xi32> to vector<16xf32>
        %shift_left3A_184 = arith.constant 16 : i32
        %shift_left3A_185 = vector.broadcast %shift_left3A_184 : i32 to vector<16xi32>
        %shift_left3A_186 = arith.shli %get3A_167, %shift_left3A_185 : vector<16xi32>
        %bitcast3A_187 = vector.bitcast %shift_left3A_186 : vector<16xi32> to vector<16xf32>
        %bitcast3A_188 = vector.bitcast %get3A_167 : vector<16xi32> to vector<16xf32>
        %shift_left3A_189 = arith.constant 16 : i32
        %shift_left3A_190 = vector.broadcast %shift_left3A_189 : i32 to vector<16xi32>
        %shift_left3A_191 = arith.shli %get3A_170, %shift_left3A_190 : vector<16xi32>
        %bitcast3A_192 = vector.bitcast %shift_left3A_191 : vector<16xi32> to vector<16xf32>
        %bitcast3A_193 = vector.bitcast %get3A_170 : vector<16xi32> to vector<16xf32>
        %add3A_194 = arith.addf %bitcast3A, %bitcast3A_183 : vector<16xf32>
        %add3A_195 = arith.addf %add3A_194, %bitcast3A_192 : vector<16xf32>
        %max3A = arith.constant 0.000000e+00 : f32
        %max3A_196 = vector.broadcast %max3A : f32 to vector<16xf32>
        %max3A_197 = arith.maximumf %add3A_195, %max3A_196 : vector<16xf32>
        %add3A_198 = arith.addf %bitcast3A_182, %bitcast3A_173 : vector<16xf32>
        %add3A_199 = arith.addf %add3A_198, %bitcast3A_192 : vector<16xf32>
        %max3A_200 = arith.constant 0.000000e+00 : f32
        %max3A_201 = vector.broadcast %max3A_200 : f32 to vector<16xf32>
        %max3A_202 = arith.maximumf %add3A_199, %max3A_201 : vector<16xf32>
        %add3A_203 = arith.addf %max3A_197, %max3A_202 : vector<16xf32>
        %add3A_204 = arith.addf %bitcast3A_177, %bitcast3A_188 : vector<16xf32>
        %add3A_205 = arith.addf %add3A_204, %bitcast3A_193 : vector<16xf32>
        %max3A_206 = arith.constant 0.000000e+00 : f32
        %max3A_207 = vector.broadcast %max3A_206 : f32 to vector<16xf32>
        %max3A_208 = arith.maximumf %add3A_205, %max3A_207 : vector<16xf32>
        %add3A_209 = arith.addf %bitcast3A_187, %bitcast3A_178 : vector<16xf32>
        %add3A_210 = arith.addf %add3A_209, %bitcast3A_193 : vector<16xf32>
        %max3A_211 = arith.constant 0.000000e+00 : f32
        %max3A_212 = vector.broadcast %max3A_211 : f32 to vector<16xf32>
        %max3A_213 = arith.maximumf %add3A_210, %max3A_212 : vector<16xf32>
        %add3A_214 = arith.addf %max3A_208, %max3A_213 : vector<16xf32>
        %mul3A_215 = arith.mulf %add3A_203, %get3A_7 : vector<16xf32>
        %mul3A_216 = arith.mulf %add3A_214, %get3A_13 : vector<16xf32>
        %add3A_217 = arith.addf %mul3A_215, %mul3A_216 : vector<16xf32>
        %broadcast_in_dim3A_218 = arith.constant true
        %broadcast_in_dim3A_219 = vector.broadcast %broadcast_in_dim3A_218 : i1 to vector<16xi1>
        %masked_cumsum3A = tpu.scan <sum>, %add3A_217 masked %broadcast_in_dim3A_219 : vector<16xf32>, vector<16xi1> -> vector<16xf32>
        %add3A_220 = arith.addf %masked_cumsum3A, %gather3A_20 : vector<16xf32>
        %mul3A_221 = arith.constant 3 : i32
        %mul3A_222 = arith.muli %add3A_155, %mul3A_221 : i32
        %add3A_223 = arith.constant 0 : i32
        %add3A_224 = arith.addi %mul3A_222, %add3A_223 : i32
        %broadcast_in_dim3A_225 = vector.broadcast %add3A_224 : i32 to vector<16xi32>
        tpu.vector_store_idx %arg18[%broadcast_in_dim3A_225], %add3A_220 masked %eq3A_32 : memref<960xf32, #tpu.memory_space<vmem>>[vector<16xi32>], vector<16xf32>, vector<16xi1>
        %mul3A_226 = arith.mulf %add3A_203, %get3A_9 : vector<16xf32>
        %mul3A_227 = arith.mulf %add3A_214, %get3A_15 : vector<16xf32>
        %add3A_228 = arith.addf %mul3A_226, %mul3A_227 : vector<16xf32>
        %broadcast_in_dim3A_229 = arith.constant true
        %broadcast_in_dim3A_230 = vector.broadcast %broadcast_in_dim3A_229 : i1 to vector<16xi1>
        %masked_cumsum3A_231 = tpu.scan <sum>, %add3A_228 masked %broadcast_in_dim3A_230 : vector<16xf32>, vector<16xi1> -> vector<16xf32>
        %add3A_232 = arith.addf %masked_cumsum3A_231, %gather3A_25 : vector<16xf32>
        %mul3A_233 = arith.constant 3 : i32
        %mul3A_234 = arith.muli %add3A_155, %mul3A_233 : i32
        %add3A_235 = arith.constant 1 : i32
        %add3A_236 = arith.addi %mul3A_234, %add3A_235 : i32
        %broadcast_in_dim3A_237 = vector.broadcast %add3A_236 : i32 to vector<16xi32>
        tpu.vector_store_idx %arg18[%broadcast_in_dim3A_237], %add3A_232 masked %eq3A_32 : memref<960xf32, #tpu.memory_space<vmem>>[vector<16xi32>], vector<16xf32>, vector<16xi1>
        %mul3A_238 = arith.mulf %add3A_203, %get3A_11 : vector<16xf32>
        %mul3A_239 = arith.mulf %add3A_214, %get3A_17 : vector<16xf32>
        %add3A_240 = arith.addf %mul3A_238, %mul3A_239 : vector<16xf32>
        %broadcast_in_dim3A_241 = arith.constant true
        %broadcast_in_dim3A_242 = vector.broadcast %broadcast_in_dim3A_241 : i1 to vector<16xi1>
        %masked_cumsum3A_243 = tpu.scan <sum>, %add3A_240 masked %broadcast_in_dim3A_242 : vector<16xf32>, vector<16xi1> -> vector<16xf32>
        %add3A_244 = arith.addf %masked_cumsum3A_243, %gather3A_30 : vector<16xf32>
        %mul3A_245 = arith.constant 3 : i32
        %mul3A_246 = arith.muli %add3A_155, %mul3A_245 : i32
        %add3A_247 = arith.constant 2 : i32
        %add3A_248 = arith.addi %mul3A_246, %add3A_247 : i32
        %broadcast_in_dim3A_249 = vector.broadcast %add3A_248 : i32 to vector<16xi32>
        tpu.vector_store_idx %arg18[%broadcast_in_dim3A_249], %add3A_244 masked %eq3A_32 : memref<960xf32, #tpu.memory_space<vmem>>[vector<16xi32>], vector<16xf32>, vector<16xi1>
        %scan3A_250 = arith.constant 1 : i32
        %scan3A_251 = arith.addi %scan3A_151, %scan3A_250 : i32
        %mul3A_252 = arith.constant 1 : i32
        %mul3A_253 = arith.muli %scan3A_251, %mul3A_252 : i32
        %add3A_254 = arith.constant 0 : i32
        %add3A_255 = arith.addi %add3A_254, %mul3A_253 : i32
        %get3A_256 = arith.index_cast %add3A_255 : i32 to index
        %get3A_257 = arith.constant 0 : index
        %get3A_258 = tpu.vector_load %arg12[%get3A_256, %get3A_257] {strides = array<i32>} : memref<320x32xi32, #tpu.memory_space<vmem>>, vector<16xi32>,
        %get3A_259 = arith.index_cast %add3A_255 : i32 to index
        %get3A_260 = arith.constant 16 : index
        %get3A_261 = tpu.vector_load %arg12[%get3A_259, %get3A_260] {strides = array<i32>} : memref<320x32xi32, #tpu.memory_space<vmem>>, vector<16xi32>,
        %get3A_262 = arith.index_cast %add3A_255 : i32 to index
        %get3A_263 = arith.constant 0 : index
        %get3A_264 = tpu.vector_load %arg14[%get3A_262, %get3A_263] {strides = array<i32>} : memref<320x32xi32, #tpu.memory_space<vmem>>, vector<16xi32>,
        %get3A_265 = arith.index_cast %add3A_255 : i32 to index
        %get3A_266 = arith.constant 16 : index
        %get3A_267 = tpu.vector_load %arg14[%get3A_265, %get3A_266] {strides = array<i32>} : memref<320x32xi32, #tpu.memory_space<vmem>>, vector<16xi32>,
        %get3A_268 = arith.index_cast %add3A_255 : i32 to index
        %get3A_269 = arith.constant 0 : index
        %get3A_270 = tpu.vector_load %arg16[%get3A_268, %get3A_269] {strides = array<i32>} : memref<320x16xi32, #tpu.memory_space<vmem>>, vector<16xi32>,
        %shift_left3A_271 = arith.constant 16 : i32
        %shift_left3A_272 = vector.broadcast %shift_left3A_271 : i32 to vector<16xi32>
        %shift_left3A_273 = arith.shli %get3A_258, %shift_left3A_272 : vector<16xi32>
        %bitcast3A_274 = vector.bitcast %shift_left3A_273 : vector<16xi32> to vector<16xf32>
        %bitcast3A_275 = vector.bitcast %get3A_258 : vector<16xi32> to vector<16xf32>
        %shift_left3A_276 = arith.constant 16 : i32
        %shift_left3A_277 = vector.broadcast %shift_left3A_276 : i32 to vector<16xi32>
        %shift_left3A_278 = arith.shli %get3A_261, %shift_left3A_277 : vector<16xi32>
        %bitcast3A_279 = vector.bitcast %shift_left3A_278 : vector<16xi32> to vector<16xf32>
        %bitcast3A_280 = vector.bitcast %get3A_261 : vector<16xi32> to vector<16xf32>
        %shift_left3A_281 = arith.constant 16 : i32
        %shift_left3A_282 = vector.broadcast %shift_left3A_281 : i32 to vector<16xi32>
        %shift_left3A_283 = arith.shli %get3A_264, %shift_left3A_282 : vector<16xi32>
        %bitcast3A_284 = vector.bitcast %shift_left3A_283 : vector<16xi32> to vector<16xf32>
        %bitcast3A_285 = vector.bitcast %get3A_264 : vector<16xi32> to vector<16xf32>
        %shift_left3A_286 = arith.constant 16 : i32
        %shift_left3A_287 = vector.broadcast %shift_left3A_286 : i32 to vector<16xi32>
        %shift_left3A_288 = arith.shli %get3A_267, %shift_left3A_287 : vector<16xi32>
        %bitcast3A_289 = vector.bitcast %shift_left3A_288 : vector<16xi32> to vector<16xf32>
        %bitcast3A_290 = vector.bitcast %get3A_267 : vector<16xi32> to vector<16xf32>
        %shift_left3A_291 = arith.constant 16 : i32
        %shift_left3A_292 = vector.broadcast %shift_left3A_291 : i32 to vector<16xi32>
        %shift_left3A_293 = arith.shli %get3A_270, %shift_left3A_292 : vector<16xi32>
        %bitcast3A_294 = vector.bitcast %shift_left3A_293 : vector<16xi32> to vector<16xf32>
        %bitcast3A_295 = vector.bitcast %get3A_270 : vector<16xi32> to vector<16xf32>
        %add3A_296 = arith.addf %bitcast3A_274, %bitcast3A_285 : vector<16xf32>
        %add3A_297 = arith.addf %add3A_296, %bitcast3A_294 : vector<16xf32>
        %max3A_298 = arith.constant 0.000000e+00 : f32
        %max3A_299 = vector.broadcast %max3A_298 : f32 to vector<16xf32>
        %max3A_300 = arith.maximumf %add3A_297, %max3A_299 : vector<16xf32>
        %add3A_301 = arith.addf %bitcast3A_284, %bitcast3A_275 : vector<16xf32>
        %add3A_302 = arith.addf %add3A_301, %bitcast3A_294 : vector<16xf32>
        %max3A_303 = arith.constant 0.000000e+00 : f32
        %max3A_304 = vector.broadcast %max3A_303 : f32 to vector<16xf32>
        %max3A_305 = arith.maximumf %add3A_302, %max3A_304 : vector<16xf32>
        %add3A_306 = arith.addf %max3A_300, %max3A_305 : vector<16xf32>
        %add3A_307 = arith.addf %bitcast3A_279, %bitcast3A_290 : vector<16xf32>
        %add3A_308 = arith.addf %add3A_307, %bitcast3A_295 : vector<16xf32>
        %max3A_309 = arith.constant 0.000000e+00 : f32
        %max3A_310 = vector.broadcast %max3A_309 : f32 to vector<16xf32>
        %max3A_311 = arith.maximumf %add3A_308, %max3A_310 : vector<16xf32>
        %add3A_312 = arith.addf %bitcast3A_289, %bitcast3A_280 : vector<16xf32>
        %add3A_313 = arith.addf %add3A_312, %bitcast3A_295 : vector<16xf32>
        %max3A_314 = arith.constant 0.000000e+00 : f32
        %max3A_315 = vector.broadcast %max3A_314 : f32 to vector<16xf32>
        %max3A_316 = arith.maximumf %add3A_313, %max3A_315 : vector<16xf32>
        %add3A_317 = arith.addf %max3A_311, %max3A_316 : vector<16xf32>
        %mul3A_318 = arith.mulf %add3A_306, %get3A_7 : vector<16xf32>
        %mul3A_319 = arith.mulf %add3A_317, %get3A_13 : vector<16xf32>
        %add3A_320 = arith.addf %mul3A_318, %mul3A_319 : vector<16xf32>
        %broadcast_in_dim3A_321 = arith.constant true
        %broadcast_in_dim3A_322 = vector.broadcast %broadcast_in_dim3A_321 : i1 to vector<16xi1>
        %masked_cumsum3A_323 = tpu.scan <sum>, %add3A_320 masked %broadcast_in_dim3A_322 : vector<16xf32>, vector<16xi1> -> vector<16xf32>
        %add3A_324 = arith.addf %masked_cumsum3A_323, %gather3A_20 : vector<16xf32>
        %mul3A_325 = arith.constant 3 : i32
        %mul3A_326 = arith.muli %add3A_255, %mul3A_325 : i32
        %add3A_327 = arith.constant 0 : i32
        %add3A_328 = arith.addi %mul3A_326, %add3A_327 : i32
        %broadcast_in_dim3A_329 = vector.broadcast %add3A_328 : i32 to vector<16xi32>
        tpu.vector_store_idx %arg18[%broadcast_in_dim3A_329], %add3A_324 masked %eq3A_32 : memref<960xf32, #tpu.memory_space<vmem>>[vector<16xi32>], vector<16xf32>, vector<16xi1>
        %mul3A_330 = arith.mulf %add3A_306, %get3A_9 : vector<16xf32>
        %mul3A_331 = arith.mulf %add3A_317, %get3A_15 : vector<16xf32>
        %add3A_332 = arith.addf %mul3A_330, %mul3A_331 : vector<16xf32>
        %broadcast_in_dim3A_333 = arith.constant true
        %broadcast_in_dim3A_334 = vector.broadcast %broadcast_in_dim3A_333 : i1 to vector<16xi1>
        %masked_cumsum3A_335 = tpu.scan <sum>, %add3A_332 masked %broadcast_in_dim3A_334 : vector<16xf32>, vector<16xi1> -> vector<16xf32>
        %add3A_336 = arith.addf %masked_cumsum3A_335, %gather3A_25 : vector<16xf32>
        %mul3A_337 = arith.constant 3 : i32
        %mul3A_338 = arith.muli %add3A_255, %mul3A_337 : i32
        %add3A_339 = arith.constant 1 : i32
        %add3A_340 = arith.addi %mul3A_338, %add3A_339 : i32
        %broadcast_in_dim3A_341 = vector.broadcast %add3A_340 : i32 to vector<16xi32>
        tpu.vector_store_idx %arg18[%broadcast_in_dim3A_341], %add3A_336 masked %eq3A_32 : memref<960xf32, #tpu.memory_space<vmem>>[vector<16xi32>], vector<16xf32>, vector<16xi1>
        %mul3A_342 = arith.mulf %add3A_306, %get3A_11 : vector<16xf32>
        %mul3A_343 = arith.mulf %add3A_317, %get3A_17 : vector<16xf32>
        %add3A_344 = arith.addf %mul3A_342, %mul3A_343 : vector<16xf32>
        %broadcast_in_dim3A_345 = arith.constant true
        %broadcast_in_dim3A_346 = vector.broadcast %broadcast_in_dim3A_345 : i1 to vector<16xi1>
        %masked_cumsum3A_347 = tpu.scan <sum>, %add3A_344 masked %broadcast_in_dim3A_346 : vector<16xf32>, vector<16xi1> -> vector<16xf32>
        %add3A_348 = arith.addf %masked_cumsum3A_347, %gather3A_30 : vector<16xf32>
        %mul3A_349 = arith.constant 3 : i32
        %mul3A_350 = arith.muli %add3A_255, %mul3A_349 : i32
        %add3A_351 = arith.constant 2 : i32
        %add3A_352 = arith.addi %mul3A_350, %add3A_351 : i32
        %broadcast_in_dim3A_353 = vector.broadcast %add3A_352 : i32 to vector<16xi32>
        tpu.vector_store_idx %arg18[%broadcast_in_dim3A_353], %add3A_348 masked %eq3A_32 : memref<960xf32, #tpu.memory_space<vmem>>[vector<16xi32>], vector<16xf32>, vector<16xi1>
        %scan3A_354 = arith.constant 2 : i32
        %scan3A_355 = arith.addi %scan3A_151, %scan3A_354 : i32
        %mul3A_356 = arith.constant 1 : i32
        %mul3A_357 = arith.muli %scan3A_355, %mul3A_356 : i32
        %add3A_358 = arith.constant 0 : i32
        %add3A_359 = arith.addi %add3A_358, %mul3A_357 : i32
        %get3A_360 = arith.index_cast %add3A_359 : i32 to index
        %get3A_361 = arith.constant 0 : index
        %get3A_362 = tpu.vector_load %arg12[%get3A_360, %get3A_361] {strides = array<i32>} : memref<320x32xi32, #tpu.memory_space<vmem>>, vector<16xi32>,
        %get3A_363 = arith.index_cast %add3A_359 : i32 to index
        %get3A_364 = arith.constant 16 : index
        %get3A_365 = tpu.vector_load %arg12[%get3A_363, %get3A_364] {strides = array<i32>} : memref<320x32xi32, #tpu.memory_space<vmem>>, vector<16xi32>,
        %get3A_366 = arith.index_cast %add3A_359 : i32 to index
        %get3A_367 = arith.constant 0 : index
        %get3A_368 = tpu.vector_load %arg14[%get3A_366, %get3A_367] {strides = array<i32>} : memref<320x32xi32, #tpu.memory_space<vmem>>, vector<16xi32>,
        %get3A_369 = arith.index_cast %add3A_359 : i32 to index
        %get3A_370 = arith.constant 16 : index
        %get3A_371 = tpu.vector_load %arg14[%get3A_369, %get3A_370] {strides = array<i32>} : memref<320x32xi32, #tpu.memory_space<vmem>>, vector<16xi32>,
        %get3A_372 = arith.index_cast %add3A_359 : i32 to index
        %get3A_373 = arith.constant 0 : index
        %get3A_374 = tpu.vector_load %arg16[%get3A_372, %get3A_373] {strides = array<i32>} : memref<320x16xi32, #tpu.memory_space<vmem>>, vector<16xi32>,
        %shift_left3A_375 = arith.constant 16 : i32
        %shift_left3A_376 = vector.broadcast %shift_left3A_375 : i32 to vector<16xi32>
        %shift_left3A_377 = arith.shli %get3A_362, %shift_left3A_376 : vector<16xi32>
        %bitcast3A_378 = vector.bitcast %shift_left3A_377 : vector<16xi32> to vector<16xf32>
        %bitcast3A_379 = vector.bitcast %get3A_362 : vector<16xi32> to vector<16xf32>
        %shift_left3A_380 = arith.constant 16 : i32
        %shift_left3A_381 = vector.broadcast %shift_left3A_380 : i32 to vector<16xi32>
        %shift_left3A_382 = arith.shli %get3A_365, %shift_left3A_381 : vector<16xi32>
        %bitcast3A_383 = vector.bitcast %shift_left3A_382 : vector<16xi32> to vector<16xf32>
        %bitcast3A_384 = vector.bitcast %get3A_365 : vector<16xi32> to vector<16xf32>
        %shift_left3A_385 = arith.constant 16 : i32
        %shift_left3A_386 = vector.broadcast %shift_left3A_385 : i32 to vector<16xi32>
        %shift_left3A_387 = arith.shli %get3A_368, %shift_left3A_386 : vector<16xi32>
        %bitcast3A_388 = vector.bitcast %shift_left3A_387 : vector<16xi32> to vector<16xf32>
        %bitcast3A_389 = vector.bitcast %get3A_368 : vector<16xi32> to vector<16xf32>
        %shift_left3A_390 = arith.constant 16 : i32
        %shift_left3A_391 = vector.broadcast %shift_left3A_390 : i32 to vector<16xi32>
        %shift_left3A_392 = arith.shli %get3A_371, %shift_left3A_391 : vector<16xi32>
        %bitcast3A_393 = vector.bitcast %shift_left3A_392 : vector<16xi32> to vector<16xf32>
        %bitcast3A_394 = vector.bitcast %get3A_371 : vector<16xi32> to vector<16xf32>
        %shift_left3A_395 = arith.constant 16 : i32
        %shift_left3A_396 = vector.broadcast %shift_left3A_395 : i32 to vector<16xi32>
        %shift_left3A_397 = arith.shli %get3A_374, %shift_left3A_396 : vector<16xi32>
        %bitcast3A_398 = vector.bitcast %shift_left3A_397 : vector<16xi32> to vector<16xf32>
        %bitcast3A_399 = vector.bitcast %get3A_374 : vector<16xi32> to vector<16xf32>
        %add3A_400 = arith.addf %bitcast3A_378, %bitcast3A_389 : vector<16xf32>
        %add3A_401 = arith.addf %add3A_400, %bitcast3A_398 : vector<16xf32>
        %max3A_402 = arith.constant 0.000000e+00 : f32
        %max3A_403 = vector.broadcast %max3A_402 : f32 to vector<16xf32>
        %max3A_404 = arith.maximumf %add3A_401, %max3A_403 : vector<16xf32>
        %add3A_405 = arith.addf %bitcast3A_388, %bitcast3A_379 : vector<16xf32>
        %add3A_406 = arith.addf %add3A_405, %bitcast3A_398 : vector<16xf32>
        %max3A_407 = arith.constant 0.000000e+00 : f32
        %max3A_408 = vector.broadcast %max3A_407 : f32 to vector<16xf32>
        %max3A_409 = arith.maximumf %add3A_406, %max3A_408 : vector<16xf32>
        %add3A_410 = arith.addf %max3A_404, %max3A_409 : vector<16xf32>
        %add3A_411 = arith.addf %bitcast3A_383, %bitcast3A_394 : vector<16xf32>
        %add3A_412 = arith.addf %add3A_411, %bitcast3A_399 : vector<16xf32>
        %max3A_413 = arith.constant 0.000000e+00 : f32
        %max3A_414 = vector.broadcast %max3A_413 : f32 to vector<16xf32>
        %max3A_415 = arith.maximumf %add3A_412, %max3A_414 : vector<16xf32>
        %add3A_416 = arith.addf %bitcast3A_393, %bitcast3A_384 : vector<16xf32>
        %add3A_417 = arith.addf %add3A_416, %bitcast3A_399 : vector<16xf32>
        %max3A_418 = arith.constant 0.000000e+00 : f32
        %max3A_419 = vector.broadcast %max3A_418 : f32 to vector<16xf32>
        %max3A_420 = arith.maximumf %add3A_417, %max3A_419 : vector<16xf32>
        %add3A_421 = arith.addf %max3A_415, %max3A_420 : vector<16xf32>
        %mul3A_422 = arith.mulf %add3A_410, %get3A_7 : vector<16xf32>
        %mul3A_423 = arith.mulf %add3A_421, %get3A_13 : vector<16xf32>
        %add3A_424 = arith.addf %mul3A_422, %mul3A_423 : vector<16xf32>
        %broadcast_in_dim3A_425 = arith.constant true
        %broadcast_in_dim3A_426 = vector.broadcast %broadcast_in_dim3A_425 : i1 to vector<16xi1>
        %masked_cumsum3A_427 = tpu.scan <sum>, %add3A_424 masked %broadcast_in_dim3A_426 : vector<16xf32>, vector<16xi1> -> vector<16xf32>
        %add3A_428 = arith.addf %masked_cumsum3A_427, %gather3A_20 : vector<16xf32>
        %mul3A_429 = arith.constant 3 : i32
        %mul3A_430 = arith.muli %add3A_359, %mul3A_429 : i32
        %add3A_431 = arith.constant 0 : i32
        %add3A_432 = arith.addi %mul3A_430, %add3A_431 : i32
        %broadcast_in_dim3A_433 = vector.broadcast %add3A_432 : i32 to vector<16xi32>
        tpu.vector_store_idx %arg18[%broadcast_in_dim3A_433], %add3A_428 masked %eq3A_32 : memref<960xf32, #tpu.memory_space<vmem>>[vector<16xi32>], vector<16xf32>, vector<16xi1>
        %mul3A_434 = arith.mulf %add3A_410, %get3A_9 : vector<16xf32>
        %mul3A_435 = arith.mulf %add3A_421, %get3A_15 : vector<16xf32>
        %add3A_436 = arith.addf %mul3A_434, %mul3A_435 : vector<16xf32>
        %broadcast_in_dim3A_437 = arith.constant true
        %broadcast_in_dim3A_438 = vector.broadcast %broadcast_in_dim3A_437 : i1 to vector<16xi1>
        %masked_cumsum3A_439 = tpu.scan <sum>, %add3A_436 masked %broadcast_in_dim3A_438 : vector<16xf32>, vector<16xi1> -> vector<16xf32>
        %add3A_440 = arith.addf %masked_cumsum3A_439, %gather3A_25 : vector<16xf32>
        %mul3A_441 = arith.constant 3 : i32
        %mul3A_442 = arith.muli %add3A_359, %mul3A_441 : i32
        %add3A_443 = arith.constant 1 : i32
        %add3A_444 = arith.addi %mul3A_442, %add3A_443 : i32
        %broadcast_in_dim3A_445 = vector.broadcast %add3A_444 : i32 to vector<16xi32>
        tpu.vector_store_idx %arg18[%broadcast_in_dim3A_445], %add3A_440 masked %eq3A_32 : memref<960xf32, #tpu.memory_space<vmem>>[vector<16xi32>], vector<16xf32>, vector<16xi1>
        %mul3A_446 = arith.mulf %add3A_410, %get3A_11 : vector<16xf32>
        %mul3A_447 = arith.mulf %add3A_421, %get3A_17 : vector<16xf32>
        %add3A_448 = arith.addf %mul3A_446, %mul3A_447 : vector<16xf32>
        %broadcast_in_dim3A_449 = arith.constant true
        %broadcast_in_dim3A_450 = vector.broadcast %broadcast_in_dim3A_449 : i1 to vector<16xi1>
        %masked_cumsum3A_451 = tpu.scan <sum>, %add3A_448 masked %broadcast_in_dim3A_450 : vector<16xf32>, vector<16xi1> -> vector<16xf32>
        %add3A_452 = arith.addf %masked_cumsum3A_451, %gather3A_30 : vector<16xf32>
        %mul3A_453 = arith.constant 3 : i32
        %mul3A_454 = arith.muli %add3A_359, %mul3A_453 : i32
        %add3A_455 = arith.constant 2 : i32
        %add3A_456 = arith.addi %mul3A_454, %add3A_455 : i32
        %broadcast_in_dim3A_457 = vector.broadcast %add3A_456 : i32 to vector<16xi32>
        tpu.vector_store_idx %arg18[%broadcast_in_dim3A_457], %add3A_452 masked %eq3A_32 : memref<960xf32, #tpu.memory_space<vmem>>[vector<16xi32>], vector<16xf32>, vector<16xi1>
        %scan3A_458 = arith.constant 3 : i32
        %scan3A_459 = arith.addi %scan3A_151, %scan3A_458 : i32
        %mul3A_460 = arith.constant 1 : i32
        %mul3A_461 = arith.muli %scan3A_459, %mul3A_460 : i32
        %add3A_462 = arith.constant 0 : i32
        %add3A_463 = arith.addi %add3A_462, %mul3A_461 : i32
        %get3A_464 = arith.index_cast %add3A_463 : i32 to index
        %get3A_465 = arith.constant 0 : index
        %get3A_466 = tpu.vector_load %arg12[%get3A_464, %get3A_465] {strides = array<i32>} : memref<320x32xi32, #tpu.memory_space<vmem>>, vector<16xi32>,
        %get3A_467 = arith.index_cast %add3A_463 : i32 to index
        %get3A_468 = arith.constant 16 : index
        %get3A_469 = tpu.vector_load %arg12[%get3A_467, %get3A_468] {strides = array<i32>} : memref<320x32xi32, #tpu.memory_space<vmem>>, vector<16xi32>,
        %get3A_470 = arith.index_cast %add3A_463 : i32 to index
        %get3A_471 = arith.constant 0 : index
        %get3A_472 = tpu.vector_load %arg14[%get3A_470, %get3A_471] {strides = array<i32>} : memref<320x32xi32, #tpu.memory_space<vmem>>, vector<16xi32>,
        %get3A_473 = arith.index_cast %add3A_463 : i32 to index
        %get3A_474 = arith.constant 16 : index
        %get3A_475 = tpu.vector_load %arg14[%get3A_473, %get3A_474] {strides = array<i32>} : memref<320x32xi32, #tpu.memory_space<vmem>>, vector<16xi32>,
        %get3A_476 = arith.index_cast %add3A_463 : i32 to index
        %get3A_477 = arith.constant 0 : index
        %get3A_478 = tpu.vector_load %arg16[%get3A_476, %get3A_477] {strides = array<i32>} : memref<320x16xi32, #tpu.memory_space<vmem>>, vector<16xi32>,
        %shift_left3A_479 = arith.constant 16 : i32
        %shift_left3A_480 = vector.broadcast %shift_left3A_479 : i32 to vector<16xi32>
        %shift_left3A_481 = arith.shli %get3A_466, %shift_left3A_480 : vector<16xi32>
        %bitcast3A_482 = vector.bitcast %shift_left3A_481 : vector<16xi32> to vector<16xf32>
        %bitcast3A_483 = vector.bitcast %get3A_466 : vector<16xi32> to vector<16xf32>
        %shift_left3A_484 = arith.constant 16 : i32
        %shift_left3A_485 = vector.broadcast %shift_left3A_484 : i32 to vector<16xi32>
        %shift_left3A_486 = arith.shli %get3A_469, %shift_left3A_485 : vector<16xi32>
        %bitcast3A_487 = vector.bitcast %shift_left3A_486 : vector<16xi32> to vector<16xf32>
        %bitcast3A_488 = vector.bitcast %get3A_469 : vector<16xi32> to vector<16xf32>
        %shift_left3A_489 = arith.constant 16 : i32
        %shift_left3A_490 = vector.broadcast %shift_left3A_489 : i32 to vector<16xi32>
        %shift_left3A_491 = arith.shli %get3A_472, %shift_left3A_490 : vector<16xi32>
        %bitcast3A_492 = vector.bitcast %shift_left3A_491 : vector<16xi32> to vector<16xf32>
        %bitcast3A_493 = vector.bitcast %get3A_472 : vector<16xi32> to vector<16xf32>
        %shift_left3A_494 = arith.constant 16 : i32
        %shift_left3A_495 = vector.broadcast %shift_left3A_494 : i32 to vector<16xi32>
        %shift_left3A_496 = arith.shli %get3A_475, %shift_left3A_495 : vector<16xi32>
        %bitcast3A_497 = vector.bitcast %shift_left3A_496 : vector<16xi32> to vector<16xf32>
        %bitcast3A_498 = vector.bitcast %get3A_475 : vector<16xi32> to vector<16xf32>
        %shift_left3A_499 = arith.constant 16 : i32
        %shift_left3A_500 = vector.broadcast %shift_left3A_499 : i32 to vector<16xi32>
        %shift_left3A_501 = arith.shli %get3A_478, %shift_left3A_500 : vector<16xi32>
        %bitcast3A_502 = vector.bitcast %shift_left3A_501 : vector<16xi32> to vector<16xf32>
        %bitcast3A_503 = vector.bitcast %get3A_478 : vector<16xi32> to vector<16xf32>
        %add3A_504 = arith.addf %bitcast3A_482, %bitcast3A_493 : vector<16xf32>
        %add3A_505 = arith.addf %add3A_504, %bitcast3A_502 : vector<16xf32>
        %max3A_506 = arith.constant 0.000000e+00 : f32
        %max3A_507 = vector.broadcast %max3A_506 : f32 to vector<16xf32>
        %max3A_508 = arith.maximumf %add3A_505, %max3A_507 : vector<16xf32>
        %add3A_509 = arith.addf %bitcast3A_492, %bitcast3A_483 : vector<16xf32>
        %add3A_510 = arith.addf %add3A_509, %bitcast3A_502 : vector<16xf32>
        %max3A_511 = arith.constant 0.000000e+00 : f32
        %max3A_512 = vector.broadcast %max3A_511 : f32 to vector<16xf32>
        %max3A_513 = arith.maximumf %add3A_510, %max3A_512 : vector<16xf32>
        %add3A_514 = arith.addf %max3A_508, %max3A_513 : vector<16xf32>
        %add3A_515 = arith.addf %bitcast3A_487, %bitcast3A_498 : vector<16xf32>
        %add3A_516 = arith.addf %add3A_515, %bitcast3A_503 : vector<16xf32>
        %max3A_517 = arith.constant 0.000000e+00 : f32
        %max3A_518 = vector.broadcast %max3A_517 : f32 to vector<16xf32>
        %max3A_519 = arith.maximumf %add3A_516, %max3A_518 : vector<16xf32>
        %add3A_520 = arith.addf %bitcast3A_497, %bitcast3A_488 : vector<16xf32>
        %add3A_521 = arith.addf %add3A_520, %bitcast3A_503 : vector<16xf32>
        %max3A_522 = arith.constant 0.000000e+00 : f32
        %max3A_523 = vector.broadcast %max3A_522 : f32 to vector<16xf32>
        %max3A_524 = arith.maximumf %add3A_521, %max3A_523 : vector<16xf32>
        %add3A_525 = arith.addf %max3A_519, %max3A_524 : vector<16xf32>
        %mul3A_526 = arith.mulf %add3A_514, %get3A_7 : vector<16xf32>
        %mul3A_527 = arith.mulf %add3A_525, %get3A_13 : vector<16xf32>
        %add3A_528 = arith.addf %mul3A_526, %mul3A_527 : vector<16xf32>
        %broadcast_in_dim3A_529 = arith.constant true
        %broadcast_in_dim3A_530 = vector.broadcast %broadcast_in_dim3A_529 : i1 to vector<16xi1>
        %masked_cumsum3A_531 = tpu.scan <sum>, %add3A_528 masked %broadcast_in_dim3A_530 : vector<16xf32>, vector<16xi1> -> vector<16xf32>
        %add3A_532 = arith.addf %masked_cumsum3A_531, %gather3A_20 : vector<16xf32>
        %mul3A_533 = arith.constant 3 : i32
        %mul3A_534 = arith.muli %add3A_463, %mul3A_533 : i32
        %add3A_535 = arith.constant 0 : i32
        %add3A_536 = arith.addi %mul3A_534, %add3A_535 : i32
        %broadcast_in_dim3A_537 = vector.broadcast %add3A_536 : i32 to vector<16xi32>
        tpu.vector_store_idx %arg18[%broadcast_in_dim3A_537], %add3A_532 masked %eq3A_32 : memref<960xf32, #tpu.memory_space<vmem>>[vector<16xi32>], vector<16xf32>, vector<16xi1>
        %mul3A_538 = arith.mulf %add3A_514, %get3A_9 : vector<16xf32>
        %mul3A_539 = arith.mulf %add3A_525, %get3A_15 : vector<16xf32>
        %add3A_540 = arith.addf %mul3A_538, %mul3A_539 : vector<16xf32>
        %broadcast_in_dim3A_541 = arith.constant true
        %broadcast_in_dim3A_542 = vector.broadcast %broadcast_in_dim3A_541 : i1 to vector<16xi1>
        %masked_cumsum3A_543 = tpu.scan <sum>, %add3A_540 masked %broadcast_in_dim3A_542 : vector<16xf32>, vector<16xi1> -> vector<16xf32>
        %add3A_544 = arith.addf %masked_cumsum3A_543, %gather3A_25 : vector<16xf32>
        %mul3A_545 = arith.constant 3 : i32
        %mul3A_546 = arith.muli %add3A_463, %mul3A_545 : i32
        %add3A_547 = arith.constant 1 : i32
        %add3A_548 = arith.addi %mul3A_546, %add3A_547 : i32
        %broadcast_in_dim3A_549 = vector.broadcast %add3A_548 : i32 to vector<16xi32>
        tpu.vector_store_idx %arg18[%broadcast_in_dim3A_549], %add3A_544 masked %eq3A_32 : memref<960xf32, #tpu.memory_space<vmem>>[vector<16xi32>], vector<16xf32>, vector<16xi1>
        %mul3A_550 = arith.mulf %add3A_514, %get3A_11 : vector<16xf32>
        %mul3A_551 = arith.mulf %add3A_525, %get3A_17 : vector<16xf32>
        %add3A_552 = arith.addf %mul3A_550, %mul3A_551 : vector<16xf32>
        %broadcast_in_dim3A_553 = arith.constant true
        %broadcast_in_dim3A_554 = vector.broadcast %broadcast_in_dim3A_553 : i1 to vector<16xi1>
        %masked_cumsum3A_555 = tpu.scan <sum>, %add3A_552 masked %broadcast_in_dim3A_554 : vector<16xf32>, vector<16xi1> -> vector<16xf32>
        %add3A_556 = arith.addf %masked_cumsum3A_555, %gather3A_30 : vector<16xf32>
        %mul3A_557 = arith.constant 3 : i32
        %mul3A_558 = arith.muli %add3A_463, %mul3A_557 : i32
        %add3A_559 = arith.constant 2 : i32
        %add3A_560 = arith.addi %mul3A_558, %add3A_559 : i32
        %broadcast_in_dim3A_561 = vector.broadcast %add3A_560 : i32 to vector<16xi32>
        tpu.vector_store_idx %arg18[%broadcast_in_dim3A_561], %add3A_556 masked %eq3A_32 : memref<960xf32, #tpu.memory_space<vmem>>[vector<16xi32>], vector<16xf32>, vector<16xi1>
        %scan3A_562 = arith.constant 4 : i32
        %scan3A_563 = arith.addi %scan3A_151, %scan3A_562 : i32
        %mul3A_564 = arith.constant 1 : i32
        %mul3A_565 = arith.muli %scan3A_563, %mul3A_564 : i32
        %add3A_566 = arith.constant 0 : i32
        %add3A_567 = arith.addi %add3A_566, %mul3A_565 : i32
        %get3A_568 = arith.index_cast %add3A_567 : i32 to index
        %get3A_569 = arith.constant 0 : index
        %get3A_570 = tpu.vector_load %arg12[%get3A_568, %get3A_569] {strides = array<i32>} : memref<320x32xi32, #tpu.memory_space<vmem>>, vector<16xi32>,
        %get3A_571 = arith.index_cast %add3A_567 : i32 to index
        %get3A_572 = arith.constant 16 : index
        %get3A_573 = tpu.vector_load %arg12[%get3A_571, %get3A_572] {strides = array<i32>} : memref<320x32xi32, #tpu.memory_space<vmem>>, vector<16xi32>,
        %get3A_574 = arith.index_cast %add3A_567 : i32 to index
        %get3A_575 = arith.constant 0 : index
        %get3A_576 = tpu.vector_load %arg14[%get3A_574, %get3A_575] {strides = array<i32>} : memref<320x32xi32, #tpu.memory_space<vmem>>, vector<16xi32>,
        %get3A_577 = arith.index_cast %add3A_567 : i32 to index
        %get3A_578 = arith.constant 16 : index
        %get3A_579 = tpu.vector_load %arg14[%get3A_577, %get3A_578] {strides = array<i32>} : memref<320x32xi32, #tpu.memory_space<vmem>>, vector<16xi32>,
        %get3A_580 = arith.index_cast %add3A_567 : i32 to index
        %get3A_581 = arith.constant 0 : index
        %get3A_582 = tpu.vector_load %arg16[%get3A_580, %get3A_581] {strides = array<i32>} : memref<320x16xi32, #tpu.memory_space<vmem>>, vector<16xi32>,
        %shift_left3A_583 = arith.constant 16 : i32
        %shift_left3A_584 = vector.broadcast %shift_left3A_583 : i32 to vector<16xi32>
        %shift_left3A_585 = arith.shli %get3A_570, %shift_left3A_584 : vector<16xi32>
        %bitcast3A_586 = vector.bitcast %shift_left3A_585 : vector<16xi32> to vector<16xf32>
        %bitcast3A_587 = vector.bitcast %get3A_570 : vector<16xi32> to vector<16xf32>
        %shift_left3A_588 = arith.constant 16 : i32
        %shift_left3A_589 = vector.broadcast %shift_left3A_588 : i32 to vector<16xi32>
        %shift_left3A_590 = arith.shli %get3A_573, %shift_left3A_589 : vector<16xi32>
        %bitcast3A_591 = vector.bitcast %shift_left3A_590 : vector<16xi32> to vector<16xf32>
        %bitcast3A_592 = vector.bitcast %get3A_573 : vector<16xi32> to vector<16xf32>
        %shift_left3A_593 = arith.constant 16 : i32
        %shift_left3A_594 = vector.broadcast %shift_left3A_593 : i32 to vector<16xi32>
        %shift_left3A_595 = arith.shli %get3A_576, %shift_left3A_594 : vector<16xi32>
        %bitcast3A_596 = vector.bitcast %shift_left3A_595 : vector<16xi32> to vector<16xf32>
        %bitcast3A_597 = vector.bitcast %get3A_576 : vector<16xi32> to vector<16xf32>
        %shift_left3A_598 = arith.constant 16 : i32
        %shift_left3A_599 = vector.broadcast %shift_left3A_598 : i32 to vector<16xi32>
        %shift_left3A_600 = arith.shli %get3A_579, %shift_left3A_599 : vector<16xi32>
        %bitcast3A_601 = vector.bitcast %shift_left3A_600 : vector<16xi32> to vector<16xf32>
        %bitcast3A_602 = vector.bitcast %get3A_579 : vector<16xi32> to vector<16xf32>
        %shift_left3A_603 = arith.constant 16 : i32
        %shift_left3A_604 = vector.broadcast %shift_left3A_603 : i32 to vector<16xi32>
        %shift_left3A_605 = arith.shli %get3A_582, %shift_left3A_604 : vector<16xi32>
        %bitcast3A_606 = vector.bitcast %shift_left3A_605 : vector<16xi32> to vector<16xf32>
        %bitcast3A_607 = vector.bitcast %get3A_582 : vector<16xi32> to vector<16xf32>
        %add3A_608 = arith.addf %bitcast3A_586, %bitcast3A_597 : vector<16xf32>
        %add3A_609 = arith.addf %add3A_608, %bitcast3A_606 : vector<16xf32>
        %max3A_610 = arith.constant 0.000000e+00 : f32
        %max3A_611 = vector.broadcast %max3A_610 : f32 to vector<16xf32>
        %max3A_612 = arith.maximumf %add3A_609, %max3A_611 : vector<16xf32>
        %add3A_613 = arith.addf %bitcast3A_596, %bitcast3A_587 : vector<16xf32>
        %add3A_614 = arith.addf %add3A_613, %bitcast3A_606 : vector<16xf32>
        %max3A_615 = arith.constant 0.000000e+00 : f32
        %max3A_616 = vector.broadcast %max3A_615 : f32 to vector<16xf32>
        %max3A_617 = arith.maximumf %add3A_614, %max3A_616 : vector<16xf32>
        %add3A_618 = arith.addf %max3A_612, %max3A_617 : vector<16xf32>
        %add3A_619 = arith.addf %bitcast3A_591, %bitcast3A_602 : vector<16xf32>
        %add3A_620 = arith.addf %add3A_619, %bitcast3A_607 : vector<16xf32>
        %max3A_621 = arith.constant 0.000000e+00 : f32
        %max3A_622 = vector.broadcast %max3A_621 : f32 to vector<16xf32>
        %max3A_623 = arith.maximumf %add3A_620, %max3A_622 : vector<16xf32>
        %add3A_624 = arith.addf %bitcast3A_601, %bitcast3A_592 : vector<16xf32>
        %add3A_625 = arith.addf %add3A_624, %bitcast3A_607 : vector<16xf32>
        %max3A_626 = arith.constant 0.000000e+00 : f32
        %max3A_627 = vector.broadcast %max3A_626 : f32 to vector<16xf32>
        %max3A_628 = arith.maximumf %add3A_625, %max3A_627 : vector<16xf32>
        %add3A_629 = arith.addf %max3A_623, %max3A_628 : vector<16xf32>
        %mul3A_630 = arith.mulf %add3A_618, %get3A_7 : vector<16xf32>
        %mul3A_631 = arith.mulf %add3A_629, %get3A_13 : vector<16xf32>
        %add3A_632 = arith.addf %mul3A_630, %mul3A_631 : vector<16xf32>
        %broadcast_in_dim3A_633 = arith.constant true
        %broadcast_in_dim3A_634 = vector.broadcast %broadcast_in_dim3A_633 : i1 to vector<16xi1>
        %masked_cumsum3A_635 = tpu.scan <sum>, %add3A_632 masked %broadcast_in_dim3A_634 : vector<16xf32>, vector<16xi1> -> vector<16xf32>
        %add3A_636 = arith.addf %masked_cumsum3A_635, %gather3A_20 : vector<16xf32>
        %mul3A_637 = arith.constant 3 : i32
        %mul3A_638 = arith.muli %add3A_567, %mul3A_637 : i32
        %add3A_639 = arith.constant 0 : i32
        %add3A_640 = arith.addi %mul3A_638, %add3A_639 : i32
        %broadcast_in_dim3A_641 = vector.broadcast %add3A_640 : i32 to vector<16xi32>
        tpu.vector_store_idx %arg18[%broadcast_in_dim3A_641], %add3A_636 masked %eq3A_32 : memref<960xf32, #tpu.memory_space<vmem>>[vector<16xi32>], vector<16xf32>, vector<16xi1>
        %mul3A_642 = arith.mulf %add3A_618, %get3A_9 : vector<16xf32>
        %mul3A_643 = arith.mulf %add3A_629, %get3A_15 : vector<16xf32>
        %add3A_644 = arith.addf %mul3A_642, %mul3A_643 : vector<16xf32>
        %broadcast_in_dim3A_645 = arith.constant true
        %broadcast_in_dim3A_646 = vector.broadcast %broadcast_in_dim3A_645 : i1 to vector<16xi1>
        %masked_cumsum3A_647 = tpu.scan <sum>, %add3A_644 masked %broadcast_in_dim3A_646 : vector<16xf32>, vector<16xi1> -> vector<16xf32>
        %add3A_648 = arith.addf %masked_cumsum3A_647, %gather3A_25 : vector<16xf32>
        %mul3A_649 = arith.constant 3 : i32
        %mul3A_650 = arith.muli %add3A_567, %mul3A_649 : i32
        %add3A_651 = arith.constant 1 : i32
        %add3A_652 = arith.addi %mul3A_650, %add3A_651 : i32
        %broadcast_in_dim3A_653 = vector.broadcast %add3A_652 : i32 to vector<16xi32>
        tpu.vector_store_idx %arg18[%broadcast_in_dim3A_653], %add3A_648 masked %eq3A_32 : memref<960xf32, #tpu.memory_space<vmem>>[vector<16xi32>], vector<16xf32>, vector<16xi1>
        %mul3A_654 = arith.mulf %add3A_618, %get3A_11 : vector<16xf32>
        %mul3A_655 = arith.mulf %add3A_629, %get3A_17 : vector<16xf32>
        %add3A_656 = arith.addf %mul3A_654, %mul3A_655 : vector<16xf32>
        %broadcast_in_dim3A_657 = arith.constant true
        %broadcast_in_dim3A_658 = vector.broadcast %broadcast_in_dim3A_657 : i1 to vector<16xi1>
        %masked_cumsum3A_659 = tpu.scan <sum>, %add3A_656 masked %broadcast_in_dim3A_658 : vector<16xf32>, vector<16xi1> -> vector<16xf32>
        %add3A_660 = arith.addf %masked_cumsum3A_659, %gather3A_30 : vector<16xf32>
        %mul3A_661 = arith.constant 3 : i32
        %mul3A_662 = arith.muli %add3A_567, %mul3A_661 : i32
        %add3A_663 = arith.constant 2 : i32
        %add3A_664 = arith.addi %mul3A_662, %add3A_663 : i32
        %broadcast_in_dim3A_665 = vector.broadcast %add3A_664 : i32 to vector<16xi32>
        tpu.vector_store_idx %arg18[%broadcast_in_dim3A_665], %add3A_660 masked %eq3A_32 : memref<960xf32, #tpu.memory_space<vmem>>[vector<16xi32>], vector<16xf32>, vector<16xi1>
        %scan3A_666 = arith.constant 5 : i32
        %scan3A_667 = arith.addi %scan3A_151, %scan3A_666 : i32
        %mul3A_668 = arith.constant 1 : i32
        %mul3A_669 = arith.muli %scan3A_667, %mul3A_668 : i32
        %add3A_670 = arith.constant 0 : i32
        %add3A_671 = arith.addi %add3A_670, %mul3A_669 : i32
        %get3A_672 = arith.index_cast %add3A_671 : i32 to index
        %get3A_673 = arith.constant 0 : index
        %get3A_674 = tpu.vector_load %arg12[%get3A_672, %get3A_673] {strides = array<i32>} : memref<320x32xi32, #tpu.memory_space<vmem>>, vector<16xi32>,
        %get3A_675 = arith.index_cast %add3A_671 : i32 to index
        %get3A_676 = arith.constant 16 : index
        %get3A_677 = tpu.vector_load %arg12[%get3A_675, %get3A_676] {strides = array<i32>} : memref<320x32xi32, #tpu.memory_space<vmem>>, vector<16xi32>,
        %get3A_678 = arith.index_cast %add3A_671 : i32 to index
        %get3A_679 = arith.constant 0 : index
        %get3A_680 = tpu.vector_load %arg14[%get3A_678, %get3A_679] {strides = array<i32>} : memref<320x32xi32, #tpu.memory_space<vmem>>, vector<16xi32>,
        %get3A_681 = arith.index_cast %add3A_671 : i32 to index
        %get3A_682 = arith.constant 16 : index
        %get3A_683 = tpu.vector_load %arg14[%get3A_681, %get3A_682] {strides = array<i32>} : memref<320x32xi32, #tpu.memory_space<vmem>>, vector<16xi32>,
        %get3A_684 = arith.index_cast %add3A_671 : i32 to index
        %get3A_685 = arith.constant 0 : index
        %get3A_686 = tpu.vector_load %arg16[%get3A_684, %get3A_685] {strides = array<i32>} : memref<320x16xi32, #tpu.memory_space<vmem>>, vector<16xi32>,
        %shift_left3A_687 = arith.constant 16 : i32
        %shift_left3A_688 = vector.broadcast %shift_left3A_687 : i32 to vector<16xi32>
        %shift_left3A_689 = arith.shli %get3A_674, %shift_left3A_688 : vector<16xi32>
        %bitcast3A_690 = vector.bitcast %shift_left3A_689 : vector<16xi32> to vector<16xf32>
        %bitcast3A_691 = vector.bitcast %get3A_674 : vector<16xi32> to vector<16xf32>
        %shift_left3A_692 = arith.constant 16 : i32
        %shift_left3A_693 = vector.broadcast %shift_left3A_692 : i32 to vector<16xi32>
        %shift_left3A_694 = arith.shli %get3A_677, %shift_left3A_693 : vector<16xi32>
        %bitcast3A_695 = vector.bitcast %shift_left3A_694 : vector<16xi32> to vector<16xf32>
        %bitcast3A_696 = vector.bitcast %get3A_677 : vector<16xi32> to vector<16xf32>
        %shift_left3A_697 = arith.constant 16 : i32
        %shift_left3A_698 = vector.broadcast %shift_left3A_697 : i32 to vector<16xi32>
        %shift_left3A_699 = arith.shli %get3A_680, %shift_left3A_698 : vector<16xi32>
        %bitcast3A_700 = vector.bitcast %shift_left3A_699 : vector<16xi32> to vector<16xf32>
        %bitcast3A_701 = vector.bitcast %get3A_680 : vector<16xi32> to vector<16xf32>
        %shift_left3A_702 = arith.constant 16 : i32
        %shift_left3A_703 = vector.broadcast %shift_left3A_702 : i32 to vector<16xi32>
        %shift_left3A_704 = arith.shli %get3A_683, %shift_left3A_703 : vector<16xi32>
        %bitcast3A_705 = vector.bitcast %shift_left3A_704 : vector<16xi32> to vector<16xf32>
        %bitcast3A_706 = vector.bitcast %get3A_683 : vector<16xi32> to vector<16xf32>
        %shift_left3A_707 = arith.constant 16 : i32
        %shift_left3A_708 = vector.broadcast %shift_left3A_707 : i32 to vector<16xi32>
        %shift_left3A_709 = arith.shli %get3A_686, %shift_left3A_708 : vector<16xi32>
        %bitcast3A_710 = vector.bitcast %shift_left3A_709 : vector<16xi32> to vector<16xf32>
        %bitcast3A_711 = vector.bitcast %get3A_686 : vector<16xi32> to vector<16xf32>
        %add3A_712 = arith.addf %bitcast3A_690, %bitcast3A_701 : vector<16xf32>
        %add3A_713 = arith.addf %add3A_712, %bitcast3A_710 : vector<16xf32>
        %max3A_714 = arith.constant 0.000000e+00 : f32
        %max3A_715 = vector.broadcast %max3A_714 : f32 to vector<16xf32>
        %max3A_716 = arith.maximumf %add3A_713, %max3A_715 : vector<16xf32>
        %add3A_717 = arith.addf %bitcast3A_700, %bitcast3A_691 : vector<16xf32>
        %add3A_718 = arith.addf %add3A_717, %bitcast3A_710 : vector<16xf32>
        %max3A_719 = arith.constant 0.000000e+00 : f32
        %max3A_720 = vector.broadcast %max3A_719 : f32 to vector<16xf32>
        %max3A_721 = arith.maximumf %add3A_718, %max3A_720 : vector<16xf32>
        %add3A_722 = arith.addf %max3A_716, %max3A_721 : vector<16xf32>
        %add3A_723 = arith.addf %bitcast3A_695, %bitcast3A_706 : vector<16xf32>
        %add3A_724 = arith.addf %add3A_723, %bitcast3A_711 : vector<16xf32>
        %max3A_725 = arith.constant 0.000000e+00 : f32
        %max3A_726 = vector.broadcast %max3A_725 : f32 to vector<16xf32>
        %max3A_727 = arith.maximumf %add3A_724, %max3A_726 : vector<16xf32>
        %add3A_728 = arith.addf %bitcast3A_705, %bitcast3A_696 : vector<16xf32>
        %add3A_729 = arith.addf %add3A_728, %bitcast3A_711 : vector<16xf32>
        %max3A_730 = arith.constant 0.000000e+00 : f32
        %max3A_731 = vector.broadcast %max3A_730 : f32 to vector<16xf32>
        %max3A_732 = arith.maximumf %add3A_729, %max3A_731 : vector<16xf32>
        %add3A_733 = arith.addf %max3A_727, %max3A_732 : vector<16xf32>
        %mul3A_734 = arith.mulf %add3A_722, %get3A_7 : vector<16xf32>
        %mul3A_735 = arith.mulf %add3A_733, %get3A_13 : vector<16xf32>
        %add3A_736 = arith.addf %mul3A_734, %mul3A_735 : vector<16xf32>
        %broadcast_in_dim3A_737 = arith.constant true
        %broadcast_in_dim3A_738 = vector.broadcast %broadcast_in_dim3A_737 : i1 to vector<16xi1>
        %masked_cumsum3A_739 = tpu.scan <sum>, %add3A_736 masked %broadcast_in_dim3A_738 : vector<16xf32>, vector<16xi1> -> vector<16xf32>
        %add3A_740 = arith.addf %masked_cumsum3A_739, %gather3A_20 : vector<16xf32>
        %mul3A_741 = arith.constant 3 : i32
        %mul3A_742 = arith.muli %add3A_671, %mul3A_741 : i32
        %add3A_743 = arith.constant 0 : i32
        %add3A_744 = arith.addi %mul3A_742, %add3A_743 : i32
        %broadcast_in_dim3A_745 = vector.broadcast %add3A_744 : i32 to vector<16xi32>
        tpu.vector_store_idx %arg18[%broadcast_in_dim3A_745], %add3A_740 masked %eq3A_32 : memref<960xf32, #tpu.memory_space<vmem>>[vector<16xi32>], vector<16xf32>, vector<16xi1>
        %mul3A_746 = arith.mulf %add3A_722, %get3A_9 : vector<16xf32>
        %mul3A_747 = arith.mulf %add3A_733, %get3A_15 : vector<16xf32>
        %add3A_748 = arith.addf %mul3A_746, %mul3A_747 : vector<16xf32>
        %broadcast_in_dim3A_749 = arith.constant true
        %broadcast_in_dim3A_750 = vector.broadcast %broadcast_in_dim3A_749 : i1 to vector<16xi1>
        %masked_cumsum3A_751 = tpu.scan <sum>, %add3A_748 masked %broadcast_in_dim3A_750 : vector<16xf32>, vector<16xi1> -> vector<16xf32>
        %add3A_752 = arith.addf %masked_cumsum3A_751, %gather3A_25 : vector<16xf32>
        %mul3A_753 = arith.constant 3 : i32
        %mul3A_754 = arith.muli %add3A_671, %mul3A_753 : i32
        %add3A_755 = arith.constant 1 : i32
        %add3A_756 = arith.addi %mul3A_754, %add3A_755 : i32
        %broadcast_in_dim3A_757 = vector.broadcast %add3A_756 : i32 to vector<16xi32>
        tpu.vector_store_idx %arg18[%broadcast_in_dim3A_757], %add3A_752 masked %eq3A_32 : memref<960xf32, #tpu.memory_space<vmem>>[vector<16xi32>], vector<16xf32>, vector<16xi1>
        %mul3A_758 = arith.mulf %add3A_722, %get3A_11 : vector<16xf32>
        %mul3A_759 = arith.mulf %add3A_733, %get3A_17 : vector<16xf32>
        %add3A_760 = arith.addf %mul3A_758, %mul3A_759 : vector<16xf32>
        %broadcast_in_dim3A_761 = arith.constant true
        %broadcast_in_dim3A_762 = vector.broadcast %broadcast_in_dim3A_761 : i1 to vector<16xi1>
        %masked_cumsum3A_763 = tpu.scan <sum>, %add3A_760 masked %broadcast_in_dim3A_762 : vector<16xf32>, vector<16xi1> -> vector<16xf32>
        %add3A_764 = arith.addf %masked_cumsum3A_763, %gather3A_30 : vector<16xf32>
        %mul3A_765 = arith.constant 3 : i32
        %mul3A_766 = arith.muli %add3A_671, %mul3A_765 : i32
        %add3A_767 = arith.constant 2 : i32
        %add3A_768 = arith.addi %mul3A_766, %add3A_767 : i32
        %broadcast_in_dim3A_769 = vector.broadcast %add3A_768 : i32 to vector<16xi32>
        tpu.vector_store_idx %arg18[%broadcast_in_dim3A_769], %add3A_764 masked %eq3A_32 : memref<960xf32, #tpu.memory_space<vmem>>[vector<16xi32>], vector<16xf32>, vector<16xi1>
        %scan3A_770 = arith.constant 6 : i32
        %scan3A_771 = arith.addi %scan3A_151, %scan3A_770 : i32
        %mul3A_772 = arith.constant 1 : i32
        %mul3A_773 = arith.muli %scan3A_771, %mul3A_772 : i32
        %add3A_774 = arith.constant 0 : i32
        %add3A_775 = arith.addi %add3A_774, %mul3A_773 : i32
        %get3A_776 = arith.index_cast %add3A_775 : i32 to index
        %get3A_777 = arith.constant 0 : index
        %get3A_778 = tpu.vector_load %arg12[%get3A_776, %get3A_777] {strides = array<i32>} : memref<320x32xi32, #tpu.memory_space<vmem>>, vector<16xi32>,
        %get3A_779 = arith.index_cast %add3A_775 : i32 to index
        %get3A_780 = arith.constant 16 : index
        %get3A_781 = tpu.vector_load %arg12[%get3A_779, %get3A_780] {strides = array<i32>} : memref<320x32xi32, #tpu.memory_space<vmem>>, vector<16xi32>,
        %get3A_782 = arith.index_cast %add3A_775 : i32 to index
        %get3A_783 = arith.constant 0 : index
        %get3A_784 = tpu.vector_load %arg14[%get3A_782, %get3A_783] {strides = array<i32>} : memref<320x32xi32, #tpu.memory_space<vmem>>, vector<16xi32>,
        %get3A_785 = arith.index_cast %add3A_775 : i32 to index
        %get3A_786 = arith.constant 16 : index
        %get3A_787 = tpu.vector_load %arg14[%get3A_785, %get3A_786] {strides = array<i32>} : memref<320x32xi32, #tpu.memory_space<vmem>>, vector<16xi32>,
        %get3A_788 = arith.index_cast %add3A_775 : i32 to index
        %get3A_789 = arith.constant 0 : index
        %get3A_790 = tpu.vector_load %arg16[%get3A_788, %get3A_789] {strides = array<i32>} : memref<320x16xi32, #tpu.memory_space<vmem>>, vector<16xi32>,
        %shift_left3A_791 = arith.constant 16 : i32
        %shift_left3A_792 = vector.broadcast %shift_left3A_791 : i32 to vector<16xi32>
        %shift_left3A_793 = arith.shli %get3A_778, %shift_left3A_792 : vector<16xi32>
        %bitcast3A_794 = vector.bitcast %shift_left3A_793 : vector<16xi32> to vector<16xf32>
        %bitcast3A_795 = vector.bitcast %get3A_778 : vector<16xi32> to vector<16xf32>
        %shift_left3A_796 = arith.constant 16 : i32
        %shift_left3A_797 = vector.broadcast %shift_left3A_796 : i32 to vector<16xi32>
        %shift_left3A_798 = arith.shli %get3A_781, %shift_left3A_797 : vector<16xi32>
        %bitcast3A_799 = vector.bitcast %shift_left3A_798 : vector<16xi32> to vector<16xf32>
        %bitcast3A_800 = vector.bitcast %get3A_781 : vector<16xi32> to vector<16xf32>
        %shift_left3A_801 = arith.constant 16 : i32
        %shift_left3A_802 = vector.broadcast %shift_left3A_801 : i32 to vector<16xi32>
        %shift_left3A_803 = arith.shli %get3A_784, %shift_left3A_802 : vector<16xi32>
        %bitcast3A_804 = vector.bitcast %shift_left3A_803 : vector<16xi32> to vector<16xf32>
        %bitcast3A_805 = vector.bitcast %get3A_784 : vector<16xi32> to vector<16xf32>
        %shift_left3A_806 = arith.constant 16 : i32
        %shift_left3A_807 = vector.broadcast %shift_left3A_806 : i32 to vector<16xi32>
        %shift_left3A_808 = arith.shli %get3A_787, %shift_left3A_807 : vector<16xi32>
        %bitcast3A_809 = vector.bitcast %shift_left3A_808 : vector<16xi32> to vector<16xf32>
        %bitcast3A_810 = vector.bitcast %get3A_787 : vector<16xi32> to vector<16xf32>
        %shift_left3A_811 = arith.constant 16 : i32
        %shift_left3A_812 = vector.broadcast %shift_left3A_811 : i32 to vector<16xi32>
        %shift_left3A_813 = arith.shli %get3A_790, %shift_left3A_812 : vector<16xi32>
        %bitcast3A_814 = vector.bitcast %shift_left3A_813 : vector<16xi32> to vector<16xf32>
        %bitcast3A_815 = vector.bitcast %get3A_790 : vector<16xi32> to vector<16xf32>
        %add3A_816 = arith.addf %bitcast3A_794, %bitcast3A_805 : vector<16xf32>
        %add3A_817 = arith.addf %add3A_816, %bitcast3A_814 : vector<16xf32>
        %max3A_818 = arith.constant 0.000000e+00 : f32
        %max3A_819 = vector.broadcast %max3A_818 : f32 to vector<16xf32>
        %max3A_820 = arith.maximumf %add3A_817, %max3A_819 : vector<16xf32>
        %add3A_821 = arith.addf %bitcast3A_804, %bitcast3A_795 : vector<16xf32>
        %add3A_822 = arith.addf %add3A_821, %bitcast3A_814 : vector<16xf32>
        %max3A_823 = arith.constant 0.000000e+00 : f32
        %max3A_824 = vector.broadcast %max3A_823 : f32 to vector<16xf32>
        %max3A_825 = arith.maximumf %add3A_822, %max3A_824 : vector<16xf32>
        %add3A_826 = arith.addf %max3A_820, %max3A_825 : vector<16xf32>
        %add3A_827 = arith.addf %bitcast3A_799, %bitcast3A_810 : vector<16xf32>
        %add3A_828 = arith.addf %add3A_827, %bitcast3A_815 : vector<16xf32>
        %max3A_829 = arith.constant 0.000000e+00 : f32
        %max3A_830 = vector.broadcast %max3A_829 : f32 to vector<16xf32>
        %max3A_831 = arith.maximumf %add3A_828, %max3A_830 : vector<16xf32>
        %add3A_832 = arith.addf %bitcast3A_809, %bitcast3A_800 : vector<16xf32>
        %add3A_833 = arith.addf %add3A_832, %bitcast3A_815 : vector<16xf32>
        %max3A_834 = arith.constant 0.000000e+00 : f32
        %max3A_835 = vector.broadcast %max3A_834 : f32 to vector<16xf32>
        %max3A_836 = arith.maximumf %add3A_833, %max3A_835 : vector<16xf32>
        %add3A_837 = arith.addf %max3A_831, %max3A_836 : vector<16xf32>
        %mul3A_838 = arith.mulf %add3A_826, %get3A_7 : vector<16xf32>
        %mul3A_839 = arith.mulf %add3A_837, %get3A_13 : vector<16xf32>
        %add3A_840 = arith.addf %mul3A_838, %mul3A_839 : vector<16xf32>
        %broadcast_in_dim3A_841 = arith.constant true
        %broadcast_in_dim3A_842 = vector.broadcast %broadcast_in_dim3A_841 : i1 to vector<16xi1>
        %masked_cumsum3A_843 = tpu.scan <sum>, %add3A_840 masked %broadcast_in_dim3A_842 : vector<16xf32>, vector<16xi1> -> vector<16xf32>
        %add3A_844 = arith.addf %masked_cumsum3A_843, %gather3A_20 : vector<16xf32>
        %mul3A_845 = arith.constant 3 : i32
        %mul3A_846 = arith.muli %add3A_775, %mul3A_845 : i32
        %add3A_847 = arith.constant 0 : i32
        %add3A_848 = arith.addi %mul3A_846, %add3A_847 : i32
        %broadcast_in_dim3A_849 = vector.broadcast %add3A_848 : i32 to vector<16xi32>
        tpu.vector_store_idx %arg18[%broadcast_in_dim3A_849], %add3A_844 masked %eq3A_32 : memref<960xf32, #tpu.memory_space<vmem>>[vector<16xi32>], vector<16xf32>, vector<16xi1>
        %mul3A_850 = arith.mulf %add3A_826, %get3A_9 : vector<16xf32>
        %mul3A_851 = arith.mulf %add3A_837, %get3A_15 : vector<16xf32>
        %add3A_852 = arith.addf %mul3A_850, %mul3A_851 : vector<16xf32>
        %broadcast_in_dim3A_853 = arith.constant true
        %broadcast_in_dim3A_854 = vector.broadcast %broadcast_in_dim3A_853 : i1 to vector<16xi1>
        %masked_cumsum3A_855 = tpu.scan <sum>, %add3A_852 masked %broadcast_in_dim3A_854 : vector<16xf32>, vector<16xi1> -> vector<16xf32>
        %add3A_856 = arith.addf %masked_cumsum3A_855, %gather3A_25 : vector<16xf32>
        %mul3A_857 = arith.constant 3 : i32
        %mul3A_858 = arith.muli %add3A_775, %mul3A_857 : i32
        %add3A_859 = arith.constant 1 : i32
        %add3A_860 = arith.addi %mul3A_858, %add3A_859 : i32
        %broadcast_in_dim3A_861 = vector.broadcast %add3A_860 : i32 to vector<16xi32>
        tpu.vector_store_idx %arg18[%broadcast_in_dim3A_861], %add3A_856 masked %eq3A_32 : memref<960xf32, #tpu.memory_space<vmem>>[vector<16xi32>], vector<16xf32>, vector<16xi1>
        %mul3A_862 = arith.mulf %add3A_826, %get3A_11 : vector<16xf32>
        %mul3A_863 = arith.mulf %add3A_837, %get3A_17 : vector<16xf32>
        %add3A_864 = arith.addf %mul3A_862, %mul3A_863 : vector<16xf32>
        %broadcast_in_dim3A_865 = arith.constant true
        %broadcast_in_dim3A_866 = vector.broadcast %broadcast_in_dim3A_865 : i1 to vector<16xi1>
        %masked_cumsum3A_867 = tpu.scan <sum>, %add3A_864 masked %broadcast_in_dim3A_866 : vector<16xf32>, vector<16xi1> -> vector<16xf32>
        %add3A_868 = arith.addf %masked_cumsum3A_867, %gather3A_30 : vector<16xf32>
        %mul3A_869 = arith.constant 3 : i32
        %mul3A_870 = arith.muli %add3A_775, %mul3A_869 : i32
        %add3A_871 = arith.constant 2 : i32
        %add3A_872 = arith.addi %mul3A_870, %add3A_871 : i32
        %broadcast_in_dim3A_873 = vector.broadcast %add3A_872 : i32 to vector<16xi32>
        tpu.vector_store_idx %arg18[%broadcast_in_dim3A_873], %add3A_868 masked %eq3A_32 : memref<960xf32, #tpu.memory_space<vmem>>[vector<16xi32>], vector<16xf32>, vector<16xi1>
        %scan3A_874 = arith.constant 7 : i32
        %scan3A_875 = arith.addi %scan3A_151, %scan3A_874 : i32
        %mul3A_876 = arith.constant 1 : i32
        %mul3A_877 = arith.muli %scan3A_875, %mul3A_876 : i32
        %add3A_878 = arith.constant 0 : i32
        %add3A_879 = arith.addi %add3A_878, %mul3A_877 : i32
        %get3A_880 = arith.index_cast %add3A_879 : i32 to index
        %get3A_881 = arith.constant 0 : index
        %get3A_882 = tpu.vector_load %arg12[%get3A_880, %get3A_881] {strides = array<i32>} : memref<320x32xi32, #tpu.memory_space<vmem>>, vector<16xi32>,
        %get3A_883 = arith.index_cast %add3A_879 : i32 to index
        %get3A_884 = arith.constant 16 : index
        %get3A_885 = tpu.vector_load %arg12[%get3A_883, %get3A_884] {strides = array<i32>} : memref<320x32xi32, #tpu.memory_space<vmem>>, vector<16xi32>,
        %get3A_886 = arith.index_cast %add3A_879 : i32 to index
        %get3A_887 = arith.constant 0 : index
        %get3A_888 = tpu.vector_load %arg14[%get3A_886, %get3A_887] {strides = array<i32>} : memref<320x32xi32, #tpu.memory_space<vmem>>, vector<16xi32>,
        %get3A_889 = arith.index_cast %add3A_879 : i32 to index
        %get3A_890 = arith.constant 16 : index
        %get3A_891 = tpu.vector_load %arg14[%get3A_889, %get3A_890] {strides = array<i32>} : memref<320x32xi32, #tpu.memory_space<vmem>>, vector<16xi32>,
        %get3A_892 = arith.index_cast %add3A_879 : i32 to index
        %get3A_893 = arith.constant 0 : index
        %get3A_894 = tpu.vector_load %arg16[%get3A_892, %get3A_893] {strides = array<i32>} : memref<320x16xi32, #tpu.memory_space<vmem>>, vector<16xi32>,
        %shift_left3A_895 = arith.constant 16 : i32
        %shift_left3A_896 = vector.broadcast %shift_left3A_895 : i32 to vector<16xi32>
        %shift_left3A_897 = arith.shli %get3A_882, %shift_left3A_896 : vector<16xi32>
        %bitcast3A_898 = vector.bitcast %shift_left3A_897 : vector<16xi32> to vector<16xf32>
        %bitcast3A_899 = vector.bitcast %get3A_882 : vector<16xi32> to vector<16xf32>
        %shift_left3A_900 = arith.constant 16 : i32
        %shift_left3A_901 = vector.broadcast %shift_left3A_900 : i32 to vector<16xi32>
        %shift_left3A_902 = arith.shli %get3A_885, %shift_left3A_901 : vector<16xi32>
        %bitcast3A_903 = vector.bitcast %shift_left3A_902 : vector<16xi32> to vector<16xf32>
        %bitcast3A_904 = vector.bitcast %get3A_885 : vector<16xi32> to vector<16xf32>
        %shift_left3A_905 = arith.constant 16 : i32
        %shift_left3A_906 = vector.broadcast %shift_left3A_905 : i32 to vector<16xi32>
        %shift_left3A_907 = arith.shli %get3A_888, %shift_left3A_906 : vector<16xi32>
        %bitcast3A_908 = vector.bitcast %shift_left3A_907 : vector<16xi32> to vector<16xf32>
        %bitcast3A_909 = vector.bitcast %get3A_888 : vector<16xi32> to vector<16xf32>
        %shift_left3A_910 = arith.constant 16 : i32
        %shift_left3A_911 = vector.broadcast %shift_left3A_910 : i32 to vector<16xi32>
        %shift_left3A_912 = arith.shli %get3A_891, %shift_left3A_911 : vector<16xi32>
        %bitcast3A_913 = vector.bitcast %shift_left3A_912 : vector<16xi32> to vector<16xf32>
        %bitcast3A_914 = vector.bitcast %get3A_891 : vector<16xi32> to vector<16xf32>
        %shift_left3A_915 = arith.constant 16 : i32
        %shift_left3A_916 = vector.broadcast %shift_left3A_915 : i32 to vector<16xi32>
        %shift_left3A_917 = arith.shli %get3A_894, %shift_left3A_916 : vector<16xi32>
        %bitcast3A_918 = vector.bitcast %shift_left3A_917 : vector<16xi32> to vector<16xf32>
        %bitcast3A_919 = vector.bitcast %get3A_894 : vector<16xi32> to vector<16xf32>
        %add3A_920 = arith.addf %bitcast3A_898, %bitcast3A_909 : vector<16xf32>
        %add3A_921 = arith.addf %add3A_920, %bitcast3A_918 : vector<16xf32>
        %max3A_922 = arith.constant 0.000000e+00 : f32
        %max3A_923 = vector.broadcast %max3A_922 : f32 to vector<16xf32>
        %max3A_924 = arith.maximumf %add3A_921, %max3A_923 : vector<16xf32>
        %add3A_925 = arith.addf %bitcast3A_908, %bitcast3A_899 : vector<16xf32>
        %add3A_926 = arith.addf %add3A_925, %bitcast3A_918 : vector<16xf32>
        %max3A_927 = arith.constant 0.000000e+00 : f32
        %max3A_928 = vector.broadcast %max3A_927 : f32 to vector<16xf32>
        %max3A_929 = arith.maximumf %add3A_926, %max3A_928 : vector<16xf32>
        %add3A_930 = arith.addf %max3A_924, %max3A_929 : vector<16xf32>
        %add3A_931 = arith.addf %bitcast3A_903, %bitcast3A_914 : vector<16xf32>
        %add3A_932 = arith.addf %add3A_931, %bitcast3A_919 : vector<16xf32>
        %max3A_933 = arith.constant 0.000000e+00 : f32
        %max3A_934 = vector.broadcast %max3A_933 : f32 to vector<16xf32>
        %max3A_935 = arith.maximumf %add3A_932, %max3A_934 : vector<16xf32>
        %add3A_936 = arith.addf %bitcast3A_913, %bitcast3A_904 : vector<16xf32>
        %add3A_937 = arith.addf %add3A_936, %bitcast3A_919 : vector<16xf32>
        %max3A_938 = arith.constant 0.000000e+00 : f32
        %max3A_939 = vector.broadcast %max3A_938 : f32 to vector<16xf32>
        %max3A_940 = arith.maximumf %add3A_937, %max3A_939 : vector<16xf32>
        %add3A_941 = arith.addf %max3A_935, %max3A_940 : vector<16xf32>
        %mul3A_942 = arith.mulf %add3A_930, %get3A_7 : vector<16xf32>
        %mul3A_943 = arith.mulf %add3A_941, %get3A_13 : vector<16xf32>
        %add3A_944 = arith.addf %mul3A_942, %mul3A_943 : vector<16xf32>
        %broadcast_in_dim3A_945 = arith.constant true
        %broadcast_in_dim3A_946 = vector.broadcast %broadcast_in_dim3A_945 : i1 to vector<16xi1>
        %masked_cumsum3A_947 = tpu.scan <sum>, %add3A_944 masked %broadcast_in_dim3A_946 : vector<16xf32>, vector<16xi1> -> vector<16xf32>
        %add3A_948 = arith.addf %masked_cumsum3A_947, %gather3A_20 : vector<16xf32>
        %mul3A_949 = arith.constant 3 : i32
        %mul3A_950 = arith.muli %add3A_879, %mul3A_949 : i32
        %add3A_951 = arith.constant 0 : i32
        %add3A_952 = arith.addi %mul3A_950, %add3A_951 : i32
        %broadcast_in_dim3A_953 = vector.broadcast %add3A_952 : i32 to vector<16xi32>
        tpu.vector_store_idx %arg18[%broadcast_in_dim3A_953], %add3A_948 masked %eq3A_32 : memref<960xf32, #tpu.memory_space<vmem>>[vector<16xi32>], vector<16xf32>, vector<16xi1>
        %mul3A_954 = arith.mulf %add3A_930, %get3A_9 : vector<16xf32>
        %mul3A_955 = arith.mulf %add3A_941, %get3A_15 : vector<16xf32>
        %add3A_956 = arith.addf %mul3A_954, %mul3A_955 : vector<16xf32>
        %broadcast_in_dim3A_957 = arith.constant true
        %broadcast_in_dim3A_958 = vector.broadcast %broadcast_in_dim3A_957 : i1 to vector<16xi1>
        %masked_cumsum3A_959 = tpu.scan <sum>, %add3A_956 masked %broadcast_in_dim3A_958 : vector<16xf32>, vector<16xi1> -> vector<16xf32>
        %add3A_960 = arith.addf %masked_cumsum3A_959, %gather3A_25 : vector<16xf32>
        %mul3A_961 = arith.constant 3 : i32
        %mul3A_962 = arith.muli %add3A_879, %mul3A_961 : i32
        %add3A_963 = arith.constant 1 : i32
        %add3A_964 = arith.addi %mul3A_962, %add3A_963 : i32
        %broadcast_in_dim3A_965 = vector.broadcast %add3A_964 : i32 to vector<16xi32>
        tpu.vector_store_idx %arg18[%broadcast_in_dim3A_965], %add3A_960 masked %eq3A_32 : memref<960xf32, #tpu.memory_space<vmem>>[vector<16xi32>], vector<16xf32>, vector<16xi1>
        %mul3A_966 = arith.mulf %add3A_930, %get3A_11 : vector<16xf32>
        %mul3A_967 = arith.mulf %add3A_941, %get3A_17 : vector<16xf32>
        %add3A_968 = arith.addf %mul3A_966, %mul3A_967 : vector<16xf32>
        %broadcast_in_dim3A_969 = arith.constant true
        %broadcast_in_dim3A_970 = vector.broadcast %broadcast_in_dim3A_969 : i1 to vector<16xi1>
        %masked_cumsum3A_971 = tpu.scan <sum>, %add3A_968 masked %broadcast_in_dim3A_970 : vector<16xf32>, vector<16xi1> -> vector<16xf32>
        %add3A_972 = arith.addf %masked_cumsum3A_971, %gather3A_30 : vector<16xf32>
        %mul3A_973 = arith.constant 3 : i32
        %mul3A_974 = arith.muli %add3A_879, %mul3A_973 : i32
        %add3A_975 = arith.constant 2 : i32
        %add3A_976 = arith.addi %mul3A_974, %add3A_975 : i32
        %broadcast_in_dim3A_977 = vector.broadcast %add3A_976 : i32 to vector<16xi32>
        tpu.vector_store_idx %arg18[%broadcast_in_dim3A_977], %add3A_972 masked %eq3A_32 : memref<960xf32, #tpu.memory_space<vmem>>[vector<16xi32>], vector<16xf32>, vector<16xi1>
      }
      %scan3A_145 = arith.constant 320 : i32
      %mul3A_146 = arith.constant 320 : i32
      %mul3A_147 = arith.muli %add3A_140, %mul3A_146 : i32
      %add3A_148 = arith.addi %mul3A_2, %mul3A_147 : i32
      %mul3A_149 = arith.constant 3 : i32
      %mul3A_150 = arith.muli %add3A_148, %mul3A_149 : i32
      "tpu.region"() ({
        %run_scoped3A_151 = tpu.sem_alloc : memref<!tpu.dma_semaphore, #tpu.memory_space<semaphore_mem>>
        %dma_start3A_152 = tpu.memref_slice %arg9[%mul3A_150] : memref<614400xf32, #tpu.memory_space<hbm>> -> memref<960xf32, #tpu.memory_space<hbm>>
        %dma_start3A_153 = tpu.memref_slice %arg9[%mul3A_150] : memref<614400xf32, #tpu.memory_space<hbm>> -> memref<960xf32, #tpu.memory_space<hbm>>
        tpu.enqueue_dma source(%arg18 : memref<960xf32, #tpu.memory_space<vmem>>) target(%dma_start3A_153 : memref<960xf32, #tpu.memory_space<hbm>>) target_semaphore(%run_scoped3A_151 : memref<!tpu.dma_semaphore, #tpu.memory_space<semaphore_mem>>)
        %dma_wait3A_154 = tpu.memref_slice %arg9[%mul3A_150] : memref<614400xf32, #tpu.memory_space<hbm>> -> memref<960xf32, #tpu.memory_space<hbm>>
        %dma_wait3A_155 = tpu.memref_slice %arg9[%mul3A_150] : memref<614400xf32, #tpu.memory_space<hbm>> -> memref<960xf32, #tpu.memory_space<hbm>>
        tpu.wait_dma2 semaphore(%run_scoped3A_151 : memref<!tpu.dma_semaphore, #tpu.memory_space<semaphore_mem>>) src(%arg18 : memref<960xf32, #tpu.memory_space<vmem>>) dst(%dma_wait3A_155 : memref<960xf32, #tpu.memory_space<hbm>>)
        tpu.yield
      }) : () -> ()
    }
    %scan3A_56 = arith.constant 10 : i32
    return
  }
}

module attributes {stable_mosaic.version = 14 : i64} {
  func.func @_project_body(%arg0: i32, %arg1: memref<2000x128xf32, #tpu.memory_space<vmem>>, %arg2: memref<128x64xf32, #tpu.memory_space<vmem>>, %arg3: memref<128x32xf32, #tpu.memory_space<vmem>>, %arg4: memref<1x64xf32, #tpu.memory_space<vmem>>, %arg5: memref<1x32xf32, #tpu.memory_space<vmem>>, %arg6: memref<2000x32xi32, #tpu.memory_space<vmem>>, %arg7: memref<2000x16xi32, #tpu.memory_space<vmem>>) attributes {dimension_semantics = [#tpu.dimension_semantics<arbitrary>], iteration_bounds = array<i64: 50>, scalar_prefetch = 0 : i64, scratch_operands = 0 : i64, tpu.core_type = #tpu.core_type<tc>, window_params = [{transform_indices = @transform_0, window_bounds = array<i64: 2000, 128>}, {pipeline_mode = #tpu.pipeline_mode<synchronous>, transform_indices = @transform_1, window_bounds = array<i64: 128, 64>}, {pipeline_mode = #tpu.pipeline_mode<synchronous>, transform_indices = @transform_2, window_bounds = array<i64: 128, 32>}, {pipeline_mode = #tpu.pipeline_mode<synchronous>, transform_indices = @transform_3, window_bounds = array<i64: 1, 64>}, {pipeline_mode = #tpu.pipeline_mode<synchronous>, transform_indices = @transform_4, window_bounds = array<i64: 1, 32>}, {transform_indices = @transform_5, window_bounds = array<i64: 2000, 32>}, {transform_indices = @transform_6, window_bounds = array<i64: 2000, 16>}]} {
    %get3A = arith.constant 0 : index
    %get3A_0 = arith.constant 0 : index
    %get3A_1 = vector.load %arg1[%get3A, %get3A_0] : memref<2000x128xf32, #tpu.memory_space<vmem>>, vector<2000x128xf32>
    %get3A_2 = arith.constant 0 : index
    %get3A_3 = arith.constant 0 : index
    %get3A_4 = vector.load %arg2[%get3A_2, %get3A_3] : memref<128x64xf32, #tpu.memory_space<vmem>>, vector<128x64xf32>
    %dot_general3A = arith.constant dense<0.000000e+00> : vector<2000x64xf32>
    %dot_general3A_5 = tpu.matmul %get3A_1, %get3A_4, %dot_general3A {dimension_numbers = #tpu.dot_dimension_numbers<[1], [0], [0], [1], [0, 0, 1, 1], [], []>, transpose_lhs_hint = false} : vector<2000x128xf32>, vector<128x64xf32>, vector<2000x64xf32> -> vector<2000x64xf32>
    %get3A_6 = arith.constant 0 : index
    %get3A_7 = arith.constant 0 : index
    %get3A_8 = vector.load %arg4[%get3A_6, %get3A_7] : memref<1x64xf32, #tpu.memory_space<vmem>>, vector<1x64xf32>
    %add3A = vector.broadcast %get3A_8 : vector<1x64xf32> to vector<2000x64xf32>
    %add3A_9 = arith.addf %dot_general3A_5, %add3A : vector<2000x64xf32>
    %get3A_10 = arith.constant 0 : index
    %get3A_11 = arith.constant 0 : index
    %get3A_12 = vector.load %arg3[%get3A_10, %get3A_11] : memref<128x32xf32, #tpu.memory_space<vmem>>, vector<128x32xf32>
    %dot_general3A_13 = arith.constant dense<0.000000e+00> : vector<2000x32xf32>
    %dot_general3A_14 = tpu.matmul %get3A_1, %get3A_12, %dot_general3A_13 {dimension_numbers = #tpu.dot_dimension_numbers<[1], [0], [0], [1], [0, 0, 1, 1], [], []>, transpose_lhs_hint = false} : vector<2000x128xf32>, vector<128x32xf32>, vector<2000x32xf32> -> vector<2000x32xf32>
    %get3A_15 = arith.constant 0 : index
    %get3A_16 = arith.constant 0 : index
    %get3A_17 = vector.load %arg5[%get3A_15, %get3A_16] : memref<1x32xf32, #tpu.memory_space<vmem>>, vector<1x32xf32>
    %add3A_18 = vector.broadcast %get3A_17 : vector<1x32xf32> to vector<2000x32xf32>
    %add3A_19 = arith.addf %dot_general3A_14, %add3A_18 : vector<2000x32xf32>
    %slice3A = vector.extract_strided_slice %add3A_9 {offsets = [0, 0], sizes = [2000, 32], strides = [1, 1]} : vector<2000x64xf32> to vector<2000x32xf32>
    %bitcast_convert_type3A = tpu.bitcast %slice3A : vector<2000x32xf32> -> vector<2000x32xi32>
    %add3A_20 = arith.constant 32767 : i32
    %add3A_21 = vector.broadcast %add3A_20 : i32 to vector<2000x32xi32>
    %add3A_22 = arith.addi %bitcast_convert_type3A, %add3A_21 : vector<2000x32xi32>
    %shift_right_arithmetic3A = arith.constant 16 : i32
    %shift_right_arithmetic3A_23 = vector.broadcast %shift_right_arithmetic3A : i32 to vector<2000x32xi32>
    %shift_right_arithmetic3A_24 = arith.shrsi %bitcast_convert_type3A, %shift_right_arithmetic3A_23 : vector<2000x32xi32>
    %and3A = arith.constant 1 : i32
    %and3A_25 = vector.broadcast %and3A : i32 to vector<2000x32xi32>
    %and3A_26 = arith.andi %shift_right_arithmetic3A_24, %and3A_25 : vector<2000x32xi32>
    %add3A_27 = arith.addi %add3A_22, %and3A_26 : vector<2000x32xi32>
    %slice3A_28 = vector.extract_strided_slice %add3A_9 {offsets = [0, 32], sizes = [2000, 32], strides = [1, 1]} : vector<2000x64xf32> to vector<2000x32xf32>
    %bitcast_convert_type3A_29 = tpu.bitcast %slice3A_28 : vector<2000x32xf32> -> vector<2000x32xi32>
    %add3A_30 = arith.constant 32767 : i32
    %add3A_31 = vector.broadcast %add3A_30 : i32 to vector<2000x32xi32>
    %add3A_32 = arith.addi %bitcast_convert_type3A_29, %add3A_31 : vector<2000x32xi32>
    %shift_right_arithmetic3A_33 = arith.constant 16 : i32
    %shift_right_arithmetic3A_34 = vector.broadcast %shift_right_arithmetic3A_33 : i32 to vector<2000x32xi32>
    %shift_right_arithmetic3A_35 = arith.shrsi %bitcast_convert_type3A_29, %shift_right_arithmetic3A_34 : vector<2000x32xi32>
    %and3A_36 = arith.constant 1 : i32
    %and3A_37 = vector.broadcast %and3A_36 : i32 to vector<2000x32xi32>
    %and3A_38 = arith.andi %shift_right_arithmetic3A_35, %and3A_37 : vector<2000x32xi32>
    %add3A_39 = arith.addi %add3A_32, %and3A_38 : vector<2000x32xi32>
    %shift_right_arithmetic3A_40 = arith.constant 16 : i32
    %shift_right_arithmetic3A_41 = vector.broadcast %shift_right_arithmetic3A_40 : i32 to vector<2000x32xi32>
    %shift_right_arithmetic3A_42 = arith.shrsi %add3A_27, %shift_right_arithmetic3A_41 : vector<2000x32xi32>
    %and3A_43 = arith.constant 65535 : i32
    %and3A_44 = vector.broadcast %and3A_43 : i32 to vector<2000x32xi32>
    %and3A_45 = arith.andi %shift_right_arithmetic3A_42, %and3A_44 : vector<2000x32xi32>
    %and3A_46 = arith.constant -65536 : i32
    %and3A_47 = vector.broadcast %and3A_46 : i32 to vector<2000x32xi32>
    %and3A_48 = arith.andi %add3A_39, %and3A_47 : vector<2000x32xi32>
    %or3A = arith.ori %and3A_45, %and3A_48 : vector<2000x32xi32>
    %swap3A = arith.constant 0 : index
    %swap3A_49 = arith.constant 0 : index
    %swap3A_50 = vector.load %arg6[%swap3A, %swap3A_49] : memref<2000x32xi32, #tpu.memory_space<vmem>>, vector<2000x32xi32>
    tpu.vector_store %arg6[%swap3A, %swap3A_49], %or3A {strides = array<i32>} : memref<2000x32xi32, #tpu.memory_space<vmem>>, vector<2000x32xi32>,
    %slice3A_51 = vector.extract_strided_slice %add3A_19 {offsets = [0, 0], sizes = [2000, 16], strides = [1, 1]} : vector<2000x32xf32> to vector<2000x16xf32>
    %bitcast_convert_type3A_52 = tpu.bitcast %slice3A_51 : vector<2000x16xf32> -> vector<2000x16xi32>
    %add3A_53 = arith.constant 32767 : i32
    %add3A_54 = vector.broadcast %add3A_53 : i32 to vector<2000x16xi32>
    %add3A_55 = arith.addi %bitcast_convert_type3A_52, %add3A_54 : vector<2000x16xi32>
    %shift_right_arithmetic3A_56 = arith.constant 16 : i32
    %shift_right_arithmetic3A_57 = vector.broadcast %shift_right_arithmetic3A_56 : i32 to vector<2000x16xi32>
    %shift_right_arithmetic3A_58 = arith.shrsi %bitcast_convert_type3A_52, %shift_right_arithmetic3A_57 : vector<2000x16xi32>
    %and3A_59 = arith.constant 1 : i32
    %and3A_60 = vector.broadcast %and3A_59 : i32 to vector<2000x16xi32>
    %and3A_61 = arith.andi %shift_right_arithmetic3A_58, %and3A_60 : vector<2000x16xi32>
    %add3A_62 = arith.addi %add3A_55, %and3A_61 : vector<2000x16xi32>
    %slice3A_63 = vector.extract_strided_slice %add3A_19 {offsets = [0, 16], sizes = [2000, 16], strides = [1, 1]} : vector<2000x32xf32> to vector<2000x16xf32>
    %bitcast_convert_type3A_64 = tpu.bitcast %slice3A_63 : vector<2000x16xf32> -> vector<2000x16xi32>
    %add3A_65 = arith.constant 32767 : i32
    %add3A_66 = vector.broadcast %add3A_65 : i32 to vector<2000x16xi32>
    %add3A_67 = arith.addi %bitcast_convert_type3A_64, %add3A_66 : vector<2000x16xi32>
    %shift_right_arithmetic3A_68 = arith.constant 16 : i32
    %shift_right_arithmetic3A_69 = vector.broadcast %shift_right_arithmetic3A_68 : i32 to vector<2000x16xi32>
    %shift_right_arithmetic3A_70 = arith.shrsi %bitcast_convert_type3A_64, %shift_right_arithmetic3A_69 : vector<2000x16xi32>
    %and3A_71 = arith.constant 1 : i32
    %and3A_72 = vector.broadcast %and3A_71 : i32 to vector<2000x16xi32>
    %and3A_73 = arith.andi %shift_right_arithmetic3A_70, %and3A_72 : vector<2000x16xi32>
    %add3A_74 = arith.addi %add3A_67, %and3A_73 : vector<2000x16xi32>
    %shift_right_arithmetic3A_75 = arith.constant 16 : i32
    %shift_right_arithmetic3A_76 = vector.broadcast %shift_right_arithmetic3A_75 : i32 to vector<2000x16xi32>
    %shift_right_arithmetic3A_77 = arith.shrsi %add3A_62, %shift_right_arithmetic3A_76 : vector<2000x16xi32>
    %and3A_78 = arith.constant 65535 : i32
    %and3A_79 = vector.broadcast %and3A_78 : i32 to vector<2000x16xi32>
    %and3A_80 = arith.andi %shift_right_arithmetic3A_77, %and3A_79 : vector<2000x16xi32>
    %and3A_81 = arith.constant -65536 : i32
    %and3A_82 = vector.broadcast %and3A_81 : i32 to vector<2000x16xi32>
    %and3A_83 = arith.andi %add3A_74, %and3A_82 : vector<2000x16xi32>
    %or3A_84 = arith.ori %and3A_80, %and3A_83 : vector<2000x16xi32>
    %swap3A_85 = arith.constant 0 : index
    %swap3A_86 = arith.constant 0 : index
    %swap3A_87 = vector.load %arg7[%swap3A_85, %swap3A_86] : memref<2000x16xi32, #tpu.memory_space<vmem>>, vector<2000x16xi32>
    tpu.vector_store %arg7[%swap3A_85, %swap3A_86], %or3A_84 {strides = array<i32>} : memref<2000x16xi32, #tpu.memory_space<vmem>>, vector<2000x16xi32>,
    return
  }
  func.func @transform_0(%arg0: i32) -> (i32, i32) {
    %c0_i32 = arith.constant 0 : i32
    %c0_i32_0 = arith.constant 0 : i32
    return %arg0, %c0_i32 : i32, i32
  }
  func.func @transform_1(%arg0: i32) -> (i32, i32) {
    %c0_i32 = arith.constant 0 : i32
    %c0_i32_0 = arith.constant 0 : i32
    %c0_i32_1 = arith.constant 0 : i32
    return %c0_i32, %c0_i32_0 : i32, i32
  }
  func.func @transform_2(%arg0: i32) -> (i32, i32) {
    %c0_i32 = arith.constant 0 : i32
    %c0_i32_0 = arith.constant 0 : i32
    %c0_i32_1 = arith.constant 0 : i32
    return %c0_i32, %c0_i32_0 : i32, i32
  }
  func.func @transform_3(%arg0: i32) -> (i32, i32) {
    %c0_i32 = arith.constant 0 : i32
    %c0_i32_0 = arith.constant 0 : i32
    %c0_i32_1 = arith.constant 0 : i32
    return %c0_i32, %c0_i32_0 : i32, i32
  }
  func.func @transform_4(%arg0: i32) -> (i32, i32) {
    %c0_i32 = arith.constant 0 : i32
    %c0_i32_0 = arith.constant 0 : i32
    %c0_i32_1 = arith.constant 0 : i32
    return %c0_i32, %c0_i32_0 : i32, i32
  }
  func.func @transform_5(%arg0: i32) -> (i32, i32) {
    %c0_i32 = arith.constant 0 : i32
    %c0_i32_0 = arith.constant 0 : i32
    return %arg0, %c0_i32 : i32, i32
  }
  func.func @transform_6(%arg0: i32) -> (i32, i32) {
    %c0_i32 = arith.constant 0 : i32
    %c0_i32_0 = arith.constant 0 : i32
    return %arg0, %c0_i32 : i32, i32
  }
}

</mosaic_0001>

<sc_bundles>
// kernel: kernel.4.cloned.1.call-start
scs
__scs_entry_jumppad:
0x0: {  	(pc) =	sbr.rel $0x88, $3  }
0x1: {  	(tag) =	ssettag $0x0;
	lr =	simm.s32 $0x1  }
0x2: {  	[smem:$0x3F9B] =	sst lr;
	_ =	strace $0xD0000000  }
0x3: {  	_ = 	snop  }
0x4: {  	_ = 	snop  }
0x5: {  	_ = 	snop  }
0x6: {  	_ = 	snop  }
0x7: {  	_ = 	snop  }
__scs_overlays_trampoline_lowered:
0x8: {  	[smem:$0x3FAA] =	sst s0  }
0x9: {  	[smem:$0x3FAB] =	sst s1  }
0xa: {  	[smem:$0x3FAC] =	sst s2  }
0xb: {  	[smem:$0x3FAD] =	sst s3  }
0xc: {  	[smem:$0x3FAE] =	sst s4  }
0xd: {  	[smem:$0x3FAF] =	sst s5  }
0xe: {  	[smem:$0x3FB0] =	sst s6  }
0xf: {  	[smem:$0x3FB1] =	sst s7  }
0x10: {  	[smem:$0x3FB2] =	sst s8  }
0x11: {  	[smem:$0x3FB3] =	sst s9;
	s0 =	simm.s32 @!p0 $0x0  }
0x12: {  	s1 =	sld [smem:$0x3F99];
	s0 =	simm.s32 @p0 $0x1  }
0x13: {  	[smem:$0x3FB4] =	sst s0;
	s0 =	simm.s32 @!p1 $0x0  }
0x14: {  	s2 =	sld [smem:$0x3F98];
	s0 =	simm.s32 @p1 $0x1  }
0x15: {  	[smem:$0x3FB5] =	sst s0;
	s0 =	simm.s32 @!p2 $0x0  }
0x16: {  	s3 =	sld [smem:$0x3FDB];
	s0 =	simm.s32 @p2 $0x1  }
0x17: {  	s4 =	simm.s32 $0x1BF5;
	[smem:$0x3FB7] =	sst s0  }
0x18: {  	s0 =	sld [smem:$0x3F9A];
	_ =	swait.ge [sflag:s4], $0x0  }
0x19: {  	s7 =	sld [smem:$0x3F9B]  }
0x1a: {  	s8 =	sadd.s32 $0xFFFFE003, lr  }
0x1b: {  	s9 =	sadd.s32 $0xFFFFFEF7, lr;
	s5 =	simm.s32 $0xFFFFFFFF;
	p2 =	slt.u32 s8, $0xFFFFF086  }
0x1c: {  	p1 =	slt.u32 s9, $0xF7A;
	s5 =	simm.s32 @!p2 $0x0  }
0x1d: {  	s5 =	simm.s32 @p1 $0x1;
	p0 =	seq.s32 s7, s2  }
0x1e: {  	s7 =	smul.u32 @!p0 $0xF7A, s2;
	p2 =	seq.s32 @!p0 s5, $0x0  }
0x1f: {  	s9 =	smul.u32 $0xF7A, s1;
	s8 =	simm.s32 @!p0 $0x1BF5;
	p2 =	por !p2, p0  }
0x20: {  	[sflag:s8] =	ssyncset.s32 @!p0 $0xFFFFF086;
	s6 =	sadd.s32 @!p0 s3, s7;
	s7 =	simm.s32 @!p0 $0x108  }
0x21: {  	s3 =	sadd.s32 s3, s9;
	s6 =	sadd.s32 @!p0 $0x88, s6;
	s7 =	simm.s32 @p2 $0x1082  }
0x22: {  	[simem:s7], [sflag:s8] =	dma.local @!p0 [hbm:s6], $0xF7A  }
0x23: {  	s9 =	sor.u32 $0xD0000000, s2;
	s6 =	simm.s32 $0x108;
	_ =	swait.ge @!p0 [sflag:s8], $0x0  }
0x24: {  	s3 =	sadd.s32 $0x88, s3;
	s6 =	simm.s32 @!p1 $0x1082;
	[sflag:s4] =	ssyncset.s32 $0xFFFFF086  }
0x25: {  	[simem:s6], [sflag:s4] =	dma.local [hbm:s3], $0xF7A  }
0x26: {  	[smem:$0x3F9B] =	sst s1;
	(tag) =	ssettag s2;
	_ =	strace s9  }
0x27: {  	s1 =	sld [smem:$0x3FAB]  }
0x28: {  	s2 =	sld [smem:$0x3FAC]  }
0x29: {  	s4 =	sld [smem:$0x3FAE]  }
0x2a: {  	p0 =	seq.s32 s5, $0x0;
	s5 =	sld [smem:$0x3FAF]  }
0x2b: {  	s6 =	sld [smem:$0x3FB0]  }
0x2c: {  	s7 =	sld [smem:$0x3FB1]  }
0x2d: {  	s3 =	simm.s32 $0x108;
	s8 =	sld [smem:$0x3FB2]  }
0x2e: {  	s3 =	simm.s32 @!p0 $0x1082;
	s9 =	sld [smem:$0x3FB3]  }
0x2f: {  	lr =	sadd.s32 s0, s3;
	s0 =	sld [smem:$0x3FAA]  }
0x30: {  	s3 =	sld [smem:$0x3FAD]  }
0x31: {  	[smem:$0x3FB6] =	sst s10  }
0x32: {  	s10 =	sld [smem:$0x3FB4];
	_ =	sdelay $0x3  }
0x33: {  	p0 =	seq.s32 s10, $0x1;
	s10 =	sld [smem:$0x3FB6];
	_ =	sdelay $0x3  }
0x34: {  	[smem:$0x3FB6] =	sst s10  }
0x35: {  	s10 =	sld [smem:$0x3FB5];
	_ =	sdelay $0x3  }
0x36: {  	p1 =	seq.s32 s10, $0x1;
	s10 =	sld [smem:$0x3FB6];
	_ =	sdelay $0x3  }
0x37: {  	[smem:$0x3FB6] =	sst s10  }
0x38: {  	s10 =	sld [smem:$0x3FB7]  }
0x39: {  	_ = 	snop;
	(pc) =	sbr.ind lr, $3  }
0x3a: {  	_ = 	snop  }
0x3b: {  	_ = 	snop  }
0x3c: {  	p2 =	seq.s32 s10, $0x1;
	s10 =	sld [smem:$0x3FB6]  }
0x3d: {  	_ =	shalt  }
0x3e: {  	_ =	shalt  }
0x3f: {  	_ =	shalt  }
0x40: {  	_ =	shalt  }
0x41: {  	_ =	shalt  }
0x42: {  	_ =	shalt  }
0x43: {  	_ =	shalt  }
0x44: {  	_ =	shalt  }
0x45: {  	_ =	shalt  }
0x46: {  	_ =	shalt  }
0x47: {  	_ =	shalt  }
0x48: {  	_ =	shalt  }
0x49: {  	_ =	shalt  }
0x4a: {  	_ =	shalt  }
0x4b: {  	_ =	shalt  }
0x4c: {  	_ =	shalt  }
0x4d: {  	_ =	shalt  }
0x4e: {  	_ =	shalt  }
0x4f: {  	_ =	shalt  }
0x50: {  	_ =	shalt  }
0x51: {  	_ =	shalt  }
0x52: {  	_ =	shalt  }
0x53: {  	_ =	shalt  }
0x54: {  	_ =	shalt  }
0x55: {  	_ =	shalt  }
0x56: {  	_ =	shalt  }
0x57: {  	_ =	shalt  }
0x58: {  	_ =	shalt  }
0x59: {  	_ =	shalt  }
0x5a: {  	_ =	shalt  }
0x5b: {  	_ =	shalt  }
0x5c: {  	_ =	shalt  }
0x5d: {  	_ =	shalt  }
0x5e: {  	_ =	shalt  }
0x5f: {  	_ =	shalt  }
0x60: {  	_ =	shalt  }
0x61: {  	_ =	shalt  }
0x62: {  	_ =	shalt  }
0x63: {  	_ =	shalt  }
0x64: {  	_ =	shalt  }
0x65: {  	_ =	shalt  }
0x66: {  	_ =	shalt  }
0x67: {  	_ =	shalt  }
0x68: {  	_ =	shalt  }
0x69: {  	_ =	shalt  }
0x6a: {  	_ =	shalt  }
0x6b: {  	_ =	shalt  }
0x6c: {  	_ =	shalt  }
0x6d: {  	_ =	shalt  }
0x6e: {  	_ =	shalt  }
0x6f: {  	_ =	shalt  }
0x70: {  	_ =	shalt  }
0x71: {  	_ =	shalt  }
0x72: {  	_ =	shalt  }
0x73: {  	_ =	shalt  }
0x74: {  	_ =	shalt  }
0x75: {  	_ =	shalt  }
0x76: {  	_ =	shalt  }
0x77: {  	_ =	shalt  }
0x78: {  	_ =	shalt  }
0x79: {  	_ =	shalt  }
0x7a: {  	_ =	shalt  }
0x7b: {  	_ =	shalt  }
0x7c: {  	_ =	shalt  }
0x7d: {  	_ =	shalt  }
0x7e: {  	_ =	shalt  }
0x7f: {  	_ =	shalt  }
0x80: {  	_ =	shalt  }
0x81: {  	_ =	shalt  }
0x82: {  	_ =	shalt  }
0x83: {  	_ =	shalt  }
0x84: {  	_ =	shalt  }
0x85: {  	_ =	shalt  }
0x86: {  	_ =	shalt  }
0x87: {  	_ =	shalt  }
.Lfunc_end0:
.L_simem_size_0:
called_computation_lowered:
.L_overlay_start_0:
0x88: {  	s2 =	sld [smem:$0x3FD9]  }
0x89: {  	s3 =	sld [smem:$0x3FFE];
	_ =	sdelay $0x1  }
0x8a: {  	s1 =	srdreg.scid  }
0x8b: {  	s0 =	sand.u32 $0x1, s1  }
0x8c: {  	s17 =	sshll.u32 s0, $0xA;
	s2 =	sadd.s32 s3, s2  }
0x8d: {  	s2 =	sadd.s32 s2, s17  }
0x8e: {  	[smem:$0x3FC2] =	sst s2  }
0x8f: {  	_ = 	snop  }
0x90: {  	s2 =	sld [smem:$0x3FD0];
	(tm) =	ssettm $0x1  }
0x91: {  	s18 =	sld [smem:$0x3FFB];
	_ =	sdelay $0x3  }
0x92: {  	_ =	strace s18  }
0x93: {  	s3 =	sld [smem:$0x3FFC];
	_ =	sdelay $0x3  }
0x94: {  	_ =	strace s3  }
0x95: {  	s3 =	sld [smem:$0x3FFD];
	_ =	sdelay $0x3  }
0x96: {  	_ =	strace s3  }
0x97: {  	_ =	strace $0x8FFFFFFF  }
0x98: {  	s19 =	sld [smem:$0x3FDB];
	_ =	sdelay $0x1  }
0x99: {  	s4 =	simm.s32 $_scs_section_size  }
0x9a: {  	s5 =	simm.s32 $_size__tile_overlayer_lowered;
	s6 =	simm.s32 $_tile_overlayer_lowered  }
0x9b: {  	s22 =	simm.s32 $0x1BFF;
	s21 =	sshll.u32 s6, $0x1;
	s3 =	sadd.s32 s4, s19  }
0x9c: {  	s7 =	simm.s32 $0x0;
	s20 =	sshll.u32 s5, $0x1;
	s5 =	sadd.s32 s21, s3  }
0x9d: {  	[timem:s7], [sflag:s22] =	dma.local [hbm:s5], s20  }
0x9e: {  	_ =	swait.ge [sflag:s22], s20  }
0x9f: {  	s4 =	ssub.s32 $0x0, s20;
	[sflag:s22] =	ssyncset.done $0x0  }
0xa0: {  	[sflag:s22] =	ssyncadd.s32 s4;
	_ =	sdelay $0x1  }
0xa1: {  	s23 =	simm.s32 $0x1B8B  }
0xa2: {  	_ =	swait.ge [sflag:s23], $0x1  }
0xa3: {  	[sflag:s23] =	ssyncset.done $0x0  }
0xa4: {  	s25 =	simm.s32 $0x1B8E;
	s24 =	sld [smem:$0x3FFE];
	[sflag:s23] =	ssyncadd.s32 $0xFFFFFFFF  }
0xa5: {  	s26 =	simm.s32 $execute0_lowered;
	[smem:$0x3FD2] =	sst s25  }
0xa6: {  	s5 =	sshll.u32 s26, $0x1;
	_ =	strace $0x80000046;
	[dreg:$0x1] =	wrdreg $0xFFFFFFFF  }
0xa7: {  	s28 =	simm.s32 $_size_execute0_lowered;
	s3 =	sadd.s32 s3, s5;
	[dreg:$0x0] =	wrdreg $0x0  }
0xa8: {  	s5 =	sshll.u32 s28, $0x1;
	[dreg:$0x2] =	wrdreg s3  }
0xa9: {  	[dreg:$0x3] =	wrdreg s5  }
0xaa: {  	[dreg:$0x4] =	wrdreg $0xC0  }
0xab: {  	_ =	task [dreg:s7], $0x5FFFF  }
0xac: {  	[dreg:$0x1] =	wrdreg $0xFFFFFFFF  }
0xad: {  	[dreg:$0x0] =	wrdreg $0x60  }
0xae: {  	[dreg:$0x2] =	wrdreg s24  }
0xaf: {  	[dreg:$0x3] =	wrdreg s2  }
0xb0: {  	[dreg:$0x4] =	wrdreg $0x9  }
0xb1: {  	_ =	task.clear_ibuf [dreg:s7], $0x5FFFF;
	_ =	strace $0x90000046  }
0xb2: {  	s29 =	simm.s32 $0x9;
	_ =	strace $0x80000048  }
0xb3: {  	_ =	swait.ge [sflag:s29], $0x1  }
0xb4: {  	[sflag:s29] =	ssyncadd.s32 $0xFFFFFFFF  }
0xb5: {  	_ =	strace $0x90000048  }
0xb6: {  	_ =	sfence  }
0xb7: {  	s30 =	sld [smem:$0x0];
	_ =	sdelay $0x2  }
0xb8: {  	s31 =	sshll.u32 s1, $0xD;
	s1 =	sshrl.u32 s1, $0x2  }
0xb9: {  	s3 =	sand.u32 $0x4000, s31;
	s1 =	sadd.s32 s1, s30  }
0xba: {  	s0 =	sor.u32 s3, s0;
	s1 =	sshll.u32 s1, $0x11  }
0xbb: {  	s0 =	sor.u32 s1, s0  }
0xbc: {  	s0 =	sadd.s32 $0x8F2B, s0  }
0xbd: {  	[sflag:s0] =	ssyncadd.remote.s32 $0x1  }
0xbe: {  	_ =	sfence.sel $0xFFFF  }
0xbf: {  	[dreg:$0x0] =	wrdreg $0xFFFFFFFF;
	(pc) =	sbr.abs _section_cstart, $3  }
0xc0: {  	[dreg:$0x1] =	wrdreg $0xFFFFFFFF  }
0xc1: {  	_ =	task.clear_ibuf [dreg:s7], $0x2FFFF;
	_ =	strace $0x9FFFFFFF  }
0xc2: {  	(tm) =	ssettm $0x7FFFFFFF  }
0xc3: {  	_ =	shalt  }
tec
execute0_lowered:
.L_overlay_start_1:
0x0: {  	(tag) =	ssettag $0x1  }
0x1: {  	s0 =	rddreg [dreg:$0x0];
	s1 =	srdreg.scid  }
0x2: {  	s3 =	stileid.u32;
	s2 =	rddreg [dreg:$0x1]  }
0x3: {  	s14 =	simm.s32 $0x3;
	s18 =	simm.s32 $0x140;
	s22 =	simm.s32 $0x7300  }
0x4: {  	s23 =	simm.s32 $0xFF00;
	s24 =	simm.s32 $0xC300;
	s25 =	simm.s32 $0x1  }
0x5: {  	s26 =	simm.s32 $0x11300;
	s28 =	simm.s32 $0x2;
	s29 =	simm.s32 $0x116C0  }
0x6: {  	s30 =	simm.s32 $0x0;
	s1 =	sand.u32 $0x1, s1;
	s4 =	sshll.u32 s3, $0x1  }
0x7: {  	s3 =	simm.s32 $0x0;
	s5 =	sadd.s32 $0x30E400, s0;
	s4 =	sor.u32 s1, s4  }
0x8: {  	s6 =	sadd.s32 $0x1000, s0;
	s1 =	ssub.s32 $0x2, s1;
	s4 =	smul.u32 $0x1900, s4  }
0x9: {  	s8 =	sadd.s32 $0x44C00, s0;
	[smem:$0x7FF] =	sst s3;
	s9 =	sshrl.u32 s1, $0x1  }
0xa: {  	_ =	strace $0x80000047;
	s31 =	ssub.s32 s1, s9;
	s7 =	sshrl.u32 s4, $0x3  }
0xb: {  	v0 =	vimm.s32 $0x0;
	v1 =	vimm.s32 $0x1;
	vm0 =	vcmask $0x300;
	s12 =	smax.u32 s31, $0x1;
	s11 =	sadd.s32 s7, s0;
	s7 =	sadd.s32 $0x44A00, s0  }
0xc: {  	v2 =	vimm.s32 $0x2;
	v3 =	vsel vm0, $0x3, v0;
	vm0 =	vcmask $0x3F3C;
	s9 =	sadd.s32 $0x3E600, s11;
	s10 =	sadd.s32 $0x38200, s11;
	s11 =	sadd.s32 $0x31E00, s11  }
.LBB2_1:
0xd: {  	s0 =	simm.s32 $0x11A80  }
0xe: {  	[tilespmem:s0], [sflag:$0x3] =	stream.linear.gather [hbm4b:s7+s3], $0x60, $0x38;
	[tilespmem:$0x11AF0] =	vst v63  }
0xf: {  	_ =	swait.ge [sflag:s14], $0x60  }
0x10: {  	[sflag:s14] =	ssyncset.done $0x0  }
0x11: {  	s17 =	simm.s32 $0x11AE0;
	[sflag:s14] =	ssyncadd.s32 $0xFFFFFFA0  }
0x12: {  	[tilespmem:s17], [sflag:$0x3] =	stream.linear.gather [hbm4b:s8+s3], $0x10, $0x38;
	[tilespmem:$0x11AF0] =	vst v63  }
0x13: {  	_ =	swait.ge [sflag:s14], $0x10  }
0x14: {  	[sflag:s14] =	ssyncset.done $0x0  }
0x15: {  	[sflag:s14] =	ssyncadd.s32 $0xFFFFFFF0  }
0x16: {  	[tilespmem:s3], [sflag:$0x3] =	stream.linear.gather [hbm4b:s9+s3], $0x1900, $0x38;
	[tilespmem:$0x11AF0] =	vst v63  }
0x17: {  	_ =	swait.ge [sflag:s14], $0x1900  }
0x18: {  	[sflag:s14] =	ssyncset.done $0x0  }
0x19: {  	s19 =	simm.s32 $0x1900;
	[sflag:s14] =	ssyncadd.s32 $0xFFFFE700  }
0x1a: {  	[tilespmem:s19], [sflag:$0x3] =	stream.linear.gather [hbm4b:s10+s3], $0x1900, $0x38;
	[tilespmem:$0x11AF0] =	vst v63  }
0x1b: {  	_ =	swait.ge [sflag:s14], $0x1900  }
0x1c: {  	[sflag:s14] =	ssyncset.done $0x0  }
0x1d: {  	s1 =	simm.s32 $0x3200;
	[sflag:s14] =	ssyncadd.s32 $0xFFFFE700  }
0x1e: {  	[tilespmem:s1], [sflag:$0x3] =	stream.linear.gather [hbm4b:s11+s3], $0x1900, $0x38;
	[tilespmem:$0x11AF0] =	vst v63  }
0x1f: {  	_ =	swait.ge [sflag:s14], $0x1900  }
0x20: {  	[sflag:s14] =	ssyncset.done $0x0  }
0x21: {  	[sflag:s14] =	ssyncadd.s32 $0xFFFFE700  }
0x22: {  	v12 =	vld [tilespmem:$0x11AE0]  }
0x23: {  	v4 =	vld [tilespmem:$0x11A80]  }
0x24: {  	v5 =	vld [tilespmem:$0x11AA0]  }
0x25: {  	v6 =	vld [tilespmem:$0x11AC0]  }
0x26: {  	v7 =	vld [tilespmem:$0x11A90]  }
0x27: {  	s13 =	simm.s32 $0x4B00;
	v8 =	vld [tilespmem:$0x11AB0]  }
0x28: {  	v9 =	vld [tilespmem:$0x11AD0];
	[tilespmem:s13], [sflag:$0x1] =	stream.indirect.gather [hbm4b:s5+s18], $0x20, s3, s18, $0xb8  }
0x29: {  	s20 =	simm.s32 $0xEB00  }
0x2a: {  	[tilespmem:s20], [sflag:$0x1] =	stream.indirect.gather [hbm4b:s6+s18], $0x10, s19, s18, $0xb8;
	[tilespmem:$0x11AF0] =	vst v63  }
0x2b: {  	s21 =	simm.s32 $0x9B00;
	s31 =	simm.s32 $0x0;
	v10 =	vperm.xlane v12, v0  }
0x2c: {  	[tilespmem:s21], [sflag:$0x1] =	stream.indirect.gather [hbm4b:s5+s18], $0x20, s1, s18, $0xb8;
	v11 =	vperm.xlane v12, v1;
	v12 =	vperm.xlane v12, v2;
	[tilespmem:$0x11AF0] =	vst v63  }
.LBB2_2:
0x2d: {  	s0 =	smul.u32 $0x280, s31;
	_ =	sdelay $0x1  }
0x2e: {  	s1 =	sadd.s32 $0x140, s0  }
0x2f: {  	[tilespmem:s22], [sflag:$0x2] =	stream.indirect.gather [hbm4b:s5+s18], $0x20, s1, s18, $0xb8;
	[tilespmem:$0x11AF0] =	vst v63  }
0x30: {  	s13 =	sadd.s32 $0x1A40, s0  }
0x31: {  	[tilespmem:s23], [sflag:$0x2] =	stream.indirect.gather [hbm4b:s6+s18], $0x10, s13, s18, $0xb8;
	[tilespmem:$0x11AF0] =	vst v63  }
0x32: {  	s21 =	sadd.s32 $0x3340, s0  }
0x33: {  	[tilespmem:s24], [sflag:$0x2] =	stream.indirect.gather [hbm4b:s5+s18], $0x20, s21, s18, $0xb8;
	[tilespmem:$0x11AF0] =	vst v63  }
0x34: {  	_ =	swait.ge [sflag:s25], $0x2800  }
0x35: {  	[sflag:s25] =	ssyncset.done $0x0  }
0x36: {  	[sflag:s25] =	ssyncadd.s32 $0xFFFFD800  }
0x37: {  	_ =	swait.ge [sflag:s25], $0x1400  }
0x38: {  	[sflag:s25] =	ssyncset.done $0x0  }
0x39: {  	[sflag:s25] =	ssyncadd.s32 $0xFFFFEC00  }
0x3a: {  	s15 =	simm.s32 $0x16;
	_ =	swait.ge [sflag:s25], $0x2800  }
0x3b: {  	s19 =	simm.s32 $0x9B80;
	s20 =	simm.s32 $0x4B80;
	[sflag:s25] =	ssyncset.done $0x0  }
0x3c: {  	s13 =	simm.s32 $0xFFFFFFF8;
	s21 =	simm.s32 $0xEB40;
	[sflag:s25] =	ssyncadd.s32 $0xFFFFD800  }
.LBB2_3:
0x3d: {  	v13 =	vld [tilespmem:s20+$0xFFFFFF80]  }
0x3e: {  	v14 =	vld [tilespmem:s20+$0xFFFFFF90]  }
0x3f: {  	v15 =	vld [tilespmem:s19+$0xFFFFFF80]  }
0x40: {  	v16 =	vld [tilespmem:s19+$0xFFFFFF90]  }
0x41: {  	v17 =	vld [tilespmem:s21+$0xFFFFFFC0];
	_ =	sdelay $0x2  }
0x42: {  	v18 =	vshll.u32 v13, $0x10;
	v19 =	vshll.u32 v14, $0x10;
	v20 =	vshll.u32 v15, $0x10  }
0x43: {  	v21 =	vshll.u32 v16, $0x10;
	v15 =	vadd.f32 v15, v18;
	v13 =	vadd.f32 v20, v13  }
0x44: {  	v63 =	vshll.u32 v17, $0x10;
	v16 =	vadd.f32 v16, v19;
	v14 =	vadd.f32 v21, v14  }
0x45: {  	v15 =	vadd.f32 v63, v15;
	v13 =	vadd.f32 v63, v13  }
0x46: {  	v16 =	vadd.f32 v17, v16;
	v14 =	vadd.f32 v17, v14  }
0x47: {  	v15 =	vmax.f32 v15, $0.0e+00  }
0x48: {  	v13 =	vmax.f32 v13, $0.0e+00;
	v16 =	vmax.f32 v16, $0.0e+00;
	v14 =	vmax.f32 v14, $0.0e+00  }
0x49: {  	v13 =	vadd.f32 v13, v15;
	v14 =	vadd.f32 v14, v16;
	_ =	sdelay $0x1  }
0x4a: {  	v15 =	vmul.f32 v13, v4;
	v16 =	vmul.f32 v14, v7  }
0x4b: {  	v21 =	vmul.f32 v13, v5;
	v22 =	vmul.f32 v14, v8  }
0x4c: {  	v13 =	vmul.f32 v13, v6;
	v14 =	vmul.f32 v14, v9;
	v15 =	vadd.f32 v16, v15  }
0x4d: {  	v23 =	vadd.f32 v22, v21  }
0x4e: {  	v13 =	vadd.f32 v14, v13;
	(xrf2) =	vadd.scan.msk.f32 $0xffff, v15  }
0x4f: {  	(xrf2) =	vadd.scan.msk.f32 $0xffff, v23  }
0x50: {  	(xrf2) =	vadd.scan.msk.f32 $0xffff, v13  }
0x51: {  	s16 =	sadd.s32 $0xFFFFFFEA, s15  }
0x52: {  	v13 =	vmov s16  }
0x53: {  	v13 =	vshrl.u32 v13, $0x3  }
0x54: {  	v13 =	vshll.u32 v13, v3  }
0x55: {  	v14 =	vbroadcast v13, $0x0;
	v15 =	vadd.s32 $0x1, v13  }
0x56: {  	v13 =	vadd.s32 $0x2, v13;
	v15 =	vbroadcast v15, $0x0  }
0x57: {  	v13 =	vbroadcast v13, $0x0  }
0x58: {  	v24, _, _ =	vpop (xrf2)  }
0x59: {  	v16 =	vadd.f32 v24, v10;
	v25, _, _ =	vpop (xrf2)  }
0x5a: {  	v17 =	vadd.f32 v25, v11;
	v26, _, _ =	vpop (xrf2)  }
0x5b: {  	[tilespmem:v14+s26+$0x0] =	vst.idx.msk vm0, v16;
	v14 =	vadd.f32 v26, v12  }
0x5c: {  	[tilespmem:v15+s26+$0x0] =	vst.idx.msk vm0, v17  }
0x5d: {  	[tilespmem:v13+s26+$0x0] =	vst.idx.msk vm0, v14  }
0x5e: {  	v13 =	vld [tilespmem:s20+$0xFFFFFFA0]  }
0x5f: {  	v14 =	vld [tilespmem:s20+$0xFFFFFFB0]  }
0x60: {  	v15 =	vld [tilespmem:s19+$0xFFFFFFA0]  }
0x61: {  	v16 =	vld [tilespmem:s19+$0xFFFFFFB0]  }
0x62: {  	v17 =	vld [tilespmem:s21+$0xFFFFFFD0];
	_ =	sdelay $0x2  }
0x63: {  	v27 =	vshll.u32 v13, $0x10;
	v28 =	vshll.u32 v14, $0x10;
	v29 =	vshll.u32 v15, $0x10  }
0x64: {  	v30 =	vshll.u32 v16, $0x10;
	v15 =	vadd.f32 v15, v27;
	v13 =	vadd.f32 v29, v13  }
0x65: {  	v31 =	vshll.u32 v17, $0x10;
	v16 =	vadd.f32 v16, v28;
	v14 =	vadd.f32 v30, v14  }
0x66: {  	v15 =	vadd.f32 v31, v15;
	v13 =	vadd.f32 v31, v13  }
0x67: {  	v16 =	vadd.f32 v17, v16;
	v14 =	vadd.f32 v17, v14  }
0x68: {  	v15 =	vmax.f32 v15, $0.0e+00  }
0x69: {  	v13 =	vmax.f32 v13, $0.0e+00;
	v16 =	vmax.f32 v16, $0.0e+00;
	v14 =	vmax.f32 v14, $0.0e+00  }
0x6a: {  	v13 =	vadd.f32 v13, v15;
	v14 =	vadd.f32 v14, v16;
	_ =	sdelay $0x1  }
0x6b: {  	v15 =	vmul.f32 v13, v4;
	v16 =	vmul.f32 v14, v7  }
0x6c: {  	v32 =	vmul.f32 v13, v5;
	v33 =	vmul.f32 v14, v8  }
0x6d: {  	v13 =	vmul.f32 v13, v6;
	v14 =	vmul.f32 v14, v9;
	v15 =	vadd.f32 v16, v15  }
0x6e: {  	v34 =	vadd.f32 v33, v32  }
0x6f: {  	v13 =	vadd.f32 v14, v13;
	(xrf2) =	vadd.scan.msk.f32 $0xffff, v15  }
0x70: {  	(xrf2) =	vadd.scan.msk.f32 $0xffff, v34  }
0x71: {  	s17 =	sadd.s32 $0xFFFFFFED, s15;
	(xrf2) =	vadd.scan.msk.f32 $0xffff, v13  }
0x72: {  	v13 =	vmov s17;
	s17 =	sadd.s32 $0xFFFFFFEE, s15  }
0x73: {  	v13 =	vshrl.u32 v13, $0x3;
	v14 =	vmov s17;
	s17 =	sadd.s32 $0xFFFFFFEF, s15  }
0x74: {  	v13 =	vshll.u32 v13, v3;
	v14 =	vshrl.u32 v14, $0x3;
	v15 =	vmov s17  }
0x75: {  	v13 =	vadd.s32 $0x3, v13;
	v14 =	vshll.u32 v14, v3;
	v15 =	vshrl.u32 v15, $0x3  }
0x76: {  	v13 =	vbroadcast v13, $0x0;
	v14 =	vadd.s32 $0x4, v14;
	v15 =	vshll.u32 v15, v3  }
0x77: {  	v14 =	vbroadcast v14, $0x0;
	v15 =	vadd.s32 $0x5, v15  }
0x78: {  	v15 =	vbroadcast v15, $0x0  }
0x79: {  	v35, _, _ =	vpop (xrf2)  }
0x7a: {  	v16 =	vadd.f32 v35, v10;
	v36, _, _ =	vpop (xrf2)  }
0x7b: {  	v17 =	vadd.f32 v36, v11;
	v37, _, _ =	vpop (xrf2)  }
0x7c: {  	[tilespmem:v13+s26+$0x0] =	vst.idx.msk vm0, v16;
	v13 =	vadd.f32 v37, v12  }
0x7d: {  	[tilespmem:v14+s26+$0x0] =	vst.idx.msk vm0, v17  }
0x7e: {  	[tilespmem:v15+s26+$0x0] =	vst.idx.msk vm0, v13  }
0x7f: {  	v13 =	vld [tilespmem:s20+$0xFFFFFFC0]  }
0x80: {  	v14 =	vld [tilespmem:s20+$0xFFFFFFD0]  }
0x81: {  	v15 =	vld [tilespmem:s19+$0xFFFFFFC0]  }
0x82: {  	v16 =	vld [tilespmem:s19+$0xFFFFFFD0]  }
0x83: {  	v17 =	vld [tilespmem:s21+$0xFFFFFFE0];
	_ =	sdelay $0x2  }
0x84: {  	v38 =	vshll.u32 v13, $0x10;
	v39 =	vshll.u32 v14, $0x10;
	v40 =	vshll.u32 v15, $0x10  }
0x85: {  	v41 =	vshll.u32 v16, $0x10;
	v15 =	vadd.f32 v15, v38;
	v13 =	vadd.f32 v40, v13  }
0x86: {  	v42 =	vshll.u32 v17, $0x10;
	v16 =	vadd.f32 v16, v39;
	v14 =	vadd.f32 v41, v14  }
0x87: {  	v15 =	vadd.f32 v42, v15;
	v13 =	vadd.f32 v42, v13  }
0x88: {  	v16 =	vadd.f32 v17, v16;
	v14 =	vadd.f32 v17, v14  }
0x89: {  	v15 =	vmax.f32 v15, $0.0e+00  }
0x8a: {  	v13 =	vmax.f32 v13, $0.0e+00;
	v16 =	vmax.f32 v16, $0.0e+00;
	v14 =	vmax.f32 v14, $0.0e+00  }
0x8b: {  	v13 =	vadd.f32 v13, v15;
	v14 =	vadd.f32 v14, v16;
	_ =	sdelay $0x1  }
0x8c: {  	v15 =	vmul.f32 v13, v4;
	v16 =	vmul.f32 v14, v7  }
0x8d: {  	v43 =	vmul.f32 v13, v5;
	v44 =	vmul.f32 v14, v8  }
0x8e: {  	v13 =	vmul.f32 v13, v6;
	v14 =	vmul.f32 v14, v9;
	v15 =	vadd.f32 v16, v15  }
0x8f: {  	v45 =	vadd.f32 v44, v43  }
0x90: {  	v13 =	vadd.f32 v14, v13;
	(xrf2) =	vadd.scan.msk.f32 $0xffff, v15  }
0x91: {  	(xrf2) =	vadd.scan.msk.f32 $0xffff, v45  }
0x92: {  	s17 =	sadd.s32 $0xFFFFFFF0, s15;
	(xrf2) =	vadd.scan.msk.f32 $0xffff, v13  }
0x93: {  	v13 =	vmov s17  }
0x94: {  	v13 =	vshrl.u32 v13, $0x3  }
0x95: {  	s17 =	sadd.s32 $0xFFFFFFF2, s15;
	v13 =	vshll.u32 v13, v3  }
0x96: {  	v15 =	vmov s17;
	v14 =	vadd.s32 $0x6, v13  }
0x97: {  	v15 =	vshrl.u32 v15, $0x3;
	v13 =	vadd.s32 $0x7, v13;
	v14 =	vbroadcast v14, $0x0  }
0x98: {  	v15 =	vshll.u32 v15, v3;
	v13 =	vbroadcast v13, $0x0  }
0x99: {  	v15 =	vbroadcast v15, $0x0  }
0x9a: {  	v46, _, _ =	vpop (xrf2)  }
0x9b: {  	v16 =	vadd.f32 v46, v10;
	v47, _, _ =	vpop (xrf2)  }
0x9c: {  	v17 =	vadd.f32 v47, v11;
	v48, _, _ =	vpop (xrf2)  }
0x9d: {  	[tilespmem:v14+s26+$0x0] =	vst.idx.msk vm0, v16;
	v14 =	vadd.f32 v48, v12  }
0x9e: {  	[tilespmem:v13+s26+$0x0] =	vst.idx.msk vm0, v17  }
0x9f: {  	[tilespmem:v15+s26+$0x0] =	vst.idx.msk vm0, v14  }
0xa0: {  	v13 =	vld [tilespmem:s20+$0xFFFFFFE0]  }
0xa1: {  	v14 =	vld [tilespmem:s20+$0xFFFFFFF0]  }
0xa2: {  	v15 =	vld [tilespmem:s19+$0xFFFFFFE0]  }
0xa3: {  	v16 =	vld [tilespmem:s19+$0xFFFFFFF0]  }
0xa4: {  	v17 =	vld [tilespmem:s21+$0xFFFFFFF0];
	_ =	sdelay $0x2  }
0xa5: {  	v49 =	vshll.u32 v13, $0x10;
	v50 =	vshll.u32 v14, $0x10;
	v51 =	vshll.u32 v15, $0x10  }
0xa6: {  	v52 =	vshll.u32 v16, $0x10;
	v15 =	vadd.f32 v15, v49;
	v13 =	vadd.f32 v51, v13  }
0xa7: {  	v53 =	vshll.u32 v17, $0x10;
	v16 =	vadd.f32 v16, v50;
	v14 =	vadd.f32 v52, v14  }
0xa8: {  	v15 =	vadd.f32 v53, v15;
	v13 =	vadd.f32 v53, v13  }
0xa9: {  	v16 =	vadd.f32 v17, v16;
	v14 =	vadd.f32 v17, v14  }
0xaa: {  	v15 =	vmax.f32 v15, $0.0e+00  }
0xab: {  	v13 =	vmax.f32 v13, $0.0e+00;
	v16 =	vmax.f32 v16, $0.0e+00;
	v14 =	vmax.f32 v14, $0.0e+00  }
0xac: {  	v13 =	vadd.f32 v13, v15;
	v14 =	vadd.f32 v14, v16;
	_ =	sdelay $0x1  }
0xad: {  	v15 =	vmul.f32 v13, v4;
	v16 =	vmul.f32 v14, v7  }
0xae: {  	v54 =	vmul.f32 v13, v5;
	v55 =	vmul.f32 v14, v8  }
0xaf: {  	v13 =	vmul.f32 v13, v6;
	v14 =	vmul.f32 v14, v9;
	v15 =	vadd.f32 v16, v15  }
0xb0: {  	v56 =	vadd.f32 v55, v54  }
0xb1: {  	v13 =	vadd.f32 v14, v13;
	(xrf2) =	vadd.scan.msk.f32 $0xffff, v15  }
0xb2: {  	(xrf2) =	vadd.scan.msk.f32 $0xffff, v56  }
0xb3: {  	s17 =	sadd.s32 $0xFFFFFFF3, s15;
	(xrf2) =	vadd.scan.msk.f32 $0xffff, v13  }
0xb4: {  	v13 =	vmov s17;
	s17 =	sadd.s32 $0xFFFFFFF4, s15  }
0xb5: {  	v13 =	vshrl.u32 v13, $0x3;
	v14 =	vmov s17  }
0xb6: {  	v13 =	vshll.u32 v13, v3;
	v14 =	vshrl.u32 v14, $0x3  }
0xb7: {  	v15 =	vadd.s32 $0x1, v13;
	v14 =	vshll.u32 v14, v3  }
0xb8: {  	v15 =	vbroadcast v15, $0x0;
	v14 =	vadd.s32 $0x2, v14  }
0xb9: {  	v13 =	vadd.s32 $0x3, v13;
	v14 =	vbroadcast v14, $0x0  }
0xba: {  	v13 =	vbroadcast v13, $0x0  }
0xbb: {  	v57, _, _ =	vpop (xrf2)  }
0xbc: {  	v16 =	vadd.f32 v57, v10;
	v58, _, _ =	vpop (xrf2)  }
0xbd: {  	v17 =	vadd.f32 v58, v11;
	v59, _, _ =	vpop (xrf2)  }
0xbe: {  	[tilespmem:v15+s26+$0x0] =	vst.idx.msk vm0, v16;
	v15 =	vadd.f32 v59, v12  }
0xbf: {  	[tilespmem:v14+s26+$0x0] =	vst.idx.msk vm0, v17  }
0xc0: {  	[tilespmem:v13+s26+$0x0] =	vst.idx.msk vm0, v15  }
0xc1: {  	v13 =	vld [tilespmem:s20+$0x0]  }
0xc2: {  	v14 =	vld [tilespmem:s20+$0x10]  }
0xc3: {  	v15 =	vld [tilespmem:s19+$0x0]  }
0xc4: {  	v16 =	vld [tilespmem:s19+$0x10]  }
0xc5: {  	v17 =	vld [tilespmem:s21+$0x0];
	_ =	sdelay $0x2  }
0xc6: {  	v60 =	vshll.u32 v13, $0x10;
	v61 =	vshll.u32 v14, $0x10;
	v62 =	vshll.u32 v15, $0x10  }
0xc7: {  	v63 =	vshll.u32 v16, $0x10;
	v15 =	vadd.f32 v15, v60;
	v13 =	vadd.f32 v62, v13  }
0xc8: {  	v24 =	vshll.u32 v17, $0x10;
	v16 =	vadd.f32 v16, v61;
	v14 =	vadd.f32 v63, v14  }
0xc9: {  	v15 =	vadd.f32 v24, v15;
	v13 =	vadd.f32 v24, v13  }
0xca: {  	v16 =	vadd.f32 v17, v16;
	v14 =	vadd.f32 v17, v14  }
0xcb: {  	v15 =	vmax.f32 v15, $0.0e+00  }
0xcc: {  	v13 =	vmax.f32 v13, $0.0e+00;
	v16 =	vmax.f32 v16, $0.0e+00;
	v14 =	vmax.f32 v14, $0.0e+00  }
0xcd: {  	v13 =	vadd.f32 v13, v15;
	v14 =	vadd.f32 v14, v16;
	_ =	sdelay $0x1  }
0xce: {  	v15 =	vmul.f32 v13, v4;
	v16 =	vmul.f32 v14, v7  }
0xcf: {  	v25 =	vmul.f32 v13, v5;
	v26 =	vmul.f32 v14, v8  }
0xd0: {  	v13 =	vmul.f32 v13, v6;
	v14 =	vmul.f32 v14, v9;
	v15 =	vadd.f32 v16, v15  }
0xd1: {  	v27 =	vadd.f32 v26, v25  }
0xd2: {  	v13 =	vadd.f32 v14, v13;
	(xrf2) =	vadd.scan.msk.f32 $0xffff, v15  }
0xd3: {  	(xrf2) =	vadd.scan.msk.f32 $0xffff, v27  }
0xd4: {  	s17 =	sadd.s32 $0xFFFFFFF6, s15;
	(xrf2) =	vadd.scan.msk.f32 $0xffff, v13  }
0xd5: {  	v13 =	vmov s17  }
0xd6: {  	v13 =	vshrl.u32 v13, $0x3  }
0xd7: {  	v13 =	vshll.u32 v13, v3  }
0xd8: {  	v14 =	vadd.s32 $0x4, v13  }
0xd9: {  	v15 =	vadd.s32 $0x5, v13;
	v14 =	vbroadcast v14, $0x0  }
0xda: {  	v13 =	vadd.s32 $0x6, v13;
	v15 =	vbroadcast v15, $0x0  }
0xdb: {  	v13 =	vbroadcast v13, $0x0  }
0xdc: {  	v28, _, _ =	vpop (xrf2)  }
0xdd: {  	v16 =	vadd.f32 v28, v10;
	v29, _, _ =	vpop (xrf2)  }
0xde: {  	v17 =	vadd.f32 v29, v11;
	v30, _, _ =	vpop (xrf2)  }
0xdf: {  	[tilespmem:v14+s26+$0x0] =	vst.idx.msk vm0, v16;
	v14 =	vadd.f32 v30, v12  }
0xe0: {  	[tilespmem:v15+s26+$0x0] =	vst.idx.msk vm0, v17  }
0xe1: {  	[tilespmem:v13+s26+$0x0] =	vst.idx.msk vm0, v14  }
0xe2: {  	v13 =	vld [tilespmem:s20+$0x20]  }
0xe3: {  	v14 =	vld [tilespmem:s20+$0x30]  }
0xe4: {  	v15 =	vld [tilespmem:s19+$0x20]  }
0xe5: {  	v16 =	vld [tilespmem:s19+$0x30]  }
0xe6: {  	v17 =	vld [tilespmem:s21+$0x10];
	_ =	sdelay $0x2  }
0xe7: {  	v31 =	vshll.u32 v13, $0x10;
	v32 =	vshll.u32 v14, $0x10;
	v33 =	vshll.u32 v15, $0x10  }
0xe8: {  	v34 =	vshll.u32 v16, $0x10;
	v15 =	vadd.f32 v15, v31;
	v13 =	vadd.f32 v33, v13  }
0xe9: {  	v35 =	vshll.u32 v17, $0x10;
	v16 =	vadd.f32 v16, v32;
	v14 =	vadd.f32 v34, v14  }
0xea: {  	v15 =	vadd.f32 v35, v15;
	v13 =	vadd.f32 v35, v13  }
0xeb: {  	v16 =	vadd.f32 v17, v16;
	v14 =	vadd.f32 v17, v14  }
0xec: {  	v15 =	vmax.f32 v15, $0.0e+00  }
0xed: {  	v13 =	vmax.f32 v13, $0.0e+00;
	v16 =	vmax.f32 v16, $0.0e+00;
	v14 =	vmax.f32 v14, $0.0e+00  }
0xee: {  	v13 =	vadd.f32 v13, v15;
	v14 =	vadd.f32 v14, v16;
	_ =	sdelay $0x1  }
0xef: {  	v15 =	vmul.f32 v13, v4;
	v16 =	vmul.f32 v14, v7  }
0xf0: {  	v36 =	vmul.f32 v13, v5;
	v37 =	vmul.f32 v14, v8  }
0xf1: {  	v13 =	vmul.f32 v13, v6;
	v14 =	vmul.f32 v14, v9;
	v15 =	vadd.f32 v16, v15  }
0xf2: {  	v38 =	vadd.f32 v37, v36  }
0xf3: {  	v13 =	vadd.f32 v14, v13;
	(xrf2) =	vadd.scan.msk.f32 $0xffff, v15  }
0xf4: {  	(xrf2) =	vadd.scan.msk.f32 $0xffff, v38  }
0xf5: {  	s17 =	sadd.s32 $0xFFFFFFF9, s15;
	(xrf2) =	vadd.scan.msk.f32 $0xffff, v13  }
0xf6: {  	v13 =	vmov s17  }
0xf7: {  	s16 =	sadd.s32 $0xFFFFFFFA, s15;
	s17 =	sadd.s32 $0xFFFFFFFB, s15;
	v13 =	vshrl.u32 v13, $0x3  }
0xf8: {  	v14 =	vmov s16;
	v15 =	vmov s17;
	v13 =	vshll.u32 v13, v3  }
0xf9: {  	v14 =	vshrl.u32 v14, $0x3;
	v15 =	vshrl.u32 v15, $0x3;
	v13 =	vadd.s32 $0x7, v13  }
0xfa: {  	v14 =	vshll.u32 v14, v3;
	v15 =	vshll.u32 v15, v3;
	v13 =	vbroadcast v13, $0x0  }
0xfb: {  	v14 =	vbroadcast v14, $0x0;
	v15 =	vadd.s32 $0x1, v15  }
0xfc: {  	v15 =	vbroadcast v15, $0x0  }
0xfd: {  	v39, _, _ =	vpop (xrf2)  }
0xfe: {  	v16 =	vadd.f32 v39, v10;
	v40, _, _ =	vpop (xrf2)  }
0xff: {  	v17 =	vadd.f32 v40, v11;
	v41, _, _ =	vpop (xrf2)  }
0x100: {  	[tilespmem:v13+s26+$0x0] =	vst.idx.msk vm0, v16;
	v13 =	vadd.f32 v41, v12  }
0x101: {  	[tilespmem:v14+s26+$0x0] =	vst.idx.msk vm0, v17  }
0x102: {  	[tilespmem:v15+s26+$0x0] =	vst.idx.msk vm0, v13  }
0x103: {  	v13 =	vld [tilespmem:s20+$0x40]  }
0x104: {  	v14 =	vld [tilespmem:s20+$0x50]  }
0x105: {  	v15 =	vld [tilespmem:s19+$0x40]  }
0x106: {  	v16 =	vld [tilespmem:s19+$0x50]  }
0x107: {  	v17 =	vld [tilespmem:s21+$0x20];
	_ =	sdelay $0x2  }
0x108: {  	v42 =	vshll.u32 v13, $0x10;
	v43 =	vshll.u32 v14, $0x10;
	v44 =	vshll.u32 v15, $0x10  }
0x109: {  	v45 =	vshll.u32 v16, $0x10;
	v15 =	vadd.f32 v15, v42;
	v13 =	vadd.f32 v44, v13  }
0x10a: {  	v46 =	vshll.u32 v17, $0x10;
	v16 =	vadd.f32 v16, v43;
	v14 =	vadd.f32 v45, v14  }
0x10b: {  	v15 =	vadd.f32 v46, v15;
	v13 =	vadd.f32 v46, v13  }
0x10c: {  	v16 =	vadd.f32 v17, v16;
	v14 =	vadd.f32 v17, v14  }
0x10d: {  	v15 =	vmax.f32 v15, $0.0e+00  }
0x10e: {  	v13 =	vmax.f32 v13, $0.0e+00;
	v16 =	vmax.f32 v16, $0.0e+00;
	v14 =	vmax.f32 v14, $0.0e+00  }
0x10f: {  	v13 =	vadd.f32 v13, v15;
	v14 =	vadd.f32 v14, v16;
	_ =	sdelay $0x1  }
0x110: {  	v15 =	vmul.f32 v13, v4;
	v16 =	vmul.f32 v14, v7  }
0x111: {  	v47 =	vmul.f32 v13, v5;
	v48 =	vmul.f32 v14, v8  }
0x112: {  	v13 =	vmul.f32 v13, v6;
	v14 =	vmul.f32 v14, v9;
	v15 =	vadd.f32 v16, v15  }
0x113: {  	v49 =	vadd.f32 v48, v47  }
0x114: {  	v13 =	vadd.f32 v14, v13;
	(xrf2) =	vadd.scan.msk.f32 $0xffff, v15  }
0x115: {  	(xrf2) =	vadd.scan.msk.f32 $0xffff, v49  }
0x116: {  	s17 =	sadd.s32 $0xFFFFFFFC, s15;
	(xrf2) =	vadd.scan.msk.f32 $0xffff, v13  }
0x117: {  	v13 =	vmov s17  }
0x118: {  	s17 =	sadd.s32 $0xFFFFFFFE, s15;
	v13 =	vshrl.u32 v13, $0x3  }
0x119: {  	v14 =	vmov s17;
	v13 =	vshll.u32 v13, v3  }
0x11a: {  	v14 =	vshrl.u32 v14, $0x3;
	v15 =	vadd.s32 $0x2, v13  }
0x11b: {  	v13 =	vadd.s32 $0x3, v13;
	v14 =	vshll.u32 v14, v3;
	v15 =	vbroadcast v15, $0x0  }
0x11c: {  	v13 =	vbroadcast v13, $0x0;
	v14 =	vadd.s32 $0x4, v14  }
0x11d: {  	v14 =	vbroadcast v14, $0x0  }
0x11e: {  	v50, _, _ =	vpop (xrf2)  }
0x11f: {  	v16 =	vadd.f32 v50, v10;
	v51, _, _ =	vpop (xrf2)  }
0x120: {  	v17 =	vadd.f32 v51, v11;
	v52, _, _ =	vpop (xrf2)  }
0x121: {  	[tilespmem:v15+s26+$0x0] =	vst.idx.msk vm0, v16;
	v15 =	vadd.f32 v52, v12  }
0x122: {  	[tilespmem:v13+s26+$0x0] =	vst.idx.msk vm0, v17  }
0x123: {  	[tilespmem:v14+s26+$0x0] =	vst.idx.msk vm0, v15  }
0x124: {  	v13 =	vld [tilespmem:s20+$0x60]  }
0x125: {  	v14 =	vld [tilespmem:s20+$0x70]  }
0x126: {  	v15 =	vld [tilespmem:s19+$0x60]  }
0x127: {  	v16 =	vld [tilespmem:s19+$0x70]  }
0x128: {  	v17 =	vld [tilespmem:s21+$0x30];
	_ =	sdelay $0x2  }
0x129: {  	v53 =	vshll.u32 v13, $0x10;
	v54 =	vshll.u32 v14, $0x10;
	v55 =	vshll.u32 v15, $0x10  }
0x12a: {  	v56 =	vshll.u32 v16, $0x10;
	v15 =	vadd.f32 v15, v53;
	v13 =	vadd.f32 v55, v13  }
0x12b: {  	v57 =	vshll.u32 v17, $0x10;
	v16 =	vadd.f32 v16, v54;
	v14 =	vadd.f32 v56, v14  }
0x12c: {  	v15 =	vadd.f32 v57, v15;
	v13 =	vadd.f32 v57, v13  }
0x12d: {  	v16 =	vadd.f32 v17, v16;
	v14 =	vadd.f32 v17, v14  }
0x12e: {  	v15 =	vmax.f32 v15, $0.0e+00  }
0x12f: {  	v13 =	vmax.f32 v13, $0.0e+00;
	v16 =	vmax.f32 v16, $0.0e+00;
	v14 =	vmax.f32 v14, $0.0e+00  }
0x130: {  	v13 =	vadd.f32 v13, v15;
	v14 =	vadd.f32 v14, v16;
	_ =	sdelay $0x1  }
0x131: {  	v15 =	vmul.f32 v13, v4;
	v16 =	vmul.f32 v14, v7  }
0x132: {  	v58 =	vmul.f32 v13, v5;
	v59 =	vmul.f32 v14, v8  }
0x133: {  	v13 =	vmul.f32 v13, v6;
	v14 =	vmul.f32 v14, v9;
	v15 =	vadd.f32 v16, v15  }
0x134: {  	v60 =	vadd.f32 v59, v58  }
0x135: {  	v13 =	vadd.f32 v14, v13;
	(xrf2) =	vadd.scan.msk.f32 $0xffff, v15  }
0x136: {  	(xrf2) =	vadd.scan.msk.f32 $0xffff, v60  }
0x137: {  	s17 =	sadd.s32 $0xFFFFFFFF, s15;
	(xrf2) =	vadd.scan.msk.f32 $0xffff, v13  }
0x138: {  	v13 =	vmov s17  }
0x139: {  	v14 =	vmov s15;
	v13 =	vshrl.u32 v13, $0x3  }
0x13a: {  	v14 =	vshrl.u32 v14, $0x3;
	v13 =	vshll.u32 v13, v3  }
0x13b: {  	v14 =	vshll.u32 v14, v3;
	v15 =	vadd.s32 $0x5, v13  }
0x13c: {  	v14 =	vadd.s32 $0x6, v14;
	v15 =	vbroadcast v15, $0x0  }
0x13d: {  	v14 =	vbroadcast v14, $0x0;
	v13 =	vadd.s32 $0x7, v13  }
0x13e: {  	s13 =	sadd.s32 $0x8, s13;
	v13 =	vbroadcast v13, $0x0  }
0x13f: {  	p0 =	slt.u32 s13, $0x138;
	v61, _, _ =	vpop (xrf2)  }
.Ltmp0:
0x140: {  	v62, _, _ =	vpop (xrf2);
	v16 =	vadd.f32 v61, v10;
	(pc) =	sbr.rel @p0 .LBB2_3-.Ltmp0, $4  }
0x141: {  	v17 =	vadd.f32 v62, v11;
	v63, _, _ =	vpop (xrf2)  }
0x142: {  	[tilespmem:v15+s26+$0x0] =	vst.idx.msk vm0, v16;
	v15 =	vadd.f32 v63, v12  }
0x143: {  	s19 =	sadd.s32 $0x100, s19;
	[tilespmem:v14+s26+$0x0] =	vst.idx.msk vm0, v17  }
0x144: {  	s20 =	sadd.s32 $0x100, s20;
	s21 =	sadd.s32 $0x80, s21;
	s15 =	sadd.s32 $0x18, s15;
	[tilespmem:v13+s26+$0x0] =	vst.idx.msk vm0, v15  }
0x145: {  	s13 =	sadd.s32 s4, s0  }
0x146: {  	s13 =	smul.u32 $0x3, s13;
	_ =	sdelay $0x1  }
0x147: {  	s13 =	sshrl.u32 s13, $0x3  }
0x148: {  	s13 =	sadd.s32 s2, s13  }
0x149: {  	[hbm4b:s13+s3] =	stream.linear.scatter [tilespmem:s26], [sflag:$0x3], $0x3C0, $0x38;
	[tilespmem:$0x11AF0] =	vst v63  }
0x14a: {  	p0 =	seq.s32 s31, $0x9;
	_ =	swait.ge [sflag:s14], $0x3C0  }
0x14b: {  	s15 =	simm.s32 @!p0 $0x140;
	[sflag:s14] =	ssyncset.done $0x0  }
0x14c: {  	s16 =	simm.s32 @!p0 $0x4B00;
	s13 =	sadd.s32 @!p0 $0x280, s0;
	[sflag:s14] =	ssyncadd.s32 $0xFFFFFC40  }
0x14d: {  	[tilespmem:s16], [sflag:$0x1] =	stream.indirect.gather @!p0 [hbm4b:s5+s15], $0x20, s13, s15, $0xb8;
	[tilespmem:$0x11AF0] =	vst v63  }
0x14e: {  	s13 =	sadd.s32 @!p0 $0x1B80, s0;
	s16 =	simm.s32 @!p0 $0xEB00  }
0x14f: {  	[tilespmem:s16], [sflag:$0x1] =	stream.indirect.gather @!p0 [hbm4b:s6+s15], $0x10, s13, s15, $0xb8;
	[tilespmem:$0x11AF0] =	vst v63  }
0x150: {  	s0 =	sadd.s32 @!p0 $0x3480, s0;
	s13 =	simm.s32 @!p0 $0x9B00  }
0x151: {  	[tilespmem:s13], [sflag:$0x1] =	stream.indirect.gather @!p0 [hbm4b:s5+s15], $0x20, s0, s15, $0xb8;
	[tilespmem:$0x11AF0] =	vst v63  }
0x152: {  	_ =	swait.ge [sflag:s28], $0x2800  }
0x153: {  	[sflag:s28] =	ssyncset.done $0x0  }
0x154: {  	[sflag:s28] =	ssyncadd.s32 $0xFFFFD800  }
0x155: {  	_ =	swait.ge [sflag:s28], $0x1400  }
0x156: {  	[sflag:s28] =	ssyncset.done $0x0  }
0x157: {  	[sflag:s28] =	ssyncadd.s32 $0xFFFFEC00  }
0x158: {  	s19 =	simm.s32 $0x7380;
	_ =	swait.ge [sflag:s28], $0x2800  }
0x159: {  	s20 =	simm.s32 $0xFF40;
	s0 =	simm.s32 $0xFFFFFFF8;
	[sflag:s28] =	ssyncset.done $0x0  }
0x15a: {  	s13 =	simm.s32 $0x16;
	s15 =	simm.s32 $0xC380;
	[sflag:s28] =	ssyncadd.s32 $0xFFFFD800  }
.LBB2_5:
0x15b: {  	v13 =	vld [tilespmem:s19+$0xFFFFFF80]  }
0x15c: {  	v14 =	vld [tilespmem:s19+$0xFFFFFF90]  }
0x15d: {  	v15 =	vld [tilespmem:s15+$0xFFFFFF80]  }
0x15e: {  	v16 =	vld [tilespmem:s15+$0xFFFFFF90]  }
0x15f: {  	v17 =	vld [tilespmem:s20+$0xFFFFFFC0];
	_ =	sdelay $0x2  }
0x160: {  	v18 =	vshll.u32 v13, $0x10;
	v19 =	vshll.u32 v14, $0x10;
	v20 =	vshll.u32 v15, $0x10  }
0x161: {  	v21 =	vshll.u32 v16, $0x10;
	v15 =	vadd.f32 v15, v18;
	v13 =	vadd.f32 v20, v13  }
0x162: {  	v63 =	vshll.u32 v17, $0x10;
	v16 =	vadd.f32 v16, v19;
	v14 =	vadd.f32 v21, v14  }
0x163: {  	v15 =	vadd.f32 v63, v15;
	v13 =	vadd.f32 v63, v13  }
0x164: {  	v16 =	vadd.f32 v17, v16;
	v14 =	vadd.f32 v17, v14  }
0x165: {  	v15 =	vmax.f32 v15, $0.0e+00  }
0x166: {  	v13 =	vmax.f32 v13, $0.0e+00;
	v16 =	vmax.f32 v16, $0.0e+00;
	v14 =	vmax.f32 v14, $0.0e+00  }
0x167: {  	v13 =	vadd.f32 v13, v15;
	v14 =	vadd.f32 v14, v16;
	_ =	sdelay $0x1  }
0x168: {  	v15 =	vmul.f32 v13, v4;
	v16 =	vmul.f32 v14, v7  }
0x169: {  	v21 =	vmul.f32 v13, v5;
	v22 =	vmul.f32 v14, v8  }
0x16a: {  	v13 =	vmul.f32 v13, v6;
	v14 =	vmul.f32 v14, v9;
	v15 =	vadd.f32 v16, v15  }
0x16b: {  	v23 =	vadd.f32 v22, v21  }
0x16c: {  	v13 =	vadd.f32 v14, v13;
	(xrf2) =	vadd.scan.msk.f32 $0xffff, v15  }
0x16d: {  	(xrf2) =	vadd.scan.msk.f32 $0xffff, v23  }
0x16e: {  	(xrf2) =	vadd.scan.msk.f32 $0xffff, v13  }
0x16f: {  	s16 =	sadd.s32 $0xFFFFFFEA, s13  }
0x170: {  	v13 =	vmov s16  }
0x171: {  	v13 =	vshrl.u32 v13, $0x3  }
0x172: {  	v13 =	vshll.u32 v13, v3  }
0x173: {  	v14 =	vbroadcast v13, $0x0;
	v15 =	vadd.s32 $0x1, v13  }
0x174: {  	v13 =	vadd.s32 $0x2, v13;
	v15 =	vbroadcast v15, $0x0  }
0x175: {  	v13 =	vbroadcast v13, $0x0  }
0x176: {  	v24, _, _ =	vpop (xrf2)  }
0x177: {  	v16 =	vadd.f32 v24, v10;
	v25, _, _ =	vpop (xrf2)  }
0x178: {  	v17 =	vadd.f32 v25, v11;
	v26, _, _ =	vpop (xrf2)  }
0x179: {  	[tilespmem:v14+s29+$0x0] =	vst.idx.msk vm0, v16;
	v14 =	vadd.f32 v26, v12  }
0x17a: {  	[tilespmem:v15+s29+$0x0] =	vst.idx.msk vm0, v17  }
0x17b: {  	[tilespmem:v13+s29+$0x0] =	vst.idx.msk vm0, v14  }
0x17c: {  	v13 =	vld [tilespmem:s19+$0xFFFFFFA0]  }
0x17d: {  	v14 =	vld [tilespmem:s19+$0xFFFFFFB0]  }
0x17e: {  	v15 =	vld [tilespmem:s15+$0xFFFFFFA0]  }
0x17f: {  	v16 =	vld [tilespmem:s15+$0xFFFFFFB0]  }
0x180: {  	v17 =	vld [tilespmem:s20+$0xFFFFFFD0];
	_ =	sdelay $0x2  }
0x181: {  	v27 =	vshll.u32 v13, $0x10;
	v28 =	vshll.u32 v14, $0x10;
	v29 =	vshll.u32 v15, $0x10  }
0x182: {  	v30 =	vshll.u32 v16, $0x10;
	v15 =	vadd.f32 v15, v27;
	v13 =	vadd.f32 v29, v13  }
0x183: {  	v31 =	vshll.u32 v17, $0x10;
	v16 =	vadd.f32 v16, v28;
	v14 =	vadd.f32 v30, v14  }
0x184: {  	v15 =	vadd.f32 v31, v15;
	v13 =	vadd.f32 v31, v13  }
0x185: {  	v16 =	vadd.f32 v17, v16;
	v14 =	vadd.f32 v17, v14  }
0x186: {  	v15 =	vmax.f32 v15, $0.0e+00  }
0x187: {  	v13 =	vmax.f32 v13, $0.0e+00;
	v16 =	vmax.f32 v16, $0.0e+00;
	v14 =	vmax.f32 v14, $0.0e+00  }
0x188: {  	v13 =	vadd.f32 v13, v15;
	v14 =	vadd.f32 v14, v16;
	_ =	sdelay $0x1  }
0x189: {  	v15 =	vmul.f32 v13, v4;
	v16 =	vmul.f32 v14, v7  }
0x18a: {  	v32 =	vmul.f32 v13, v5;
	v33 =	vmul.f32 v14, v8  }
0x18b: {  	v13 =	vmul.f32 v13, v6;
	v14 =	vmul.f32 v14, v9;
	v15 =	vadd.f32 v16, v15  }
0x18c: {  	v34 =	vadd.f32 v33, v32  }
0x18d: {  	v13 =	vadd.f32 v14, v13;
	(xrf2) =	vadd.scan.msk.f32 $0xffff, v15  }
0x18e: {  	(xrf2) =	vadd.scan.msk.f32 $0xffff, v34  }
0x18f: {  	s17 =	sadd.s32 $0xFFFFFFED, s13;
	(xrf2) =	vadd.scan.msk.f32 $0xffff, v13  }
0x190: {  	s21 =	sadd.s32 $0xFFFFFFEE, s13;
	v13 =	vmov s17  }
0x191: {  	v14 =	vmov s21;
	s17 =	sadd.s32 $0xFFFFFFEF, s13;
	v13 =	vshrl.u32 v13, $0x3  }
0x192: {  	v14 =	vshrl.u32 v14, $0x3;
	v15 =	vmov s17;
	v13 =	vshll.u32 v13, v3  }
0x193: {  	v14 =	vshll.u32 v14, v3;
	v15 =	vshrl.u32 v15, $0x3;
	v13 =	vadd.s32 $0x3, v13  }
0x194: {  	v14 =	vadd.s32 $0x4, v14;
	v15 =	vshll.u32 v15, v3;
	v13 =	vbroadcast v13, $0x0  }
0x195: {  	v14 =	vbroadcast v14, $0x0;
	v15 =	vadd.s32 $0x5, v15  }
0x196: {  	v15 =	vbroadcast v15, $0x0  }
0x197: {  	v35, _, _ =	vpop (xrf2)  }
0x198: {  	v16 =	vadd.f32 v35, v10;
	v36, _, _ =	vpop (xrf2)  }
0x199: {  	v17 =	vadd.f32 v36, v11;
	v37, _, _ =	vpop (xrf2)  }
0x19a: {  	[tilespmem:v13+s29+$0x0] =	vst.idx.msk vm0, v16;
	v13 =	vadd.f32 v37, v12  }
0x19b: {  	[tilespmem:v14+s29+$0x0] =	vst.idx.msk vm0, v17  }
0x19c: {  	[tilespmem:v15+s29+$0x0] =	vst.idx.msk vm0, v13  }
0x19d: {  	v13 =	vld [tilespmem:s19+$0xFFFFFFC0]  }
0x19e: {  	v14 =	vld [tilespmem:s19+$0xFFFFFFD0]  }
0x19f: {  	v15 =	vld [tilespmem:s15+$0xFFFFFFC0]  }
0x1a0: {  	v16 =	vld [tilespmem:s15+$0xFFFFFFD0]  }
0x1a1: {  	v17 =	vld [tilespmem:s20+$0xFFFFFFE0];
	_ =	sdelay $0x2  }
0x1a2: {  	v38 =	vshll.u32 v13, $0x10;
	v39 =	vshll.u32 v14, $0x10;
	v40 =	vshll.u32 v15, $0x10  }
0x1a3: {  	v41 =	vshll.u32 v16, $0x10;
	v15 =	vadd.f32 v15, v38;
	v13 =	vadd.f32 v40, v13  }
0x1a4: {  	v42 =	vshll.u32 v17, $0x10;
	v16 =	vadd.f32 v16, v39;
	v14 =	vadd.f32 v41, v14  }
0x1a5: {  	v15 =	vadd.f32 v42, v15;
	v13 =	vadd.f32 v42, v13  }
0x1a6: {  	v16 =	vadd.f32 v17, v16;
	v14 =	vadd.f32 v17, v14  }
0x1a7: {  	v15 =	vmax.f32 v15, $0.0e+00  }
0x1a8: {  	v13 =	vmax.f32 v13, $0.0e+00;
	v16 =	vmax.f32 v16, $0.0e+00;
	v14 =	vmax.f32 v14, $0.0e+00  }
0x1a9: {  	v13 =	vadd.f32 v13, v15;
	v14 =	vadd.f32 v14, v16;
	_ =	sdelay $0x1  }
0x1aa: {  	v15 =	vmul.f32 v13, v4;
	v16 =	vmul.f32 v14, v7  }
0x1ab: {  	v43 =	vmul.f32 v13, v5;
	v44 =	vmul.f32 v14, v8  }
0x1ac: {  	v13 =	vmul.f32 v13, v6;
	v14 =	vmul.f32 v14, v9;
	v15 =	vadd.f32 v16, v15  }
0x1ad: {  	v45 =	vadd.f32 v44, v43  }
0x1ae: {  	v13 =	vadd.f32 v14, v13;
	(xrf2) =	vadd.scan.msk.f32 $0xffff, v15  }
0x1af: {  	(xrf2) =	vadd.scan.msk.f32 $0xffff, v45  }
0x1b0: {  	s21 =	sadd.s32 $0xFFFFFFF0, s13;
	(xrf2) =	vadd.scan.msk.f32 $0xffff, v13  }
0x1b1: {  	v13 =	vmov s21  }
0x1b2: {  	v13 =	vshrl.u32 v13, $0x3  }
0x1b3: {  	s17 =	sadd.s32 $0xFFFFFFF2, s13;
	v13 =	vshll.u32 v13, v3  }
0x1b4: {  	v15 =	vmov s17;
	v14 =	vadd.s32 $0x6, v13  }
0x1b5: {  	v15 =	vshrl.u32 v15, $0x3;
	v13 =	vadd.s32 $0x7, v13;
	v14 =	vbroadcast v14, $0x0  }
0x1b6: {  	v15 =	vshll.u32 v15, v3;
	v13 =	vbroadcast v13, $0x0  }
0x1b7: {  	v15 =	vbroadcast v15, $0x0  }
0x1b8: {  	v46, _, _ =	vpop (xrf2)  }
0x1b9: {  	v16 =	vadd.f32 v46, v10;
	v47, _, _ =	vpop (xrf2)  }
0x1ba: {  	v17 =	vadd.f32 v47, v11;
	v48, _, _ =	vpop (xrf2)  }
0x1bb: {  	[tilespmem:v14+s29+$0x0] =	vst.idx.msk vm0, v16;
	v14 =	vadd.f32 v48, v12  }
0x1bc: {  	[tilespmem:v13+s29+$0x0] =	vst.idx.msk vm0, v17  }
0x1bd: {  	[tilespmem:v15+s29+$0x0] =	vst.idx.msk vm0, v14  }
0x1be: {  	v13 =	vld [tilespmem:s19+$0xFFFFFFE0]  }
0x1bf: {  	v14 =	vld [tilespmem:s19+$0xFFFFFFF0]  }
0x1c0: {  	v15 =	vld [tilespmem:s15+$0xFFFFFFE0]  }
0x1c1: {  	v16 =	vld [tilespmem:s15+$0xFFFFFFF0]  }
0x1c2: {  	v17 =	vld [tilespmem:s20+$0xFFFFFFF0];
	_ =	sdelay $0x2  }
0x1c3: {  	v49 =	vshll.u32 v13, $0x10;
	v50 =	vshll.u32 v14, $0x10;
	v51 =	vshll.u32 v15, $0x10  }
0x1c4: {  	v52 =	vshll.u32 v16, $0x10;
	v15 =	vadd.f32 v15, v49;
	v13 =	vadd.f32 v51, v13  }
0x1c5: {  	v53 =	vshll.u32 v17, $0x10;
	v16 =	vadd.f32 v16, v50;
	v14 =	vadd.f32 v52, v14  }
0x1c6: {  	v15 =	vadd.f32 v53, v15;
	v13 =	vadd.f32 v53, v13  }
0x1c7: {  	v16 =	vadd.f32 v17, v16;
	v14 =	vadd.f32 v17, v14  }
0x1c8: {  	v15 =	vmax.f32 v15, $0.0e+00  }
0x1c9: {  	v13 =	vmax.f32 v13, $0.0e+00;
	v16 =	vmax.f32 v16, $0.0e+00;
	v14 =	vmax.f32 v14, $0.0e+00  }
0x1ca: {  	v13 =	vadd.f32 v13, v15;
	v14 =	vadd.f32 v14, v16;
	_ =	sdelay $0x1  }
0x1cb: {  	v15 =	vmul.f32 v13, v4;
	v16 =	vmul.f32 v14, v7  }
0x1cc: {  	v54 =	vmul.f32 v13, v5;
	v55 =	vmul.f32 v14, v8  }
0x1cd: {  	v13 =	vmul.f32 v13, v6;
	v14 =	vmul.f32 v14, v9;
	v15 =	vadd.f32 v16, v15  }
0x1ce: {  	v56 =	vadd.f32 v55, v54  }
0x1cf: {  	v13 =	vadd.f32 v14, v13;
	(xrf2) =	vadd.scan.msk.f32 $0xffff, v15  }
0x1d0: {  	(xrf2) =	vadd.scan.msk.f32 $0xffff, v56  }
0x1d1: {  	s21 =	sadd.s32 $0xFFFFFFF3, s13;
	(xrf2) =	vadd.scan.msk.f32 $0xffff, v13  }
0x1d2: {  	s17 =	sadd.s32 $0xFFFFFFF4, s13;
	v13 =	vmov s21  }
0x1d3: {  	v14 =	vmov s17;
	v13 =	vshrl.u32 v13, $0x3  }
0x1d4: {  	v14 =	vshrl.u32 v14, $0x3;
	v13 =	vshll.u32 v13, v3  }
0x1d5: {  	v14 =	vshll.u32 v14, v3;
	v15 =	vadd.s32 $0x1, v13  }
0x1d6: {  	v14 =	vadd.s32 $0x2, v14;
	v15 =	vbroadcast v15, $0x0  }
0x1d7: {  	v14 =	vbroadcast v14, $0x0;
	v13 =	vadd.s32 $0x3, v13  }
0x1d8: {  	v13 =	vbroadcast v13, $0x0  }
0x1d9: {  	v57, _, _ =	vpop (xrf2)  }
0x1da: {  	v16 =	vadd.f32 v57, v10;
	v58, _, _ =	vpop (xrf2)  }
0x1db: {  	v17 =	vadd.f32 v58, v11;
	v59, _, _ =	vpop (xrf2)  }
0x1dc: {  	[tilespmem:v15+s29+$0x0] =	vst.idx.msk vm0, v16;
	v15 =	vadd.f32 v59, v12  }
0x1dd: {  	[tilespmem:v14+s29+$0x0] =	vst.idx.msk vm0, v17  }
0x1de: {  	[tilespmem:v13+s29+$0x0] =	vst.idx.msk vm0, v15  }
0x1df: {  	v13 =	vld [tilespmem:s19+$0x0]  }
0x1e0: {  	v14 =	vld [tilespmem:s19+$0x10]  }
0x1e1: {  	v15 =	vld [tilespmem:s15+$0x0]  }
0x1e2: {  	v16 =	vld [tilespmem:s15+$0x10]  }
0x1e3: {  	v17 =	vld [tilespmem:s20+$0x0];
	_ =	sdelay $0x2  }
0x1e4: {  	v60 =	vshll.u32 v13, $0x10;
	v61 =	vshll.u32 v14, $0x10;
	v62 =	vshll.u32 v15, $0x10  }
0x1e5: {  	v63 =	vshll.u32 v16, $0x10;
	v15 =	vadd.f32 v15, v60;
	v13 =	vadd.f32 v62, v13  }
0x1e6: {  	v24 =	vshll.u32 v17, $0x10;
	v16 =	vadd.f32 v16, v61;
	v14 =	vadd.f32 v63, v14  }
0x1e7: {  	v15 =	vadd.f32 v24, v15;
	v13 =	vadd.f32 v24, v13  }
0x1e8: {  	v16 =	vadd.f32 v17, v16;
	v14 =	vadd.f32 v17, v14  }
0x1e9: {  	v15 =	vmax.f32 v15, $0.0e+00  }
0x1ea: {  	v13 =	vmax.f32 v13, $0.0e+00;
	v16 =	vmax.f32 v16, $0.0e+00;
	v14 =	vmax.f32 v14, $0.0e+00  }
0x1eb: {  	v13 =	vadd.f32 v13, v15;
	v14 =	vadd.f32 v14, v16;
	_ =	sdelay $0x1  }
0x1ec: {  	v15 =	vmul.f32 v13, v4;
	v16 =	vmul.f32 v14, v7  }
0x1ed: {  	v25 =	vmul.f32 v13, v5;
	v26 =	vmul.f32 v14, v8  }
0x1ee: {  	v13 =	vmul.f32 v13, v6;
	v14 =	vmul.f32 v14, v9;
	v15 =	vadd.f32 v16, v15  }
0x1ef: {  	v27 =	vadd.f32 v26, v25  }
0x1f0: {  	v13 =	vadd.f32 v14, v13;
	(xrf2) =	vadd.scan.msk.f32 $0xffff, v15  }
0x1f1: {  	(xrf2) =	vadd.scan.msk.f32 $0xffff, v27  }
0x1f2: {  	s21 =	sadd.s32 $0xFFFFFFF6, s13;
	(xrf2) =	vadd.scan.msk.f32 $0xffff, v13  }
0x1f3: {  	v13 =	vmov s21  }
0x1f4: {  	v13 =	vshrl.u32 v13, $0x3  }
0x1f5: {  	v13 =	vshll.u32 v13, v3  }
0x1f6: {  	v14 =	vadd.s32 $0x4, v13  }
0x1f7: {  	v15 =	vadd.s32 $0x5, v13;
	v14 =	vbroadcast v14, $0x0  }
0x1f8: {  	v13 =	vadd.s32 $0x6, v13;
	v15 =	vbroadcast v15, $0x0  }
0x1f9: {  	v13 =	vbroadcast v13, $0x0  }
0x1fa: {  	v28, _, _ =	vpop (xrf2)  }
0x1fb: {  	v16 =	vadd.f32 v28, v10;
	v29, _, _ =	vpop (xrf2)  }
0x1fc: {  	v17 =	vadd.f32 v29, v11;
	v30, _, _ =	vpop (xrf2)  }
0x1fd: {  	[tilespmem:v14+s29+$0x0] =	vst.idx.msk vm0, v16;
	v14 =	vadd.f32 v30, v12  }
0x1fe: {  	[tilespmem:v15+s29+$0x0] =	vst.idx.msk vm0, v17  }
0x1ff: {  	[tilespmem:v13+s29+$0x0] =	vst.idx.msk vm0, v14  }
0x200: {  	v13 =	vld [tilespmem:s19+$0x20]  }
0x201: {  	v14 =	vld [tilespmem:s19+$0x30]  }
0x202: {  	v15 =	vld [tilespmem:s15+$0x20]  }
0x203: {  	v16 =	vld [tilespmem:s15+$0x30]  }
0x204: {  	v17 =	vld [tilespmem:s20+$0x10];
	_ =	sdelay $0x2  }
0x205: {  	v31 =	vshll.u32 v13, $0x10;
	v32 =	vshll.u32 v14, $0x10;
	v33 =	vshll.u32 v15, $0x10  }
0x206: {  	v34 =	vshll.u32 v16, $0x10;
	v15 =	vadd.f32 v15, v31;
	v13 =	vadd.f32 v33, v13  }
0x207: {  	v35 =	vshll.u32 v17, $0x10;
	v16 =	vadd.f32 v16, v32;
	v14 =	vadd.f32 v34, v14  }
0x208: {  	v15 =	vadd.f32 v35, v15;
	v13 =	vadd.f32 v35, v13  }
0x209: {  	v16 =	vadd.f32 v17, v16;
	v14 =	vadd.f32 v17, v14  }
0x20a: {  	v15 =	vmax.f32 v15, $0.0e+00  }
0x20b: {  	v13 =	vmax.f32 v13, $0.0e+00;
	v16 =	vmax.f32 v16, $0.0e+00;
	v14 =	vmax.f32 v14, $0.0e+00  }
0x20c: {  	v13 =	vadd.f32 v13, v15;
	v14 =	vadd.f32 v14, v16;
	_ =	sdelay $0x1  }
0x20d: {  	v15 =	vmul.f32 v13, v4;
	v16 =	vmul.f32 v14, v7  }
0x20e: {  	v36 =	vmul.f32 v13, v5;
	v37 =	vmul.f32 v14, v8  }
0x20f: {  	v13 =	vmul.f32 v13, v6;
	v14 =	vmul.f32 v14, v9;
	v15 =	vadd.f32 v16, v15  }
0x210: {  	v38 =	vadd.f32 v37, v36  }
0x211: {  	v13 =	vadd.f32 v14, v13;
	(xrf2) =	vadd.scan.msk.f32 $0xffff, v15  }
0x212: {  	(xrf2) =	vadd.scan.msk.f32 $0xffff, v38  }
0x213: {  	s17 =	sadd.s32 $0xFFFFFFF9, s13;
	(xrf2) =	vadd.scan.msk.f32 $0xffff, v13  }
0x214: {  	v13 =	vmov s17  }
0x215: {  	s21 =	sadd.s32 $0xFFFFFFFA, s13;
	s17 =	sadd.s32 $0xFFFFFFFB, s13;
	v13 =	vshrl.u32 v13, $0x3  }
0x216: {  	v14 =	vmov s21;
	v15 =	vmov s17;
	v13 =	vshll.u32 v13, v3  }
0x217: {  	v14 =	vshrl.u32 v14, $0x3;
	v15 =	vshrl.u32 v15, $0x3;
	v13 =	vadd.s32 $0x7, v13  }
0x218: {  	v14 =	vshll.u32 v14, v3;
	v15 =	vshll.u32 v15, v3;
	v13 =	vbroadcast v13, $0x0  }
0x219: {  	v14 =	vbroadcast v14, $0x0;
	v15 =	vadd.s32 $0x1, v15  }
0x21a: {  	v15 =	vbroadcast v15, $0x0  }
0x21b: {  	v39, _, _ =	vpop (xrf2)  }
0x21c: {  	v16 =	vadd.f32 v39, v10;
	v40, _, _ =	vpop (xrf2)  }
0x21d: {  	v17 =	vadd.f32 v40, v11;
	v41, _, _ =	vpop (xrf2)  }
0x21e: {  	[tilespmem:v13+s29+$0x0] =	vst.idx.msk vm0, v16;
	v13 =	vadd.f32 v41, v12  }
0x21f: {  	[tilespmem:v14+s29+$0x0] =	vst.idx.msk vm0, v17  }
0x220: {  	[tilespmem:v15+s29+$0x0] =	vst.idx.msk vm0, v13  }
0x221: {  	v13 =	vld [tilespmem:s19+$0x40]  }
0x222: {  	v14 =	vld [tilespmem:s19+$0x50]  }
0x223: {  	v15 =	vld [tilespmem:s15+$0x40]  }
0x224: {  	v16 =	vld [tilespmem:s15+$0x50]  }
0x225: {  	v17 =	vld [tilespmem:s20+$0x20];
	_ =	sdelay $0x2  }
0x226: {  	v42 =	vshll.u32 v13, $0x10;
	v43 =	vshll.u32 v14, $0x10;
	v44 =	vshll.u32 v15, $0x10  }
0x227: {  	v45 =	vshll.u32 v16, $0x10;
	v15 =	vadd.f32 v15, v42;
	v13 =	vadd.f32 v44, v13  }
0x228: {  	v46 =	vshll.u32 v17, $0x10;
	v16 =	vadd.f32 v16, v43;
	v14 =	vadd.f32 v45, v14  }
0x229: {  	v15 =	vadd.f32 v46, v15;
	v13 =	vadd.f32 v46, v13  }
0x22a: {  	v16 =	vadd.f32 v17, v16;
	v14 =	vadd.f32 v17, v14  }
0x22b: {  	v15 =	vmax.f32 v15, $0.0e+00  }
0x22c: {  	v13 =	vmax.f32 v13, $0.0e+00;
	v16 =	vmax.f32 v16, $0.0e+00;
	v14 =	vmax.f32 v14, $0.0e+00  }
0x22d: {  	v13 =	vadd.f32 v13, v15;
	v14 =	vadd.f32 v14, v16;
	_ =	sdelay $0x1  }
0x22e: {  	v15 =	vmul.f32 v13, v4;
	v16 =	vmul.f32 v14, v7  }
0x22f: {  	v47 =	vmul.f32 v13, v5;
	v48 =	vmul.f32 v14, v8  }
0x230: {  	v13 =	vmul.f32 v13, v6;
	v14 =	vmul.f32 v14, v9;
	v15 =	vadd.f32 v16, v15  }
0x231: {  	v49 =	vadd.f32 v48, v47  }
0x232: {  	v13 =	vadd.f32 v14, v13;
	(xrf2) =	vadd.scan.msk.f32 $0xffff, v15  }
0x233: {  	(xrf2) =	vadd.scan.msk.f32 $0xffff, v49  }
0x234: {  	s21 =	sadd.s32 $0xFFFFFFFC, s13;
	(xrf2) =	vadd.scan.msk.f32 $0xffff, v13  }
0x235: {  	v13 =	vmov s21  }
0x236: {  	s17 =	sadd.s32 $0xFFFFFFFE, s13;
	v13 =	vshrl.u32 v13, $0x3  }
0x237: {  	v14 =	vmov s17;
	v13 =	vshll.u32 v13, v3  }
0x238: {  	v14 =	vshrl.u32 v14, $0x3;
	v15 =	vadd.s32 $0x2, v13  }
0x239: {  	v14 =	vshll.u32 v14, v3;
	v13 =	vadd.s32 $0x3, v13;
	v15 =	vbroadcast v15, $0x0  }
0x23a: {  	v14 =	vadd.s32 $0x4, v14;
	v13 =	vbroadcast v13, $0x0  }
0x23b: {  	v14 =	vbroadcast v14, $0x0  }
0x23c: {  	v50, _, _ =	vpop (xrf2)  }
0x23d: {  	v16 =	vadd.f32 v50, v10;
	v51, _, _ =	vpop (xrf2)  }
0x23e: {  	v17 =	vadd.f32 v51, v11;
	v52, _, _ =	vpop (xrf2)  }
0x23f: {  	[tilespmem:v15+s29+$0x0] =	vst.idx.msk vm0, v16;
	v15 =	vadd.f32 v52, v12  }
0x240: {  	[tilespmem:v13+s29+$0x0] =	vst.idx.msk vm0, v17  }
0x241: {  	[tilespmem:v14+s29+$0x0] =	vst.idx.msk vm0, v15  }
0x242: {  	v13 =	vld [tilespmem:s19+$0x60]  }
0x243: {  	v14 =	vld [tilespmem:s19+$0x70]  }
0x244: {  	v15 =	vld [tilespmem:s15+$0x60]  }
0x245: {  	v16 =	vld [tilespmem:s15+$0x70]  }
0x246: {  	v17 =	vld [tilespmem:s20+$0x30];
	_ =	sdelay $0x2  }
0x247: {  	v53 =	vshll.u32 v13, $0x10;
	v54 =	vshll.u32 v14, $0x10;
	v55 =	vshll.u32 v15, $0x10  }
0x248: {  	v56 =	vshll.u32 v16, $0x10;
	v15 =	vadd.f32 v15, v53;
	v13 =	vadd.f32 v55, v13  }
0x249: {  	v57 =	vshll.u32 v17, $0x10;
	v16 =	vadd.f32 v16, v54;
	v14 =	vadd.f32 v56, v14  }
0x24a: {  	v15 =	vadd.f32 v57, v15;
	v13 =	vadd.f32 v57, v13  }
0x24b: {  	v16 =	vadd.f32 v17, v16;
	v14 =	vadd.f32 v17, v14  }
0x24c: {  	v15 =	vmax.f32 v15, $0.0e+00  }
0x24d: {  	v13 =	vmax.f32 v13, $0.0e+00;
	v16 =	vmax.f32 v16, $0.0e+00;
	v14 =	vmax.f32 v14, $0.0e+00  }
0x24e: {  	v13 =	vadd.f32 v13, v15;
	v14 =	vadd.f32 v14, v16;
	_ =	sdelay $0x1  }
0x24f: {  	v15 =	vmul.f32 v13, v4;
	v16 =	vmul.f32 v14, v7  }
0x250: {  	v58 =	vmul.f32 v13, v5;
	v59 =	vmul.f32 v14, v8  }
0x251: {  	v13 =	vmul.f32 v13, v6;
	v14 =	vmul.f32 v14, v9;
	v15 =	vadd.f32 v16, v15  }
0x252: {  	v60 =	vadd.f32 v59, v58  }
0x253: {  	v13 =	vadd.f32 v14, v13;
	(xrf2) =	vadd.scan.msk.f32 $0xffff, v15  }
0x254: {  	(xrf2) =	vadd.scan.msk.f32 $0xffff, v60  }
0x255: {  	s21 =	sadd.s32 $0xFFFFFFFF, s13;
	(xrf2) =	vadd.scan.msk.f32 $0xffff, v13  }
0x256: {  	v13 =	vmov s21  }
0x257: {  	v14 =	vmov s13;
	v13 =	vshrl.u32 v13, $0x3  }
0x258: {  	v14 =	vshrl.u32 v14, $0x3;
	v13 =	vshll.u32 v13, v3  }
0x259: {  	v14 =	vshll.u32 v14, v3;
	v15 =	vadd.s32 $0x5, v13  }
0x25a: {  	v14 =	vadd.s32 $0x6, v14;
	v15 =	vbroadcast v15, $0x0  }
0x25b: {  	v14 =	vbroadcast v14, $0x0;
	v13 =	vadd.s32 $0x7, v13  }
0x25c: {  	s0 =	sadd.s32 $0x8, s0;
	v13 =	vbroadcast v13, $0x0  }
0x25d: {  	p0 =	slt.u32 s0, $0x138;
	v61, _, _ =	vpop (xrf2)  }
.Ltmp1:
0x25e: {  	v62, _, _ =	vpop (xrf2);
	v16 =	vadd.f32 v61, v10;
	(pc) =	sbr.rel @p0 .LBB2_5-.Ltmp1, $4  }
0x25f: {  	v17 =	vadd.f32 v62, v11;
	v63, _, _ =	vpop (xrf2)  }
0x260: {  	[tilespmem:v15+s29+$0x0] =	vst.idx.msk vm0, v16;
	v15 =	vadd.f32 v63, v12  }
0x261: {  	s15 =	sadd.s32 $0x100, s15;
	[tilespmem:v14+s29+$0x0] =	vst.idx.msk vm0, v17  }
0x262: {  	s19 =	sadd.s32 $0x100, s19;
	s20 =	sadd.s32 $0x80, s20;
	s13 =	sadd.s32 $0x18, s13;
	[tilespmem:v13+s29+$0x0] =	vst.idx.msk vm0, v15  }
0x263: {  	s0 =	sadd.s32 s4, s1  }
0x264: {  	s0 =	smul.u32 $0x3, s0  }
0x265: {  	s31 =	sadd.s32 $0x1, s31  }
0x266: {  	p0 =	sne.s32 s31, $0xA;
	s0 =	sshrl.u32 s0, $0x3  }
.Ltmp2:
0x267: {  	s0 =	sadd.s32 s2, s0;
	(pc) =	sbr.rel @p0 .LBB2_2-.Ltmp2, $4  }
0x268: {  	[hbm4b:s0+s3] =	stream.linear.scatter [tilespmem:s29], [sflag:$0x3], $0x3C0, $0x38;
	[tilespmem:$0x11AF0] =	vst v63  }
0x269: {  	_ =	swait.ge [sflag:s14], $0x3C0  }
0x26a: {  	[sflag:s14] =	ssyncset.done $0x0  }
0x26b: {  	[sflag:s14] =	ssyncadd.s32 $0xFFFFFC40  }
0x26c: {  	s30 =	sadd.s32 $0x1, s30  }
0x26d: {  	p0 =	sne.s32 s30, s12  }
.Ltmp3:
0x26e: {  	_ = 	snop;
	(pc) =	sbr.rel @p0 .LBB2_1-.Ltmp3, $1  }
0x26f: {  	_ =	sdelay $0x3  }
0x270: {  	_ =	sfence.sel $0x180000  }
0x271: {  	[bflag:$0x0] =	sbarrier.arrive $0xFFFF  }
0x272: {  	_ =	strace $0x90000047  }
0x273: {  	s0 =	stileid.u32;
	[bflag:$0x2] =	sbarrier.arrive $0xFFFF  }
0x274: {  	p0 =	sne.s32 s0, $0x0;
	s0 =	rddreg [dreg:$0x2]  }
0x275: {  	s0 =	sadd.s32 @!p0 $0x100000, s0  }
0x276: {  	[sflag:s0] =	ssyncadd.tile.s32 @!p0 $0x1;
	_ =	shalt  }
.Lfunc_end2:
_tile_overlayer_lowered:
.L_overlay_start_2:
0x277: {  	(tag) =	ssettag $0x2  }
0x278: {  	s0 =	rddreg [dreg:$0x0];
	s2 =	stileid.u32  }
0x279: {  	s1 =	rddreg [dreg:$0x1];
	p0 =	sne.s32 s2, $0x0  }
0x27a: {  	s3 =	rddreg [dreg:$0x2];
	[bflag:$0x3] =	sbarrier.arrive $0xFFFF;
	s2 =	simm.s32 @!p0 $0x1C03  }
0x27b: {  	[timem:s3], [sflag:s2] =	dma.local @!p0 [hbm:s0], s1  }
0x27c: {  	s0 =	simm.s32 @!p0 $0x3  }
0x27d: {  	_ =	swait.ge @!p0 [sflag:s0], s1  }
0x27e: {  	s1 =	ssub.s32 @!p0 $0x0, s1;
	[sflag:s0] =	ssyncset.done @!p0 $0x0  }
0x27f: {  	[sflag:s0] =	ssyncadd.s32 @!p0 s1  }
0x280: {  	[bflag:$0x3] =	sbarrier.arrive $0xFFFF  }
0x281: {  	_ =	shalt  }

</sc_bundles>
